<compile_context>
chip_gen: v7x
topology: tpu7x:2x2x1
jax: 0.10.2.dev20260603
libtpu: 0.0.44.dev20260713+nightly
codegen_flags: <defaults>
</compile_context>

<pallas_src>
import functools

import jax
import jax.numpy as jnp
from jax import lax
from jax.experimental import pallas as pl
from jax.experimental.pallas import tpu as pltpu
from jax.experimental.pallas import tpu_sc as plsc

B, N, D = 64, 576, 768
K = 288
BB = 8
SPLITS = (16, 16, 32)

NW = 32


def _chunks_for(rows_per_w):
    out = [16]
    left = rows_per_w - 16
    while left > 64:
        out.append(64)
        left -= 64
    out.append(left)
    return tuple(out)


def _total_order_key(v):
    bits = lax.bitcast_convert_type(v, jnp.int32)
    return bits ^ ((bits >> 31) & jnp.int32(0x7FFFFFFF))


def _make_rank_body(row_off):
    def _rank_body(noise_ref, noise_t_ref, idx_ref):
        kb = _total_order_key(noise_ref[...])
        kt = _total_order_key(noise_t_ref[0])
        ii = lax.broadcasted_iota(jnp.int32, (N, 1), 0)
        jj = lax.broadcasted_iota(jnp.int32, (1, N), 1)
        rr = lax.broadcasted_iota(jnp.int32, (1, K), 1)
        pieces = []
        for b in range(BB):
            ki = kt[:, b:b + 1]
            kj = kb[b:b + 1, :]
            beats = (kj > ki) | ((kj == ki) & (jj < ii))
            rank = jnp.sum(beats.astype(jnp.int32), axis=1, keepdims=True)
            sel = (rank == rr).astype(jnp.int32)
            idxv = jnp.sum(sel * ii, axis=0, keepdims=True)
            row = row_off + pl.program_id(0) * BB + b
            pieces.append(idxv + row * N)
        idx_ref[0, 0, :] = jnp.concatenate(pieces, axis=1).reshape(BB * K)
    return _rank_body


def _topk_flat_indices(noise, noise_t_all, row_off, bh):
    g0 = row_off // BB
    return pl.pallas_call(
        _make_rank_body(row_off),
        grid=(bh // BB,),
        in_specs=[
            pl.BlockSpec((BB, N), lambda i: (g0 + i, 0)),
            pl.BlockSpec((1, N, BB), lambda i: (g0 + i, 0, 0)),
        ],
        out_specs=pl.BlockSpec((1, 1, BB * K), lambda i: (i, 0, 0)),
        out_shape=jax.ShapeDtypeStruct((bh // BB, 1, BB * K), jnp.int32),
    )(noise, noise_t_all)


def _scratch_types(rows_per_w):
    return [
        pltpu.VMEM((rows_per_w,), jnp.int32),
        pltpu.VMEM((64, D), jnp.float32),
        pltpu.VMEM((64, D), jnp.float32),
        pltpu.SemaphoreType.DMA,
        pltpu.SemaphoreType.DMA,
    ]


def _gather_worker(x_hbm, idx_hbm, out_hbm, idx_v, buf0, buf1, sem0, sem1,
                   out_off, rows_per_w):
    chunks = _chunks_for(rows_per_w)
    wid = lax.axis_index("s") * 2 + lax.axis_index("c")
    base = wid * rows_per_w
    pltpu.sync_copy(idx_hbm.at[pl.ds(base, rows_per_w)], idx_v)
    bufs = (buf0, buf1)
    sems = (sem0, sem1)
    offs = [0]
    for c in chunks:
        offs.append(offs[-1] + c)
    nch = len(chunks)
    copies = [None] * nch
    copies[0] = pltpu.async_copy(
        x_hbm.at[idx_v.at[pl.ds(0, chunks[0])]],
        bufs[0].at[pl.ds(0, chunks[0])], sems[0])
    for c in range(nch):
        if c + 1 < nch:
            copies[c + 1] = pltpu.async_copy(
                x_hbm.at[idx_v.at[pl.ds(offs[c + 1], chunks[c + 1])]],
                bufs[(c + 1) % 2].at[pl.ds(0, chunks[c + 1])],
                sems[(c + 1) % 2])
        copies[c].wait()
        pltpu.sync_copy(
            bufs[c % 2].at[pl.ds(0, chunks[c])],
            out_hbm.at[pl.ds(out_off + base + offs[c], chunks[c])])


def _sc_gather_first(x_flat, idx_flat, bh):
    rows_per_w = (bh * K) // NW
    mesh = plsc.VectorSubcoreMesh(core_axis_name="c", subcore_axis_name="s")

    @functools.partial(
        pl.kernel, mesh=mesh,
        out_type=jax.ShapeDtypeStruct((B * K, D), jnp.float32),
        scratch_types=_scratch_types(rows_per_w),
    )
    def gather_kernel(x_hbm, idx_hbm, out_hbm, *scr):
        _gather_worker(x_hbm, idx_hbm, out_hbm, *scr,
                       out_off=0, rows_per_w=rows_per_w)

    return gather_kernel(x_flat, idx_flat)


def _sc_gather_into(x_flat, idx_flat, out_ref, out_off, bh):
    rows_per_w = (bh * K) // NW
    mesh = plsc.VectorSubcoreMesh(core_axis_name="c", subcore_axis_name="s")

    @functools.partial(
        pl.kernel, mesh=mesh,
        scratch_types=_scratch_types(rows_per_w),
    )
    def gather_kernel(x_hbm, idx_hbm, out_hbm, *scr):
        _gather_worker(x_hbm, idx_hbm, out_hbm, *scr,
                       out_off=out_off, rows_per_w=rows_per_w)

    gather_kernel(x_flat, idx_flat, out_ref)


@jax.jit
def kernel(x, noise):
    x_flat = x.reshape(B * N, D)
    noise_t_all = noise.reshape(B // BB, BB, N).transpose(0, 2, 1)
    row0 = 0
    idxs = []
    for bh in SPLITS:
        idxs.append(_topk_flat_indices(noise, noise_t_all, row0, bh))
        row0 += bh
    out = _sc_gather_first(x_flat, idxs[0].reshape(SPLITS[0] * K), SPLITS[0])
    out_ref = jax.new_ref(out)
    row0 = SPLITS[0]
    for s, bh in enumerate(SPLITS[1:], start=1):
        _sc_gather_into(x_flat, idxs[s].reshape(bh * K), out_ref,
                        row0 * K, bh)
        row0 += bh
    return out_ref[...].reshape(B, K, D)

# --- scband reference (transcript-rebuilt; emitter-appended) ---
"""Pipeline reference for scband-patch-dropout-13494787244709 (READ-ONLY COPY).

The authoritative reference and input builder live on the scoring server;
editing this copy changes nothing except your own understanding.
"""

import jax, jax.numpy as jnp
import numpy as np

PROB = 0.5

def setup_inputs(seed: int = 0) -> dict:
    key = jax.random.key(seed)
    k1, k2 = jax.random.split(key)
    x = jax.random.normal(k1, (64, 576, 768), dtype=jnp.float32)
    # noise plays the role of the module's internal torch.randn(b, n) scores;
    # materialized here so the computation is deterministic.
    noise = jax.random.normal(k2, (64, 576), dtype=jnp.float32)
    return {"x": x, "noise": noise}

def reference(x, noise):
    b, n, d = x.shape
    num_patches_keep = max(1, int(n * (1.0 - PROB)))
    # topk over random scores per batch row -> indices of patches to keep
    _, patch_indices_keep = jax.lax.top_k(noise, num_patches_keep)  # [b, k]
    # gather: x[batch_indices, patch_indices_keep]
    out = jnp.take_along_axis(x, patch_indices_keep[:, :, None], axis=1)  # [b, k, d]
    return out

if __name__ == "__main__":
    import jax
    _d = setup_inputs()
    print(jax.jit(kernel)(*tuple(_d.values())))

</pallas_src>

<mosaic_0001>
#map = affine_map<(d0, d1) -> (0, 0)>
#map1 = affine_map<(d0, d1) -> (0)>
module attributes {stable_mosaic.version = 14 : i64} {
  func.func @gather_kernel(%arg0: i32, %arg1: i32, %arg2: memref<36864x768xf32, #tpu.memory_space<hbm>>, %arg3: memref<4608xi32, #tpu.memory_space<hbm>>, %arg4: memref<18432x768xf32, #tpu.memory_space<hbm>>, %arg5: memref<144xi32, #tpu.memory_space<vmem>>, %arg6: memref<64x768xf32, #tpu.memory_space<vmem>>, %arg7: memref<64x768xf32, #tpu.memory_space<vmem>>, %arg8: memref<!tpu.dma_semaphore, #tpu.memory_space<semaphore_mem>>, %arg9: memref<!tpu.dma_semaphore, #tpu.memory_space<semaphore_mem>>) attributes {dimension_semantics = [#tpu.dimension_semantics<core_parallel>, #tpu.dimension_semantics<subcore_parallel>], iteration_bounds = array<i64: 2, 16>, scalar_prefetch = 0 : i64, scratch_operands = 5 : i64, tpu.core_type = #tpu.core_type<sc_vector_subcore>, window_params = [{transform_indices = #map}, {transform_indices = #map1}, {transform_indices = #map}]} {
    %mul3A = arith.constant 2 : i32
    %mul3A_0 = arith.muli %arg1, %mul3A : i32
    %add3A = arith.addi %mul3A_0, %arg0 : i32
    %mul3A_1 = arith.constant 144 : i32
    %mul3A_2 = arith.muli %add3A, %mul3A_1 : i32
    "tpu.region"() ({
      %run_scoped3A = tpu.sem_alloc : memref<!tpu.dma_semaphore, #tpu.memory_space<semaphore_mem>>
      %dma_start3A_61 = tpu.memref_slice %arg3[%mul3A_2] : memref<4608xi32, #tpu.memory_space<hbm>> -> memref<144xi32, #tpu.memory_space<hbm>>
      %dma_start3A_62 = tpu.memref_slice %arg3[%mul3A_2] : memref<4608xi32, #tpu.memory_space<hbm>> -> memref<144xi32, #tpu.memory_space<hbm>>
      tpu.enqueue_dma source(%dma_start3A_62 : memref<144xi32, #tpu.memory_space<hbm>>) target(%arg5 : memref<144xi32, #tpu.memory_space<vmem>>) target_semaphore(%run_scoped3A : memref<!tpu.dma_semaphore, #tpu.memory_space<semaphore_mem>>)
      %dma_wait3A_63 = tpu.memref_slice %arg3[%mul3A_2] : memref<4608xi32, #tpu.memory_space<hbm>> -> memref<144xi32, #tpu.memory_space<hbm>>
      %dma_wait3A_64 = tpu.memref_slice %arg3[%mul3A_2] : memref<4608xi32, #tpu.memory_space<hbm>> -> memref<144xi32, #tpu.memory_space<hbm>>
      tpu.wait_dma2 semaphore(%run_scoped3A : memref<!tpu.dma_semaphore, #tpu.memory_space<semaphore_mem>>) src(%dma_wait3A_64 : memref<144xi32, #tpu.memory_space<hbm>>) dst(%arg5 : memref<144xi32, #tpu.memory_space<vmem>>)
      tpu.yield
    }) : () -> ()
    %dma_start3A = arith.constant 0 : i32
    %dma_start3A_3 = arith.constant 0 : i32
    %dma_start3A_4 = tpu.memref_slice %arg6[%dma_start3A, %dma_start3A_3] : memref<64x768xf32, #tpu.memory_space<vmem>> -> memref<16x768xf32, #tpu.memory_space<vmem>>
    %dma_start3A_5 = arith.constant 0 : i32
    %dma_start3A_6 = tpu.memref_slice %arg5[%dma_start3A_5] : memref<144xi32, #tpu.memory_space<vmem>> -> memref<16xi32, #tpu.memory_space<vmem>>
    %dma_start3A_7 = arith.constant 0 : i32
    %dma_start3A_8 = arith.constant 0 : i32
    %dma_start3A_9 = tpu.memref_slice %arg2[%dma_start3A_7, %dma_start3A_8] : memref<36864x768xf32, #tpu.memory_space<hbm>> -> memref<36864x768xf32, #tpu.memory_space<hbm>>
    tpu.enqueue_indirect_dma source(%dma_start3A_9 : memref<36864x768xf32, #tpu.memory_space<hbm>>) target(%dma_start3A_4 : memref<16x768xf32, #tpu.memory_space<vmem>>) offsets(%dma_start3A_6 : memref<16xi32, #tpu.memory_space<vmem>>) semaphore(%arg8 : memref<!tpu.dma_semaphore, #tpu.memory_space<semaphore_mem>>)
    %dma_start3A_10 = arith.constant 0 : i32
    %dma_start3A_11 = arith.constant 0 : i32
    %dma_start3A_12 = tpu.memref_slice %arg7[%dma_start3A_10, %dma_start3A_11] : memref<64x768xf32, #tpu.memory_space<vmem>> -> memref<64x768xf32, #tpu.memory_space<vmem>>
    %dma_start3A_13 = arith.constant 16 : i32
    %dma_start3A_14 = tpu.memref_slice %arg5[%dma_start3A_13] : memref<144xi32, #tpu.memory_space<vmem>> -> memref<64xi32, #tpu.memory_space<vmem>>
    %dma_start3A_15 = arith.constant 0 : i32
    %dma_start3A_16 = arith.constant 0 : i32
    %dma_start3A_17 = tpu.memref_slice %arg2[%dma_start3A_15, %dma_start3A_16] : memref<36864x768xf32, #tpu.memory_space<hbm>> -> memref<36864x768xf32, #tpu.memory_space<hbm>>
    tpu.enqueue_indirect_dma source(%dma_start3A_17 : memref<36864x768xf32, #tpu.memory_space<hbm>>) target(%dma_start3A_12 : memref<64x768xf32, #tpu.memory_space<vmem>>) offsets(%dma_start3A_14 : memref<64xi32, #tpu.memory_space<vmem>>) semaphore(%arg9 : memref<!tpu.dma_semaphore, #tpu.memory_space<semaphore_mem>>)
    %dma_wait3A = arith.constant 0 : i32
    %dma_wait3A_18 = arith.constant 0 : i32
    %dma_wait3A_19 = tpu.memref_slice %arg6[%dma_wait3A, %dma_wait3A_18] : memref<64x768xf32, #tpu.memory_space<vmem>> -> memref<16x768xf32, #tpu.memory_space<vmem>>
    %dma_wait3A_20 = arith.constant 0 : i32
    %dma_wait3A_21 = tpu.memref_slice %arg5[%dma_wait3A_20] : memref<144xi32, #tpu.memory_space<vmem>> -> memref<16xi32, #tpu.memory_space<vmem>>
    %dma_wait3A_22 = arith.constant 0 : i32
    %dma_wait3A_23 = arith.constant 0 : i32
    %dma_wait3A_24 = tpu.memref_slice %arg2[%dma_wait3A_22, %dma_wait3A_23] : memref<36864x768xf32, #tpu.memory_space<hbm>> -> memref<36864x768xf32, #tpu.memory_space<hbm>>
    tpu.wait_indirect_dma semaphore(%arg8 : memref<!tpu.dma_semaphore, #tpu.memory_space<semaphore_mem>>) src(%dma_wait3A_24 : memref<36864x768xf32, #tpu.memory_space<hbm>>) dst(%dma_wait3A_19 : memref<16x768xf32, #tpu.memory_space<vmem>>)
    %add3A_25 = arith.constant 0 : i32
    %add3A_26 = arith.addi %add3A_25, %mul3A_2 : i32
    %add3A_27 = arith.constant 0 : i32
    %add3A_28 = arith.addi %add3A_26, %add3A_27 : i32
    "tpu.region"() ({
      %run_scoped3A = tpu.sem_alloc : memref<!tpu.dma_semaphore, #tpu.memory_space<semaphore_mem>>
      %dma_start3A_61 = arith.constant 0 : i32
      %dma_start3A_62 = arith.constant 0 : i32
      %dma_start3A_63 = tpu.memref_slice %arg6[%dma_start3A_61, %dma_start3A_62] : memref<64x768xf32, #tpu.memory_space<vmem>> -> memref<16x768xf32, #tpu.memory_space<vmem>>
      %dma_start3A_64 = arith.constant 0 : i32
      %dma_start3A_65 = tpu.memref_slice %arg4[%add3A_28, %dma_start3A_64] : memref<18432x768xf32, #tpu.memory_space<hbm>> -> memref<16x768xf32, #tpu.memory_space<hbm>>
      %dma_start3A_66 = arith.constant 0 : i32
      %dma_start3A_67 = tpu.memref_slice %arg4[%add3A_28, %dma_start3A_66] : memref<18432x768xf32, #tpu.memory_space<hbm>> -> memref<16x768xf32, #tpu.memory_space<hbm>>
      %dma_start3A_68 = arith.constant 0 : i32
      %dma_start3A_69 = arith.constant 0 : i32
      %dma_start3A_70 = tpu.memref_slice %arg6[%dma_start3A_68, %dma_start3A_69] : memref<64x768xf32, #tpu.memory_space<vmem>> -> memref<16x768xf32, #tpu.memory_space<vmem>>
      tpu.enqueue_dma source(%dma_start3A_70 : memref<16x768xf32, #tpu.memory_space<vmem>>) target(%dma_start3A_67 : memref<16x768xf32, #tpu.memory_space<hbm>>) target_semaphore(%run_scoped3A : memref<!tpu.dma_semaphore, #tpu.memory_space<semaphore_mem>>)
      %dma_wait3A_71 = arith.constant 0 : i32
      %dma_wait3A_72 = arith.constant 0 : i32
      %dma_wait3A_73 = tpu.memref_slice %arg6[%dma_wait3A_71, %dma_wait3A_72] : memref<64x768xf32, #tpu.memory_space<vmem>> -> memref<16x768xf32, #tpu.memory_space<vmem>>
      %dma_wait3A_74 = arith.constant 0 : i32
      %dma_wait3A_75 = tpu.memref_slice %arg4[%add3A_28, %dma_wait3A_74] : memref<18432x768xf32, #tpu.memory_space<hbm>> -> memref<16x768xf32, #tpu.memory_space<hbm>>
      %dma_wait3A_76 = arith.constant 0 : i32
      %dma_wait3A_77 = tpu.memref_slice %arg4[%add3A_28, %dma_wait3A_76] : memref<18432x768xf32, #tpu.memory_space<hbm>> -> memref<16x768xf32, #tpu.memory_space<hbm>>
      %dma_wait3A_78 = arith.constant 0 : i32
      %dma_wait3A_79 = arith.constant 0 : i32
      %dma_wait3A_80 = tpu.memref_slice %arg6[%dma_wait3A_78, %dma_wait3A_79] : memref<64x768xf32, #tpu.memory_space<vmem>> -> memref<16x768xf32, #tpu.memory_space<vmem>>
      tpu.wait_dma2 semaphore(%run_scoped3A : memref<!tpu.dma_semaphore, #tpu.memory_space<semaphore_mem>>) src(%dma_wait3A_80 : memref<16x768xf32, #tpu.memory_space<vmem>>) dst(%dma_wait3A_77 : memref<16x768xf32, #tpu.memory_space<hbm>>)
      tpu.yield
    }) : () -> ()
    %dma_start3A_29 = arith.constant 0 : i32
    %dma_start3A_30 = arith.constant 0 : i32
    %dma_start3A_31 = tpu.memref_slice %arg6[%dma_start3A_29, %dma_start3A_30] : memref<64x768xf32, #tpu.memory_space<vmem>> -> memref<64x768xf32, #tpu.memory_space<vmem>>
    %dma_start3A_32 = arith.constant 80 : i32
    %dma_start3A_33 = tpu.memref_slice %arg5[%dma_start3A_32] : memref<144xi32, #tpu.memory_space<vmem>> -> memref<64xi32, #tpu.memory_space<vmem>>
    %dma_start3A_34 = arith.constant 0 : i32
    %dma_start3A_35 = arith.constant 0 : i32
    %dma_start3A_36 = tpu.memref_slice %arg2[%dma_start3A_34, %dma_start3A_35] : memref<36864x768xf32, #tpu.memory_space<hbm>> -> memref<36864x768xf32, #tpu.memory_space<hbm>>
    tpu.enqueue_indirect_dma source(%dma_start3A_36 : memref<36864x768xf32, #tpu.memory_space<hbm>>) target(%dma_start3A_31 : memref<64x768xf32, #tpu.memory_space<vmem>>) offsets(%dma_start3A_33 : memref<64xi32, #tpu.memory_space<vmem>>) semaphore(%arg8 : memref<!tpu.dma_semaphore, #tpu.memory_space<semaphore_mem>>)
    %dma_wait3A_37 = arith.constant 0 : i32
    %dma_wait3A_38 = arith.constant 0 : i32
    %dma_wait3A_39 = tpu.memref_slice %arg7[%dma_wait3A_37, %dma_wait3A_38] : memref<64x768xf32, #tpu.memory_space<vmem>> -> memref<64x768xf32, #tpu.memory_space<vmem>>
    %dma_wait3A_40 = arith.constant 16 : i32
    %dma_wait3A_41 = tpu.memref_slice %arg5[%dma_wait3A_40] : memref<144xi32, #tpu.memory_space<vmem>> -> memref<64xi32, #tpu.memory_space<vmem>>
    %dma_wait3A_42 = arith.constant 0 : i32
    %dma_wait3A_43 = arith.constant 0 : i32
    %dma_wait3A_44 = tpu.memref_slice %arg2[%dma_wait3A_42, %dma_wait3A_43] : memref<36864x768xf32, #tpu.memory_space<hbm>> -> memref<36864x768xf32, #tpu.memory_space<hbm>>
    tpu.wait_indirect_dma semaphore(%arg9 : memref<!tpu.dma_semaphore, #tpu.memory_space<semaphore_mem>>) src(%dma_wait3A_44 : memref<36864x768xf32, #tpu.memory_space<hbm>>) dst(%dma_wait3A_39 : memref<64x768xf32, #tpu.memory_space<vmem>>)
    %add3A_45 = arith.constant 0 : i32
    %add3A_46 = arith.addi %add3A_45, %mul3A_2 : i32
    %add3A_47 = arith.constant 16 : i32
    %add3A_48 = arith.addi %add3A_46, %add3A_47 : i32
    "tpu.region"() ({
      %run_scoped3A = tpu.sem_alloc : memref<!tpu.dma_semaphore, #tpu.memory_space<semaphore_mem>>
      %dma_start3A_61 = arith.constant 0 : i32
      %dma_start3A_62 = arith.constant 0 : i32
      %dma_start3A_63 = tpu.memref_slice %arg7[%dma_start3A_61, %dma_start3A_62] : memref<64x768xf32, #tpu.memory_space<vmem>> -> memref<64x768xf32, #tpu.memory_space<vmem>>
      %dma_start3A_64 = arith.constant 0 : i32
      %dma_start3A_65 = tpu.memref_slice %arg4[%add3A_48, %dma_start3A_64] : memref<18432x768xf32, #tpu.memory_space<hbm>> -> memref<64x768xf32, #tpu.memory_space<hbm>>
      %dma_start3A_66 = arith.constant 0 : i32
      %dma_start3A_67 = tpu.memref_slice %arg4[%add3A_48, %dma_start3A_66] : memref<18432x768xf32, #tpu.memory_space<hbm>> -> memref<64x768xf32, #tpu.memory_space<hbm>>
      %dma_start3A_68 = arith.constant 0 : i32
      %dma_start3A_69 = arith.constant 0 : i32
      %dma_start3A_70 = tpu.memref_slice %arg7[%dma_start3A_68, %dma_start3A_69] : memref<64x768xf32, #tpu.memory_space<vmem>> -> memref<64x768xf32, #tpu.memory_space<vmem>>
      tpu.enqueue_dma source(%dma_start3A_70 : memref<64x768xf32, #tpu.memory_space<vmem>>) target(%dma_start3A_67 : memref<64x768xf32, #tpu.memory_space<hbm>>) target_semaphore(%run_scoped3A : memref<!tpu.dma_semaphore, #tpu.memory_space<semaphore_mem>>)
      %dma_wait3A_71 = arith.constant 0 : i32
      %dma_wait3A_72 = arith.constant 0 : i32
      %dma_wait3A_73 = tpu.memref_slice %arg7[%dma_wait3A_71, %dma_wait3A_72] : memref<64x768xf32, #tpu.memory_space<vmem>> -> memref<64x768xf32, #tpu.memory_space<vmem>>
      %dma_wait3A_74 = arith.constant 0 : i32
      %dma_wait3A_75 = tpu.memref_slice %arg4[%add3A_48, %dma_wait3A_74] : memref<18432x768xf32, #tpu.memory_space<hbm>> -> memref<64x768xf32, #tpu.memory_space<hbm>>
      %dma_wait3A_76 = arith.constant 0 : i32
      %dma_wait3A_77 = tpu.memref_slice %arg4[%add3A_48, %dma_wait3A_76] : memref<18432x768xf32, #tpu.memory_space<hbm>> -> memref<64x768xf32, #tpu.memory_space<hbm>>
      %dma_wait3A_78 = arith.constant 0 : i32
      %dma_wait3A_79 = arith.constant 0 : i32
      %dma_wait3A_80 = tpu.memref_slice %arg7[%dma_wait3A_78, %dma_wait3A_79] : memref<64x768xf32, #tpu.memory_space<vmem>> -> memref<64x768xf32, #tpu.memory_space<vmem>>
      tpu.wait_dma2 semaphore(%run_scoped3A : memref<!tpu.dma_semaphore, #tpu.memory_space<semaphore_mem>>) src(%dma_wait3A_80 : memref<64x768xf32, #tpu.memory_space<vmem>>) dst(%dma_wait3A_77 : memref<64x768xf32, #tpu.memory_space<hbm>>)
      tpu.yield
    }) : () -> ()
    %dma_wait3A_49 = arith.constant 0 : i32
    %dma_wait3A_50 = arith.constant 0 : i32
    %dma_wait3A_51 = tpu.memref_slice %arg6[%dma_wait3A_49, %dma_wait3A_50] : memref<64x768xf32, #tpu.memory_space<vmem>> -> memref<64x768xf32, #tpu.memory_space<vmem>>
    %dma_wait3A_52 = arith.constant 80 : i32
    %dma_wait3A_53 = tpu.memref_slice %arg5[%dma_wait3A_52] : memref<144xi32, #tpu.memory_space<vmem>> -> memref<64xi32, #tpu.memory_space<vmem>>
    %dma_wait3A_54 = arith.constant 0 : i32
    %dma_wait3A_55 = arith.constant 0 : i32
    %dma_wait3A_56 = tpu.memref_slice %arg2[%dma_wait3A_54, %dma_wait3A_55] : memref<36864x768xf32, #tpu.memory_space<hbm>> -> memref<36864x768xf32, #tpu.memory_space<hbm>>
    tpu.wait_indirect_dma semaphore(%arg8 : memref<!tpu.dma_semaphore, #tpu.memory_space<semaphore_mem>>) src(%dma_wait3A_56 : memref<36864x768xf32, #tpu.memory_space<hbm>>) dst(%dma_wait3A_51 : memref<64x768xf32, #tpu.memory_space<vmem>>)
    %add3A_57 = arith.constant 0 : i32
    %add3A_58 = arith.addi %add3A_57, %mul3A_2 : i32
    %add3A_59 = arith.constant 80 : i32
    %add3A_60 = arith.addi %add3A_58, %add3A_59 : i32
    "tpu.region"() ({
      %run_scoped3A = tpu.sem_alloc : memref<!tpu.dma_semaphore, #tpu.memory_space<semaphore_mem>>
      %dma_start3A_61 = arith.constant 0 : i32
      %dma_start3A_62 = arith.constant 0 : i32
      %dma_start3A_63 = tpu.memref_slice %arg6[%dma_start3A_61, %dma_start3A_62] : memref<64x768xf32, #tpu.memory_space<vmem>> -> memref<64x768xf32, #tpu.memory_space<vmem>>
      %dma_start3A_64 = arith.constant 0 : i32
      %dma_start3A_65 = tpu.memref_slice %arg4[%add3A_60, %dma_start3A_64] : memref<18432x768xf32, #tpu.memory_space<hbm>> -> memref<64x768xf32, #tpu.memory_space<hbm>>
      %dma_start3A_66 = arith.constant 0 : i32
      %dma_start3A_67 = tpu.memref_slice %arg4[%add3A_60, %dma_start3A_66] : memref<18432x768xf32, #tpu.memory_space<hbm>> -> memref<64x768xf32, #tpu.memory_space<hbm>>
      %dma_start3A_68 = arith.constant 0 : i32
      %dma_start3A_69 = arith.constant 0 : i32
      %dma_start3A_70 = tpu.memref_slice %arg6[%dma_start3A_68, %dma_start3A_69] : memref<64x768xf32, #tpu.memory_space<vmem>> -> memref<64x768xf32, #tpu.memory_space<vmem>>
      tpu.enqueue_dma source(%dma_start3A_70 : memref<64x768xf32, #tpu.memory_space<vmem>>) target(%dma_start3A_67 : memref<64x768xf32, #tpu.memory_space<hbm>>) target_semaphore(%run_scoped3A : memref<!tpu.dma_semaphore, #tpu.memory_space<semaphore_mem>>)
      %dma_wait3A_71 = arith.constant 0 : i32
      %dma_wait3A_72 = arith.constant 0 : i32
      %dma_wait3A_73 = tpu.memref_slice %arg6[%dma_wait3A_71, %dma_wait3A_72] : memref<64x768xf32, #tpu.memory_space<vmem>> -> memref<64x768xf32, #tpu.memory_space<vmem>>
      %dma_wait3A_74 = arith.constant 0 : i32
      %dma_wait3A_75 = tpu.memref_slice %arg4[%add3A_60, %dma_wait3A_74] : memref<18432x768xf32, #tpu.memory_space<hbm>> -> memref<64x768xf32, #tpu.memory_space<hbm>>
      %dma_wait3A_76 = arith.constant 0 : i32
      %dma_wait3A_77 = tpu.memref_slice %arg4[%add3A_60, %dma_wait3A_76] : memref<18432x768xf32, #tpu.memory_space<hbm>> -> memref<64x768xf32, #tpu.memory_space<hbm>>
      %dma_wait3A_78 = arith.constant 0 : i32
      %dma_wait3A_79 = arith.constant 0 : i32
      %dma_wait3A_80 = tpu.memref_slice %arg6[%dma_wait3A_78, %dma_wait3A_79] : memref<64x768xf32, #tpu.memory_space<vmem>> -> memref<64x768xf32, #tpu.memory_space<vmem>>
      tpu.wait_dma2 semaphore(%run_scoped3A : memref<!tpu.dma_semaphore, #tpu.memory_space<semaphore_mem>>) src(%dma_wait3A_80 : memref<64x768xf32, #tpu.memory_space<vmem>>) dst(%dma_wait3A_77 : memref<64x768xf32, #tpu.memory_space<hbm>>)
      tpu.yield
    }) : () -> ()
    return
  }
}

#map = affine_map<(d0, d1) -> (0, 0)>
#map1 = affine_map<(d0, d1) -> (0)>
module attributes {stable_mosaic.version = 14 : i64} {
  func.func @new_body(%arg0: i32, %arg1: i32, %arg2: memref<36864x768xf32, #tpu.memory_space<hbm>>, %arg3: memref<9216xi32, #tpu.memory_space<hbm>>, %arg4: memref<18432x768xf32, #tpu.memory_space<hbm>>, %arg5: memref<18432x768xf32, #tpu.memory_space<hbm>>, %arg6: memref<288xi32, #tpu.memory_space<vmem>>, %arg7: memref<64x768xf32, #tpu.memory_space<vmem>>, %arg8: memref<64x768xf32, #tpu.memory_space<vmem>>, %arg9: memref<!tpu.dma_semaphore, #tpu.memory_space<semaphore_mem>>, %arg10: memref<!tpu.dma_semaphore, #tpu.memory_space<semaphore_mem>>) attributes {dimension_semantics = [#tpu.dimension_semantics<core_parallel>, #tpu.dimension_semantics<subcore_parallel>], iteration_bounds = array<i64: 2, 16>, scalar_prefetch = 0 : i64, scratch_operands = 5 : i64, tpu.core_type = #tpu.core_type<sc_vector_subcore>, window_params = [{transform_indices = #map}, {transform_indices = #map1}, {transform_indices = #map}, {transform_indices = #map}]} {
    %mul3A = arith.constant 2 : i32
    %mul3A_0 = arith.muli %arg1, %mul3A : i32
    %add3A = arith.addi %mul3A_0, %arg0 : i32
    %mul3A_1 = arith.constant 288 : i32
    %mul3A_2 = arith.muli %add3A, %mul3A_1 : i32
    "tpu.region"() ({
      %run_scoped3A = tpu.sem_alloc : memref<!tpu.dma_semaphore, #tpu.memory_space<semaphore_mem>>
      %dma_start3A_121 = tpu.memref_slice %arg3[%mul3A_2] : memref<9216xi32, #tpu.memory_space<hbm>> -> memref<288xi32, #tpu.memory_space<hbm>>
      %dma_start3A_122 = tpu.memref_slice %arg3[%mul3A_2] : memref<9216xi32, #tpu.memory_space<hbm>> -> memref<288xi32, #tpu.memory_space<hbm>>
      tpu.enqueue_dma source(%dma_start3A_122 : memref<288xi32, #tpu.memory_space<hbm>>) target(%arg6 : memref<288xi32, #tpu.memory_space<vmem>>) target_semaphore(%run_scoped3A : memref<!tpu.dma_semaphore, #tpu.memory_space<semaphore_mem>>)
      %dma_wait3A_123 = tpu.memref_slice %arg3[%mul3A_2] : memref<9216xi32, #tpu.memory_space<hbm>> -> memref<288xi32, #tpu.memory_space<hbm>>
      %dma_wait3A_124 = tpu.memref_slice %arg3[%mul3A_2] : memref<9216xi32, #tpu.memory_space<hbm>> -> memref<288xi32, #tpu.memory_space<hbm>>
      tpu.wait_dma2 semaphore(%run_scoped3A : memref<!tpu.dma_semaphore, #tpu.memory_space<semaphore_mem>>) src(%dma_wait3A_124 : memref<288xi32, #tpu.memory_space<hbm>>) dst(%arg6 : memref<288xi32, #tpu.memory_space<vmem>>)
      tpu.yield
    }) : () -> ()
    %dma_start3A = arith.constant 0 : i32
    %dma_start3A_3 = arith.constant 0 : i32
    %dma_start3A_4 = tpu.memref_slice %arg7[%dma_start3A, %dma_start3A_3] : memref<64x768xf32, #tpu.memory_space<vmem>> -> memref<16x768xf32, #tpu.memory_space<vmem>>
    %dma_start3A_5 = arith.constant 0 : i32
    %dma_start3A_6 = tpu.memref_slice %arg6[%dma_start3A_5] : memref<288xi32, #tpu.memory_space<vmem>> -> memref<16xi32, #tpu.memory_space<vmem>>
    %dma_start3A_7 = arith.constant 0 : i32
    %dma_start3A_8 = arith.constant 0 : i32
    %dma_start3A_9 = tpu.memref_slice %arg2[%dma_start3A_7, %dma_start3A_8] : memref<36864x768xf32, #tpu.memory_space<hbm>> -> memref<36864x768xf32, #tpu.memory_space<hbm>>
    tpu.enqueue_indirect_dma source(%dma_start3A_9 : memref<36864x768xf32, #tpu.memory_space<hbm>>) target(%dma_start3A_4 : memref<16x768xf32, #tpu.memory_space<vmem>>) offsets(%dma_start3A_6 : memref<16xi32, #tpu.memory_space<vmem>>) semaphore(%arg9 : memref<!tpu.dma_semaphore, #tpu.memory_space<semaphore_mem>>)
    %dma_start3A_10 = arith.constant 0 : i32
    %dma_start3A_11 = arith.constant 0 : i32
    %dma_start3A_12 = tpu.memref_slice %arg8[%dma_start3A_10, %dma_start3A_11] : memref<64x768xf32, #tpu.memory_space<vmem>> -> memref<64x768xf32, #tpu.memory_space<vmem>>
    %dma_start3A_13 = arith.constant 16 : i32
    %dma_start3A_14 = tpu.memref_slice %arg6[%dma_start3A_13] : memref<288xi32, #tpu.memory_space<vmem>> -> memref<64xi32, #tpu.memory_space<vmem>>
    %dma_start3A_15 = arith.constant 0 : i32
    %dma_start3A_16 = arith.constant 0 : i32
    %dma_start3A_17 = tpu.memref_slice %arg2[%dma_start3A_15, %dma_start3A_16] : memref<36864x768xf32, #tpu.memory_space<hbm>> -> memref<36864x768xf32, #tpu.memory_space<hbm>>
    tpu.enqueue_indirect_dma source(%dma_start3A_17 : memref<36864x768xf32, #tpu.memory_space<hbm>>) target(%dma_start3A_12 : memref<64x768xf32, #tpu.memory_space<vmem>>) offsets(%dma_start3A_14 : memref<64xi32, #tpu.memory_space<vmem>>) semaphore(%arg10 : memref<!tpu.dma_semaphore, #tpu.memory_space<semaphore_mem>>)
    %dma_wait3A = arith.constant 0 : i32
    %dma_wait3A_18 = arith.constant 0 : i32
    %dma_wait3A_19 = tpu.memref_slice %arg7[%dma_wait3A, %dma_wait3A_18] : memref<64x768xf32, #tpu.memory_space<vmem>> -> memref<16x768xf32, #tpu.memory_space<vmem>>
    %dma_wait3A_20 = arith.constant 0 : i32
    %dma_wait3A_21 = tpu.memref_slice %arg6[%dma_wait3A_20] : memref<288xi32, #tpu.memory_space<vmem>> -> memref<16xi32, #tpu.memory_space<vmem>>
    %dma_wait3A_22 = arith.constant 0 : i32
    %dma_wait3A_23 = arith.constant 0 : i32
    %dma_wait3A_24 = tpu.memref_slice %arg2[%dma_wait3A_22, %dma_wait3A_23] : memref<36864x768xf32, #tpu.memory_space<hbm>> -> memref<36864x768xf32, #tpu.memory_space<hbm>>
    tpu.wait_indirect_dma semaphore(%arg9 : memref<!tpu.dma_semaphore, #tpu.memory_space<semaphore_mem>>) src(%dma_wait3A_24 : memref<36864x768xf32, #tpu.memory_space<hbm>>) dst(%dma_wait3A_19 : memref<16x768xf32, #tpu.memory_space<vmem>>)
    %add3A_25 = arith.constant 9216 : i32
    %add3A_26 = arith.addi %add3A_25, %mul3A_2 : i32
    %add3A_27 = arith.constant 0 : i32
    %add3A_28 = arith.addi %add3A_26, %add3A_27 : i32
    "tpu.region"() ({
      %run_scoped3A = tpu.sem_alloc : memref<!tpu.dma_semaphore, #tpu.memory_space<semaphore_mem>>
      %dma_start3A_121 = arith.constant 0 : i32
      %dma_start3A_122 = arith.constant 0 : i32
      %dma_start3A_123 = tpu.memref_slice %arg7[%dma_start3A_121, %dma_start3A_122] : memref<64x768xf32, #tpu.memory_space<vmem>> -> memref<16x768xf32, #tpu.memory_space<vmem>>
      %dma_start3A_124 = arith.constant 0 : i32
      %dma_start3A_125 = tpu.memref_slice %arg4[%add3A_28, %dma_start3A_124] : memref<18432x768xf32, #tpu.memory_space<hbm>> -> memref<16x768xf32, #tpu.memory_space<hbm>>
      %dma_start3A_126 = arith.constant 0 : i32
      %dma_start3A_127 = tpu.memref_slice %arg4[%add3A_28, %dma_start3A_126] : memref<18432x768xf32, #tpu.memory_space<hbm>> -> memref<16x768xf32, #tpu.memory_space<hbm>>
      %dma_start3A_128 = arith.constant 0 : i32
      %dma_start3A_129 = arith.constant 0 : i32
      %dma_start3A_130 = tpu.memref_slice %arg7[%dma_start3A_128, %dma_start3A_129] : memref<64x768xf32, #tpu.memory_space<vmem>> -> memref<16x768xf32, #tpu.memory_space<vmem>>
      tpu.enqueue_dma source(%dma_start3A_130 : memref<16x768xf32, #tpu.memory_space<vmem>>) target(%dma_start3A_127 : memref<16x768xf32, #tpu.memory_space<hbm>>) target_semaphore(%run_scoped3A : memref<!tpu.dma_semaphore, #tpu.memory_space<semaphore_mem>>)
      %dma_wait3A_131 = arith.constant 0 : i32
      %dma_wait3A_132 = arith.constant 0 : i32
      %dma_wait3A_133 = tpu.memref_slice %arg7[%dma_wait3A_131, %dma_wait3A_132] : memref<64x768xf32, #tpu.memory_space<vmem>> -> memref<16x768xf32, #tpu.memory_space<vmem>>
      %dma_wait3A_134 = arith.constant 0 : i32
      %dma_wait3A_135 = tpu.memref_slice %arg4[%add3A_28, %dma_wait3A_134] : memref<18432x768xf32, #tpu.memory_space<hbm>> -> memref<16x768xf32, #tpu.memory_space<hbm>>
      %dma_wait3A_136 = arith.constant 0 : i32
      %dma_wait3A_137 = tpu.memref_slice %arg4[%add3A_28, %dma_wait3A_136] : memref<18432x768xf32, #tpu.memory_space<hbm>> -> memref<16x768xf32, #tpu.memory_space<hbm>>
      %dma_wait3A_138 = arith.constant 0 : i32
      %dma_wait3A_139 = arith.constant 0 : i32
      %dma_wait3A_140 = tpu.memref_slice %arg7[%dma_wait3A_138, %dma_wait3A_139] : memref<64x768xf32, #tpu.memory_space<vmem>> -> memref<16x768xf32, #tpu.memory_space<vmem>>
      tpu.wait_dma2 semaphore(%run_scoped3A : memref<!tpu.dma_semaphore, #tpu.memory_space<semaphore_mem>>) src(%dma_wait3A_140 : memref<16x768xf32, #tpu.memory_space<vmem>>) dst(%dma_wait3A_137 : memref<16x768xf32, #tpu.memory_space<hbm>>)
      tpu.yield
    }) : () -> ()
    %dma_start3A_29 = arith.constant 0 : i32
    %dma_start3A_30 = arith.constant 0 : i32
    %dma_start3A_31 = tpu.memref_slice %arg7[%dma_start3A_29, %dma_start3A_30] : memref<64x768xf32, #tpu.memory_space<vmem>> -> memref<64x768xf32, #tpu.memory_space<vmem>>
    %dma_start3A_32 = arith.constant 80 : i32
    %dma_start3A_33 = tpu.memref_slice %arg6[%dma_start3A_32] : memref<288xi32, #tpu.memory_space<vmem>> -> memref<64xi32, #tpu.memory_space<vmem>>
    %dma_start3A_34 = arith.constant 0 : i32
    %dma_start3A_35 = arith.constant 0 : i32
    %dma_start3A_36 = tpu.memref_slice %arg2[%dma_start3A_34, %dma_start3A_35] : memref<36864x768xf32, #tpu.memory_space<hbm>> -> memref<36864x768xf32, #tpu.memory_space<hbm>>
    tpu.enqueue_indirect_dma source(%dma_start3A_36 : memref<36864x768xf32, #tpu.memory_space<hbm>>) target(%dma_start3A_31 : memref<64x768xf32, #tpu.memory_space<vmem>>) offsets(%dma_start3A_33 : memref<64xi32, #tpu.memory_space<vmem>>) semaphore(%arg9 : memref<!tpu.dma_semaphore, #tpu.memory_space<semaphore_mem>>)
    %dma_wait3A_37 = arith.constant 0 : i32
    %dma_wait3A_38 = arith.constant 0 : i32
    %dma_wait3A_39 = tpu.memref_slice %arg8[%dma_wait3A_37, %dma_wait3A_38] : memref<64x768xf32, #tpu.memory_space<vmem>> -> memref<64x768xf32, #tpu.memory_space<vmem>>
    %dma_wait3A_40 = arith.constant 16 : i32
    %dma_wait3A_41 = tpu.memref_slice %arg6[%dma_wait3A_40] : memref<288xi32, #tpu.memory_space<vmem>> -> memref<64xi32, #tpu.memory_space<vmem>>
    %dma_wait3A_42 = arith.constant 0 : i32
    %dma_wait3A_43 = arith.constant 0 : i32
    %dma_wait3A_44 = tpu.memref_slice %arg2[%dma_wait3A_42, %dma_wait3A_43] : memref<36864x768xf32, #tpu.memory_space<hbm>> -> memref<36864x768xf32, #tpu.memory_space<hbm>>
    tpu.wait_indirect_dma semaphore(%arg10 : memref<!tpu.dma_semaphore, #tpu.memory_space<semaphore_mem>>) src(%dma_wait3A_44 : memref<36864x768xf32, #tpu.memory_space<hbm>>) dst(%dma_wait3A_39 : memref<64x768xf32, #tpu.memory_space<vmem>>)
    %add3A_45 = arith.constant 9216 : i32
    %add3A_46 = arith.addi %add3A_45, %mul3A_2 : i32
    %add3A_47 = arith.constant 16 : i32
    %add3A_48 = arith.addi %add3A_46, %add3A_47 : i32
    "tpu.region"() ({
      %run_scoped3A = tpu.sem_alloc : memref<!tpu.dma_semaphore, #tpu.memory_space<semaphore_mem>>
      %dma_start3A_121 = arith.constant 0 : i32
      %dma_start3A_122 = arith.constant 0 : i32
      %dma_start3A_123 = tpu.memref_slice %arg8[%dma_start3A_121, %dma_start3A_122] : memref<64x768xf32, #tpu.memory_space<vmem>> -> memref<64x768xf32, #tpu.memory_space<vmem>>
      %dma_start3A_124 = arith.constant 0 : i32
      %dma_start3A_125 = tpu.memref_slice %arg4[%add3A_48, %dma_start3A_124] : memref<18432x768xf32, #tpu.memory_space<hbm>> -> memref<64x768xf32, #tpu.memory_space<hbm>>
      %dma_start3A_126 = arith.constant 0 : i32
      %dma_start3A_127 = tpu.memref_slice %arg4[%add3A_48, %dma_start3A_126] : memref<18432x768xf32, #tpu.memory_space<hbm>> -> memref<64x768xf32, #tpu.memory_space<hbm>>
      %dma_start3A_128 = arith.constant 0 : i32
      %dma_start3A_129 = arith.constant 0 : i32
      %dma_start3A_130 = tpu.memref_slice %arg8[%dma_start3A_128, %dma_start3A_129] : memref<64x768xf32, #tpu.memory_space<vmem>> -> memref<64x768xf32, #tpu.memory_space<vmem>>
      tpu.enqueue_dma source(%dma_start3A_130 : memref<64x768xf32, #tpu.memory_space<vmem>>) target(%dma_start3A_127 : memref<64x768xf32, #tpu.memory_space<hbm>>) target_semaphore(%run_scoped3A : memref<!tpu.dma_semaphore, #tpu.memory_space<semaphore_mem>>)
      %dma_wait3A_131 = arith.constant 0 : i32
      %dma_wait3A_132 = arith.constant 0 : i32
      %dma_wait3A_133 = tpu.memref_slice %arg8[%dma_wait3A_131, %dma_wait3A_132] : memref<64x768xf32, #tpu.memory_space<vmem>> -> memref<64x768xf32, #tpu.memory_space<vmem>>
      %dma_wait3A_134 = arith.constant 0 : i32
      %dma_wait3A_135 = tpu.memref_slice %arg4[%add3A_48, %dma_wait3A_134] : memref<18432x768xf32, #tpu.memory_space<hbm>> -> memref<64x768xf32, #tpu.memory_space<hbm>>
      %dma_wait3A_136 = arith.constant 0 : i32
      %dma_wait3A_137 = tpu.memref_slice %arg4[%add3A_48, %dma_wait3A_136] : memref<18432x768xf32, #tpu.memory_space<hbm>> -> memref<64x768xf32, #tpu.memory_space<hbm>>
      %dma_wait3A_138 = arith.constant 0 : i32
      %dma_wait3A_139 = arith.constant 0 : i32
      %dma_wait3A_140 = tpu.memref_slice %arg8[%dma_wait3A_138, %dma_wait3A_139] : memref<64x768xf32, #tpu.memory_space<vmem>> -> memref<64x768xf32, #tpu.memory_space<vmem>>
      tpu.wait_dma2 semaphore(%run_scoped3A : memref<!tpu.dma_semaphore, #tpu.memory_space<semaphore_mem>>) src(%dma_wait3A_140 : memref<64x768xf32, #tpu.memory_space<vmem>>) dst(%dma_wait3A_137 : memref<64x768xf32, #tpu.memory_space<hbm>>)
      tpu.yield
    }) : () -> ()
    %dma_start3A_49 = arith.constant 0 : i32
    %dma_start3A_50 = arith.constant 0 : i32
    %dma_start3A_51 = tpu.memref_slice %arg8[%dma_start3A_49, %dma_start3A_50] : memref<64x768xf32, #tpu.memory_space<vmem>> -> memref<64x768xf32, #tpu.memory_space<vmem>>
    %dma_start3A_52 = arith.constant 144 : i32
    %dma_start3A_53 = tpu.memref_slice %arg6[%dma_start3A_52] : memref<288xi32, #tpu.memory_space<vmem>> -> memref<64xi32, #tpu.memory_space<vmem>>
    %dma_start3A_54 = arith.constant 0 : i32
    %dma_start3A_55 = arith.constant 0 : i32
    %dma_start3A_56 = tpu.memref_slice %arg2[%dma_start3A_54, %dma_start3A_55] : memref<36864x768xf32, #tpu.memory_space<hbm>> -> memref<36864x768xf32, #tpu.memory_space<hbm>>
    tpu.enqueue_indirect_dma source(%dma_start3A_56 : memref<36864x768xf32, #tpu.memory_space<hbm>>) target(%dma_start3A_51 : memref<64x768xf32, #tpu.memory_space<vmem>>) offsets(%dma_start3A_53 : memref<64xi32, #tpu.memory_space<vmem>>) semaphore(%arg10 : memref<!tpu.dma_semaphore, #tpu.memory_space<semaphore_mem>>)
    %dma_wait3A_57 = arith.constant 0 : i32
    %dma_wait3A_58 = arith.constant 0 : i32
    %dma_wait3A_59 = tpu.memref_slice %arg7[%dma_wait3A_57, %dma_wait3A_58] : memref<64x768xf32, #tpu.memory_space<vmem>> -> memref<64x768xf32, #tpu.memory_space<vmem>>
    %dma_wait3A_60 = arith.constant 80 : i32
    %dma_wait3A_61 = tpu.memref_slice %arg6[%dma_wait3A_60] : memref<288xi32, #tpu.memory_space<vmem>> -> memref<64xi32, #tpu.memory_space<vmem>>
    %dma_wait3A_62 = arith.constant 0 : i32
    %dma_wait3A_63 = arith.constant 0 : i32
    %dma_wait3A_64 = tpu.memref_slice %arg2[%dma_wait3A_62, %dma_wait3A_63] : memref<36864x768xf32, #tpu.memory_space<hbm>> -> memref<36864x768xf32, #tpu.memory_space<hbm>>
    tpu.wait_indirect_dma semaphore(%arg9 : memref<!tpu.dma_semaphore, #tpu.memory_space<semaphore_mem>>) src(%dma_wait3A_64 : memref<36864x768xf32, #tpu.memory_space<hbm>>) dst(%dma_wait3A_59 : memref<64x768xf32, #tpu.memory_space<vmem>>)
    %add3A_65 = arith.constant 9216 : i32
    %add3A_66 = arith.addi %add3A_65, %mul3A_2 : i32
    %add3A_67 = arith.constant 80 : i32
    %add3A_68 = arith.addi %add3A_66, %add3A_67 : i32
    "tpu.region"() ({
      %run_scoped3A = tpu.sem_alloc : memref<!tpu.dma_semaphore, #tpu.memory_space<semaphore_mem>>
      %dma_start3A_121 = arith.constant 0 : i32
      %dma_start3A_122 = arith.constant 0 : i32
      %dma_start3A_123 = tpu.memref_slice %arg7[%dma_start3A_121, %dma_start3A_122] : memref<64x768xf32, #tpu.memory_space<vmem>> -> memref<64x768xf32, #tpu.memory_space<vmem>>
      %dma_start3A_124 = arith.constant 0 : i32
      %dma_start3A_125 = tpu.memref_slice %arg4[%add3A_68, %dma_start3A_124] : memref<18432x768xf32, #tpu.memory_space<hbm>> -> memref<64x768xf32, #tpu.memory_space<hbm>>
      %dma_start3A_126 = arith.constant 0 : i32
      %dma_start3A_127 = tpu.memref_slice %arg4[%add3A_68, %dma_start3A_126] : memref<18432x768xf32, #tpu.memory_space<hbm>> -> memref<64x768xf32, #tpu.memory_space<hbm>>
      %dma_start3A_128 = arith.constant 0 : i32
      %dma_start3A_129 = arith.constant 0 : i32
      %dma_start3A_130 = tpu.memref_slice %arg7[%dma_start3A_128, %dma_start3A_129] : memref<64x768xf32, #tpu.memory_space<vmem>> -> memref<64x768xf32, #tpu.memory_space<vmem>>
      tpu.enqueue_dma source(%dma_start3A_130 : memref<64x768xf32, #tpu.memory_space<vmem>>) target(%dma_start3A_127 : memref<64x768xf32, #tpu.memory_space<hbm>>) target_semaphore(%run_scoped3A : memref<!tpu.dma_semaphore, #tpu.memory_space<semaphore_mem>>)
      %dma_wait3A_131 = arith.constant 0 : i32
      %dma_wait3A_132 = arith.constant 0 : i32
      %dma_wait3A_133 = tpu.memref_slice %arg7[%dma_wait3A_131, %dma_wait3A_132] : memref<64x768xf32, #tpu.memory_space<vmem>> -> memref<64x768xf32, #tpu.memory_space<vmem>>
      %dma_wait3A_134 = arith.constant 0 : i32
      %dma_wait3A_135 = tpu.memref_slice %arg4[%add3A_68, %dma_wait3A_134] : memref<18432x768xf32, #tpu.memory_space<hbm>> -> memref<64x768xf32, #tpu.memory_space<hbm>>
      %dma_wait3A_136 = arith.constant 0 : i32
      %dma_wait3A_137 = tpu.memref_slice %arg4[%add3A_68, %dma_wait3A_136] : memref<18432x768xf32, #tpu.memory_space<hbm>> -> memref<64x768xf32, #tpu.memory_space<hbm>>
      %dma_wait3A_138 = arith.constant 0 : i32
      %dma_wait3A_139 = arith.constant 0 : i32
      %dma_wait3A_140 = tpu.memref_slice %arg7[%dma_wait3A_138, %dma_wait3A_139] : memref<64x768xf32, #tpu.memory_space<vmem>> -> memref<64x768xf32, #tpu.memory_space<vmem>>
      tpu.wait_dma2 semaphore(%run_scoped3A : memref<!tpu.dma_semaphore, #tpu.memory_space<semaphore_mem>>) src(%dma_wait3A_140 : memref<64x768xf32, #tpu.memory_space<vmem>>) dst(%dma_wait3A_137 : memref<64x768xf32, #tpu.memory_space<hbm>>)
      tpu.yield
    }) : () -> ()
    %dma_start3A_69 = arith.constant 0 : i32
    %dma_start3A_70 = arith.constant 0 : i32
    %dma_start3A_71 = tpu.memref_slice %arg7[%dma_start3A_69, %dma_start3A_70] : memref<64x768xf32, #tpu.memory_space<vmem>> -> memref<64x768xf32, #tpu.memory_space<vmem>>
    %dma_start3A_72 = arith.constant 208 : i32
    %dma_start3A_73 = tpu.memref_slice %arg6[%dma_start3A_72] : memref<288xi32, #tpu.memory_space<vmem>> -> memref<64xi32, #tpu.memory_space<vmem>>
    %dma_start3A_74 = arith.constant 0 : i32
    %dma_start3A_75 = arith.constant 0 : i32
    %dma_start3A_76 = tpu.memref_slice %arg2[%dma_start3A_74, %dma_start3A_75] : memref<36864x768xf32, #tpu.memory_space<hbm>> -> memref<36864x768xf32, #tpu.memory_space<hbm>>
    tpu.enqueue_indirect_dma source(%dma_start3A_76 : memref<36864x768xf32, #tpu.memory_space<hbm>>) target(%dma_start3A_71 : memref<64x768xf32, #tpu.memory_space<vmem>>) offsets(%dma_start3A_73 : memref<64xi32, #tpu.memory_space<vmem>>) semaphore(%arg9 : memref<!tpu.dma_semaphore, #tpu.memory_space<semaphore_mem>>)
    %dma_wait3A_77 = arith.constant 0 : i32
    %dma_wait3A_78 = arith.constant 0 : i32
    %dma_wait3A_79 = tpu.memref_slice %arg8[%dma_wait3A_77, %dma_wait3A_78] : memref<64x768xf32, #tpu.memory_space<vmem>> -> memref<64x768xf32, #tpu.memory_space<vmem>>
    %dma_wait3A_80 = arith.constant 144 : i32
    %dma_wait3A_81 = tpu.memref_slice %arg6[%dma_wait3A_80] : memref<288xi32, #tpu.memory_space<vmem>> -> memref<64xi32, #tpu.memory_space<vmem>>
    %dma_wait3A_82 = arith.constant 0 : i32
    %dma_wait3A_83 = arith.constant 0 : i32
    %dma_wait3A_84 = tpu.memref_slice %arg2[%dma_wait3A_82, %dma_wait3A_83] : memref<36864x768xf32, #tpu.memory_space<hbm>> -> memref<36864x768xf32, #tpu.memory_space<hbm>>
    tpu.wait_indirect_dma semaphore(%arg10 : memref<!tpu.dma_semaphore, #tpu.memory_space<semaphore_mem>>) src(%dma_wait3A_84 : memref<36864x768xf32, #tpu.memory_space<hbm>>) dst(%dma_wait3A_79 : memref<64x768xf32, #tpu.memory_space<vmem>>)
    %add3A_85 = arith.constant 9216 : i32
    %add3A_86 = arith.addi %add3A_85, %mul3A_2 : i32
    %add3A_87 = arith.constant 144 : i32
    %add3A_88 = arith.addi %add3A_86, %add3A_87 : i32
    "tpu.region"() ({
      %run_scoped3A = tpu.sem_alloc : memref<!tpu.dma_semaphore, #tpu.memory_space<semaphore_mem>>
      %dma_start3A_121 = arith.constant 0 : i32
      %dma_start3A_122 = arith.constant 0 : i32
      %dma_start3A_123 = tpu.memref_slice %arg8[%dma_start3A_121, %dma_start3A_122] : memref<64x768xf32, #tpu.memory_space<vmem>> -> memref<64x768xf32, #tpu.memory_space<vmem>>
      %dma_start3A_124 = arith.constant 0 : i32
      %dma_start3A_125 = tpu.memref_slice %arg4[%add3A_88, %dma_start3A_124] : memref<18432x768xf32, #tpu.memory_space<hbm>> -> memref<64x768xf32, #tpu.memory_space<hbm>>
      %dma_start3A_126 = arith.constant 0 : i32
      %dma_start3A_127 = tpu.memref_slice %arg4[%add3A_88, %dma_start3A_126] : memref<18432x768xf32, #tpu.memory_space<hbm>> -> memref<64x768xf32, #tpu.memory_space<hbm>>
      %dma_start3A_128 = arith.constant 0 : i32
      %dma_start3A_129 = arith.constant 0 : i32
      %dma_start3A_130 = tpu.memref_slice %arg8[%dma_start3A_128, %dma_start3A_129] : memref<64x768xf32, #tpu.memory_space<vmem>> -> memref<64x768xf32, #tpu.memory_space<vmem>>
      tpu.enqueue_dma source(%dma_start3A_130 : memref<64x768xf32, #tpu.memory_space<vmem>>) target(%dma_start3A_127 : memref<64x768xf32, #tpu.memory_space<hbm>>) target_semaphore(%run_scoped3A : memref<!tpu.dma_semaphore, #tpu.memory_space<semaphore_mem>>)
      %dma_wait3A_131 = arith.constant 0 : i32
      %dma_wait3A_132 = arith.constant 0 : i32
      %dma_wait3A_133 = tpu.memref_slice %arg8[%dma_wait3A_131, %dma_wait3A_132] : memref<64x768xf32, #tpu.memory_space<vmem>> -> memref<64x768xf32, #tpu.memory_space<vmem>>
      %dma_wait3A_134 = arith.constant 0 : i32
      %dma_wait3A_135 = tpu.memref_slice %arg4[%add3A_88, %dma_wait3A_134] : memref<18432x768xf32, #tpu.memory_space<hbm>> -> memref<64x768xf32, #tpu.memory_space<hbm>>
      %dma_wait3A_136 = arith.constant 0 : i32
      %dma_wait3A_137 = tpu.memref_slice %arg4[%add3A_88, %dma_wait3A_136] : memref<18432x768xf32, #tpu.memory_space<hbm>> -> memref<64x768xf32, #tpu.memory_space<hbm>>
      %dma_wait3A_138 = arith.constant 0 : i32
      %dma_wait3A_139 = arith.constant 0 : i32
      %dma_wait3A_140 = tpu.memref_slice %arg8[%dma_wait3A_138, %dma_wait3A_139] : memref<64x768xf32, #tpu.memory_space<vmem>> -> memref<64x768xf32, #tpu.memory_space<vmem>>
      tpu.wait_dma2 semaphore(%run_scoped3A : memref<!tpu.dma_semaphore, #tpu.memory_space<semaphore_mem>>) src(%dma_wait3A_140 : memref<64x768xf32, #tpu.memory_space<vmem>>) dst(%dma_wait3A_137 : memref<64x768xf32, #tpu.memory_space<hbm>>)
      tpu.yield
    }) : () -> ()
    %dma_start3A_89 = arith.constant 0 : i32
    %dma_start3A_90 = arith.constant 0 : i32
    %dma_start3A_91 = tpu.memref_slice %arg8[%dma_start3A_89, %dma_start3A_90] : memref<64x768xf32, #tpu.memory_space<vmem>> -> memref<16x768xf32, #tpu.memory_space<vmem>>
    %dma_start3A_92 = arith.constant 272 : i32
    %dma_start3A_93 = tpu.memref_slice %arg6[%dma_start3A_92] : memref<288xi32, #tpu.memory_space<vmem>> -> memref<16xi32, #tpu.memory_space<vmem>>
    %dma_start3A_94 = arith.constant 0 : i32
    %dma_start3A_95 = arith.constant 0 : i32
    %dma_start3A_96 = tpu.memref_slice %arg2[%dma_start3A_94, %dma_start3A_95] : memref<36864x768xf32, #tpu.memory_space<hbm>> -> memref<36864x768xf32, #tpu.memory_space<hbm>>
    tpu.enqueue_indirect_dma source(%dma_start3A_96 : memref<36864x768xf32, #tpu.memory_space<hbm>>) target(%dma_start3A_91 : memref<16x768xf32, #tpu.memory_space<vmem>>) offsets(%dma_start3A_93 : memref<16xi32, #tpu.memory_space<vmem>>) semaphore(%arg10 : memref<!tpu.dma_semaphore, #tpu.memory_space<semaphore_mem>>)
    %dma_wait3A_97 = arith.constant 0 : i32
    %dma_wait3A_98 = arith.constant 0 : i32
    %dma_wait3A_99 = tpu.memref_slice %arg7[%dma_wait3A_97, %dma_wait3A_98] : memref<64x768xf32, #tpu.memory_space<vmem>> -> memref<64x768xf32, #tpu.memory_space<vmem>>
    %dma_wait3A_100 = arith.constant 208 : i32
    %dma_wait3A_101 = tpu.memref_slice %arg6[%dma_wait3A_100] : memref<288xi32, #tpu.memory_space<vmem>> -> memref<64xi32, #tpu.memory_space<vmem>>
    %dma_wait3A_102 = arith.constant 0 : i32
    %dma_wait3A_103 = arith.constant 0 : i32
    %dma_wait3A_104 = tpu.memref_slice %arg2[%dma_wait3A_102, %dma_wait3A_103] : memref<36864x768xf32, #tpu.memory_space<hbm>> -> memref<36864x768xf32, #tpu.memory_space<hbm>>
    tpu.wait_indirect_dma semaphore(%arg9 : memref<!tpu.dma_semaphore, #tpu.memory_space<semaphore_mem>>) src(%dma_wait3A_104 : memref<36864x768xf32, #tpu.memory_space<hbm>>) dst(%dma_wait3A_99 : memref<64x768xf32, #tpu.memory_space<vmem>>)
    %add3A_105 = arith.constant 9216 : i32
    %add3A_106 = arith.addi %add3A_105, %mul3A_2 : i32
    %add3A_107 = arith.constant 208 : i32
    %add3A_108 = arith.addi %add3A_106, %add3A_107 : i32
    "tpu.region"() ({
      %run_scoped3A = tpu.sem_alloc : memref<!tpu.dma_semaphore, #tpu.memory_space<semaphore_mem>>
      %dma_start3A_121 = arith.constant 0 : i32
      %dma_start3A_122 = arith.constant 0 : i32
      %dma_start3A_123 = tpu.memref_slice %arg7[%dma_start3A_121, %dma_start3A_122] : memref<64x768xf32, #tpu.memory_space<vmem>> -> memref<64x768xf32, #tpu.memory_space<vmem>>
      %dma_start3A_124 = arith.constant 0 : i32
      %dma_start3A_125 = tpu.memref_slice %arg4[%add3A_108, %dma_start3A_124] : memref<18432x768xf32, #tpu.memory_space<hbm>> -> memref<64x768xf32, #tpu.memory_space<hbm>>
      %dma_start3A_126 = arith.constant 0 : i32
      %dma_start3A_127 = tpu.memref_slice %arg4[%add3A_108, %dma_start3A_126] : memref<18432x768xf32, #tpu.memory_space<hbm>> -> memref<64x768xf32, #tpu.memory_space<hbm>>
      %dma_start3A_128 = arith.constant 0 : i32
      %dma_start3A_129 = arith.constant 0 : i32
      %dma_start3A_130 = tpu.memref_slice %arg7[%dma_start3A_128, %dma_start3A_129] : memref<64x768xf32, #tpu.memory_space<vmem>> -> memref<64x768xf32, #tpu.memory_space<vmem>>
      tpu.enqueue_dma source(%dma_start3A_130 : memref<64x768xf32, #tpu.memory_space<vmem>>) target(%dma_start3A_127 : memref<64x768xf32, #tpu.memory_space<hbm>>) target_semaphore(%run_scoped3A : memref<!tpu.dma_semaphore, #tpu.memory_space<semaphore_mem>>)
      %dma_wait3A_131 = arith.constant 0 : i32
      %dma_wait3A_132 = arith.constant 0 : i32
      %dma_wait3A_133 = tpu.memref_slice %arg7[%dma_wait3A_131, %dma_wait3A_132] : memref<64x768xf32, #tpu.memory_space<vmem>> -> memref<64x768xf32, #tpu.memory_space<vmem>>
      %dma_wait3A_134 = arith.constant 0 : i32
      %dma_wait3A_135 = tpu.memref_slice %arg4[%add3A_108, %dma_wait3A_134] : memref<18432x768xf32, #tpu.memory_space<hbm>> -> memref<64x768xf32, #tpu.memory_space<hbm>>
      %dma_wait3A_136 = arith.constant 0 : i32
      %dma_wait3A_137 = tpu.memref_slice %arg4[%add3A_108, %dma_wait3A_136] : memref<18432x768xf32, #tpu.memory_space<hbm>> -> memref<64x768xf32, #tpu.memory_space<hbm>>
      %dma_wait3A_138 = arith.constant 0 : i32
      %dma_wait3A_139 = arith.constant 0 : i32
      %dma_wait3A_140 = tpu.memref_slice %arg7[%dma_wait3A_138, %dma_wait3A_139] : memref<64x768xf32, #tpu.memory_space<vmem>> -> memref<64x768xf32, #tpu.memory_space<vmem>>
      tpu.wait_dma2 semaphore(%run_scoped3A : memref<!tpu.dma_semaphore, #tpu.memory_space<semaphore_mem>>) src(%dma_wait3A_140 : memref<64x768xf32, #tpu.memory_space<vmem>>) dst(%dma_wait3A_137 : memref<64x768xf32, #tpu.memory_space<hbm>>)
      tpu.yield
    }) : () -> ()
    %dma_wait3A_109 = arith.constant 0 : i32
    %dma_wait3A_110 = arith.constant 0 : i32
    %dma_wait3A_111 = tpu.memref_slice %arg8[%dma_wait3A_109, %dma_wait3A_110] : memref<64x768xf32, #tpu.memory_space<vmem>> -> memref<16x768xf32, #tpu.memory_space<vmem>>
    %dma_wait3A_112 = arith.constant 272 : i32
    %dma_wait3A_113 = tpu.memref_slice %arg6[%dma_wait3A_112] : memref<288xi32, #tpu.memory_space<vmem>> -> memref<16xi32, #tpu.memory_space<vmem>>
    %dma_wait3A_114 = arith.constant 0 : i32
    %dma_wait3A_115 = arith.constant 0 : i32
    %dma_wait3A_116 = tpu.memref_slice %arg2[%dma_wait3A_114, %dma_wait3A_115] : memref<36864x768xf32, #tpu.memory_space<hbm>> -> memref<36864x768xf32, #tpu.memory_space<hbm>>
    tpu.wait_indirect_dma semaphore(%arg10 : memref<!tpu.dma_semaphore, #tpu.memory_space<semaphore_mem>>) src(%dma_wait3A_116 : memref<36864x768xf32, #tpu.memory_space<hbm>>) dst(%dma_wait3A_111 : memref<16x768xf32, #tpu.memory_space<vmem>>)
    %add3A_117 = arith.constant 9216 : i32
    %add3A_118 = arith.addi %add3A_117, %mul3A_2 : i32
    %add3A_119 = arith.constant 272 : i32
    %add3A_120 = arith.addi %add3A_118, %add3A_119 : i32
    "tpu.region"() ({
      %run_scoped3A = tpu.sem_alloc : memref<!tpu.dma_semaphore, #tpu.memory_space<semaphore_mem>>
      %dma_start3A_121 = arith.constant 0 : i32
      %dma_start3A_122 = arith.constant 0 : i32
      %dma_start3A_123 = tpu.memref_slice %arg8[%dma_start3A_121, %dma_start3A_122] : memref<64x768xf32, #tpu.memory_space<vmem>> -> memref<16x768xf32, #tpu.memory_space<vmem>>
      %dma_start3A_124 = arith.constant 0 : i32
      %dma_start3A_125 = tpu.memref_slice %arg4[%add3A_120, %dma_start3A_124] : memref<18432x768xf32, #tpu.memory_space<hbm>> -> memref<16x768xf32, #tpu.memory_space<hbm>>
      %dma_start3A_126 = arith.constant 0 : i32
      %dma_start3A_127 = tpu.memref_slice %arg4[%add3A_120, %dma_start3A_126] : memref<18432x768xf32, #tpu.memory_space<hbm>> -> memref<16x768xf32, #tpu.memory_space<hbm>>
      %dma_start3A_128 = arith.constant 0 : i32
      %dma_start3A_129 = arith.constant 0 : i32
      %dma_start3A_130 = tpu.memref_slice %arg8[%dma_start3A_128, %dma_start3A_129] : memref<64x768xf32, #tpu.memory_space<vmem>> -> memref<16x768xf32, #tpu.memory_space<vmem>>
      tpu.enqueue_dma source(%dma_start3A_130 : memref<16x768xf32, #tpu.memory_space<vmem>>) target(%dma_start3A_127 : memref<16x768xf32, #tpu.memory_space<hbm>>) target_semaphore(%run_scoped3A : memref<!tpu.dma_semaphore, #tpu.memory_space<semaphore_mem>>)
      %dma_wait3A_131 = arith.constant 0 : i32
      %dma_wait3A_132 = arith.constant 0 : i32
      %dma_wait3A_133 = tpu.memref_slice %arg8[%dma_wait3A_131, %dma_wait3A_132] : memref<64x768xf32, #tpu.memory_space<vmem>> -> memref<16x768xf32, #tpu.memory_space<vmem>>
      %dma_wait3A_134 = arith.constant 0 : i32
      %dma_wait3A_135 = tpu.memref_slice %arg4[%add3A_120, %dma_wait3A_134] : memref<18432x768xf32, #tpu.memory_space<hbm>> -> memref<16x768xf32, #tpu.memory_space<hbm>>
      %dma_wait3A_136 = arith.constant 0 : i32
      %dma_wait3A_137 = tpu.memref_slice %arg4[%add3A_120, %dma_wait3A_136] : memref<18432x768xf32, #tpu.memory_space<hbm>> -> memref<16x768xf32, #tpu.memory_space<hbm>>
      %dma_wait3A_138 = arith.constant 0 : i32
      %dma_wait3A_139 = arith.constant 0 : i32
      %dma_wait3A_140 = tpu.memref_slice %arg8[%dma_wait3A_138, %dma_wait3A_139] : memref<64x768xf32, #tpu.memory_space<vmem>> -> memref<16x768xf32, #tpu.memory_space<vmem>>
      tpu.wait_dma2 semaphore(%run_scoped3A : memref<!tpu.dma_semaphore, #tpu.memory_space<semaphore_mem>>) src(%dma_wait3A_140 : memref<16x768xf32, #tpu.memory_space<vmem>>) dst(%dma_wait3A_137 : memref<16x768xf32, #tpu.memory_space<hbm>>)
      tpu.yield
    }) : () -> ()
    return
  }
}

#map = affine_map<(d0, d1) -> (0, 0)>
#map1 = affine_map<(d0, d1) -> (0)>
module attributes {stable_mosaic.version = 14 : i64} {
  func.func @new_body(%arg0: i32, %arg1: i32, %arg2: memref<36864x768xf32, #tpu.memory_space<hbm>>, %arg3: memref<4608xi32, #tpu.memory_space<hbm>>, %arg4: memref<18432x768xf32, #tpu.memory_space<hbm>>, %arg5: memref<18432x768xf32, #tpu.memory_space<hbm>>, %arg6: memref<144xi32, #tpu.memory_space<vmem>>, %arg7: memref<64x768xf32, #tpu.memory_space<vmem>>, %arg8: memref<64x768xf32, #tpu.memory_space<vmem>>, %arg9: memref<!tpu.dma_semaphore, #tpu.memory_space<semaphore_mem>>, %arg10: memref<!tpu.dma_semaphore, #tpu.memory_space<semaphore_mem>>) attributes {dimension_semantics = [#tpu.dimension_semantics<core_parallel>, #tpu.dimension_semantics<subcore_parallel>], iteration_bounds = array<i64: 2, 16>, scalar_prefetch = 0 : i64, scratch_operands = 5 : i64, tpu.core_type = #tpu.core_type<sc_vector_subcore>, window_params = [{transform_indices = #map}, {transform_indices = #map1}, {transform_indices = #map}, {transform_indices = #map}]} {
    %mul3A = arith.constant 2 : i32
    %mul3A_0 = arith.muli %arg1, %mul3A : i32
    %add3A = arith.addi %mul3A_0, %arg0 : i32
    %mul3A_1 = arith.constant 144 : i32
    %mul3A_2 = arith.muli %add3A, %mul3A_1 : i32
    "tpu.region"() ({
      %run_scoped3A = tpu.sem_alloc : memref<!tpu.dma_semaphore, #tpu.memory_space<semaphore_mem>>
      %dma_start3A_61 = tpu.memref_slice %arg3[%mul3A_2] : memref<4608xi32, #tpu.memory_space<hbm>> -> memref<144xi32, #tpu.memory_space<hbm>>
      %dma_start3A_62 = tpu.memref_slice %arg3[%mul3A_2] : memref<4608xi32, #tpu.memory_space<hbm>> -> memref<144xi32, #tpu.memory_space<hbm>>
      tpu.enqueue_dma source(%dma_start3A_62 : memref<144xi32, #tpu.memory_space<hbm>>) target(%arg6 : memref<144xi32, #tpu.memory_space<vmem>>) target_semaphore(%run_scoped3A : memref<!tpu.dma_semaphore, #tpu.memory_space<semaphore_mem>>)
      %dma_wait3A_63 = tpu.memref_slice %arg3[%mul3A_2] : memref<4608xi32, #tpu.memory_space<hbm>> -> memref<144xi32, #tpu.memory_space<hbm>>
      %dma_wait3A_64 = tpu.memref_slice %arg3[%mul3A_2] : memref<4608xi32, #tpu.memory_space<hbm>> -> memref<144xi32, #tpu.memory_space<hbm>>
      tpu.wait_dma2 semaphore(%run_scoped3A : memref<!tpu.dma_semaphore, #tpu.memory_space<semaphore_mem>>) src(%dma_wait3A_64 : memref<144xi32, #tpu.memory_space<hbm>>) dst(%arg6 : memref<144xi32, #tpu.memory_space<vmem>>)
      tpu.yield
    }) : () -> ()
    %dma_start3A = arith.constant 0 : i32
    %dma_start3A_3 = arith.constant 0 : i32
    %dma_start3A_4 = tpu.memref_slice %arg7[%dma_start3A, %dma_start3A_3] : memref<64x768xf32, #tpu.memory_space<vmem>> -> memref<16x768xf32, #tpu.memory_space<vmem>>
    %dma_start3A_5 = arith.constant 0 : i32
    %dma_start3A_6 = tpu.memref_slice %arg6[%dma_start3A_5] : memref<144xi32, #tpu.memory_space<vmem>> -> memref<16xi32, #tpu.memory_space<vmem>>
    %dma_start3A_7 = arith.constant 0 : i32
    %dma_start3A_8 = arith.constant 0 : i32
    %dma_start3A_9 = tpu.memref_slice %arg2[%dma_start3A_7, %dma_start3A_8] : memref<36864x768xf32, #tpu.memory_space<hbm>> -> memref<36864x768xf32, #tpu.memory_space<hbm>>
    tpu.enqueue_indirect_dma source(%dma_start3A_9 : memref<36864x768xf32, #tpu.memory_space<hbm>>) target(%dma_start3A_4 : memref<16x768xf32, #tpu.memory_space<vmem>>) offsets(%dma_start3A_6 : memref<16xi32, #tpu.memory_space<vmem>>) semaphore(%arg9 : memref<!tpu.dma_semaphore, #tpu.memory_space<semaphore_mem>>)
    %dma_start3A_10 = arith.constant 0 : i32
    %dma_start3A_11 = arith.constant 0 : i32
    %dma_start3A_12 = tpu.memref_slice %arg8[%dma_start3A_10, %dma_start3A_11] : memref<64x768xf32, #tpu.memory_space<vmem>> -> memref<64x768xf32, #tpu.memory_space<vmem>>
    %dma_start3A_13 = arith.constant 16 : i32
    %dma_start3A_14 = tpu.memref_slice %arg6[%dma_start3A_13] : memref<144xi32, #tpu.memory_space<vmem>> -> memref<64xi32, #tpu.memory_space<vmem>>
    %dma_start3A_15 = arith.constant 0 : i32
    %dma_start3A_16 = arith.constant 0 : i32
    %dma_start3A_17 = tpu.memref_slice %arg2[%dma_start3A_15, %dma_start3A_16] : memref<36864x768xf32, #tpu.memory_space<hbm>> -> memref<36864x768xf32, #tpu.memory_space<hbm>>
    tpu.enqueue_indirect_dma source(%dma_start3A_17 : memref<36864x768xf32, #tpu.memory_space<hbm>>) target(%dma_start3A_12 : memref<64x768xf32, #tpu.memory_space<vmem>>) offsets(%dma_start3A_14 : memref<64xi32, #tpu.memory_space<vmem>>) semaphore(%arg10 : memref<!tpu.dma_semaphore, #tpu.memory_space<semaphore_mem>>)
    %dma_wait3A = arith.constant 0 : i32
    %dma_wait3A_18 = arith.constant 0 : i32
    %dma_wait3A_19 = tpu.memref_slice %arg7[%dma_wait3A, %dma_wait3A_18] : memref<64x768xf32, #tpu.memory_space<vmem>> -> memref<16x768xf32, #tpu.memory_space<vmem>>
    %dma_wait3A_20 = arith.constant 0 : i32
    %dma_wait3A_21 = tpu.memref_slice %arg6[%dma_wait3A_20] : memref<144xi32, #tpu.memory_space<vmem>> -> memref<16xi32, #tpu.memory_space<vmem>>
    %dma_wait3A_22 = arith.constant 0 : i32
    %dma_wait3A_23 = arith.constant 0 : i32
    %dma_wait3A_24 = tpu.memref_slice %arg2[%dma_wait3A_22, %dma_wait3A_23] : memref<36864x768xf32, #tpu.memory_space<hbm>> -> memref<36864x768xf32, #tpu.memory_space<hbm>>
    tpu.wait_indirect_dma semaphore(%arg9 : memref<!tpu.dma_semaphore, #tpu.memory_space<semaphore_mem>>) src(%dma_wait3A_24 : memref<36864x768xf32, #tpu.memory_space<hbm>>) dst(%dma_wait3A_19 : memref<16x768xf32, #tpu.memory_space<vmem>>)
    %add3A_25 = arith.constant 4608 : i32
    %add3A_26 = arith.addi %add3A_25, %mul3A_2 : i32
    %add3A_27 = arith.constant 0 : i32
    %add3A_28 = arith.addi %add3A_26, %add3A_27 : i32
    "tpu.region"() ({
      %run_scoped3A = tpu.sem_alloc : memref<!tpu.dma_semaphore, #tpu.memory_space<semaphore_mem>>
      %dma_start3A_61 = arith.constant 0 : i32
      %dma_start3A_62 = arith.constant 0 : i32
      %dma_start3A_63 = tpu.memref_slice %arg7[%dma_start3A_61, %dma_start3A_62] : memref<64x768xf32, #tpu.memory_space<vmem>> -> memref<16x768xf32, #tpu.memory_space<vmem>>
      %dma_start3A_64 = arith.constant 0 : i32
      %dma_start3A_65 = tpu.memref_slice %arg4[%add3A_28, %dma_start3A_64] : memref<18432x768xf32, #tpu.memory_space<hbm>> -> memref<16x768xf32, #tpu.memory_space<hbm>>
      %dma_start3A_66 = arith.constant 0 : i32
      %dma_start3A_67 = tpu.memref_slice %arg4[%add3A_28, %dma_start3A_66] : memref<18432x768xf32, #tpu.memory_space<hbm>> -> memref<16x768xf32, #tpu.memory_space<hbm>>
      %dma_start3A_68 = arith.constant 0 : i32
      %dma_start3A_69 = arith.constant 0 : i32
      %dma_start3A_70 = tpu.memref_slice %arg7[%dma_start3A_68, %dma_start3A_69] : memref<64x768xf32, #tpu.memory_space<vmem>> -> memref<16x768xf32, #tpu.memory_space<vmem>>
      tpu.enqueue_dma source(%dma_start3A_70 : memref<16x768xf32, #tpu.memory_space<vmem>>) target(%dma_start3A_67 : memref<16x768xf32, #tpu.memory_space<hbm>>) target_semaphore(%run_scoped3A : memref<!tpu.dma_semaphore, #tpu.memory_space<semaphore_mem>>)
      %dma_wait3A_71 = arith.constant 0 : i32
      %dma_wait3A_72 = arith.constant 0 : i32
      %dma_wait3A_73 = tpu.memref_slice %arg7[%dma_wait3A_71, %dma_wait3A_72] : memref<64x768xf32, #tpu.memory_space<vmem>> -> memref<16x768xf32, #tpu.memory_space<vmem>>
      %dma_wait3A_74 = arith.constant 0 : i32
      %dma_wait3A_75 = tpu.memref_slice %arg4[%add3A_28, %dma_wait3A_74] : memref<18432x768xf32, #tpu.memory_space<hbm>> -> memref<16x768xf32, #tpu.memory_space<hbm>>
      %dma_wait3A_76 = arith.constant 0 : i32
      %dma_wait3A_77 = tpu.memref_slice %arg4[%add3A_28, %dma_wait3A_76] : memref<18432x768xf32, #tpu.memory_space<hbm>> -> memref<16x768xf32, #tpu.memory_space<hbm>>
      %dma_wait3A_78 = arith.constant 0 : i32
      %dma_wait3A_79 = arith.constant 0 : i32
      %dma_wait3A_80 = tpu.memref_slice %arg7[%dma_wait3A_78, %dma_wait3A_79] : memref<64x768xf32, #tpu.memory_space<vmem>> -> memref<16x768xf32, #tpu.memory_space<vmem>>
      tpu.wait_dma2 semaphore(%run_scoped3A : memref<!tpu.dma_semaphore, #tpu.memory_space<semaphore_mem>>) src(%dma_wait3A_80 : memref<16x768xf32, #tpu.memory_space<vmem>>) dst(%dma_wait3A_77 : memref<16x768xf32, #tpu.memory_space<hbm>>)
      tpu.yield
    }) : () -> ()
    %dma_start3A_29 = arith.constant 0 : i32
    %dma_start3A_30 = arith.constant 0 : i32
    %dma_start3A_31 = tpu.memref_slice %arg7[%dma_start3A_29, %dma_start3A_30] : memref<64x768xf32, #tpu.memory_space<vmem>> -> memref<64x768xf32, #tpu.memory_space<vmem>>
    %dma_start3A_32 = arith.constant 80 : i32
    %dma_start3A_33 = tpu.memref_slice %arg6[%dma_start3A_32] : memref<144xi32, #tpu.memory_space<vmem>> -> memref<64xi32, #tpu.memory_space<vmem>>
    %dma_start3A_34 = arith.constant 0 : i32
    %dma_start3A_35 = arith.constant 0 : i32
    %dma_start3A_36 = tpu.memref_slice %arg2[%dma_start3A_34, %dma_start3A_35] : memref<36864x768xf32, #tpu.memory_space<hbm>> -> memref<36864x768xf32, #tpu.memory_space<hbm>>
    tpu.enqueue_indirect_dma source(%dma_start3A_36 : memref<36864x768xf32, #tpu.memory_space<hbm>>) target(%dma_start3A_31 : memref<64x768xf32, #tpu.memory_space<vmem>>) offsets(%dma_start3A_33 : memref<64xi32, #tpu.memory_space<vmem>>) semaphore(%arg9 : memref<!tpu.dma_semaphore, #tpu.memory_space<semaphore_mem>>)
    %dma_wait3A_37 = arith.constant 0 : i32
    %dma_wait3A_38 = arith.constant 0 : i32
    %dma_wait3A_39 = tpu.memref_slice %arg8[%dma_wait3A_37, %dma_wait3A_38] : memref<64x768xf32, #tpu.memory_space<vmem>> -> memref<64x768xf32, #tpu.memory_space<vmem>>
    %dma_wait3A_40 = arith.constant 16 : i32
    %dma_wait3A_41 = tpu.memref_slice %arg6[%dma_wait3A_40] : memref<144xi32, #tpu.memory_space<vmem>> -> memref<64xi32, #tpu.memory_space<vmem>>
    %dma_wait3A_42 = arith.constant 0 : i32
    %dma_wait3A_43 = arith.constant 0 : i32
    %dma_wait3A_44 = tpu.memref_slice %arg2[%dma_wait3A_42, %dma_wait3A_43] : memref<36864x768xf32, #tpu.memory_space<hbm>> -> memref<36864x768xf32, #tpu.memory_space<hbm>>
    tpu.wait_indirect_dma semaphore(%arg10 : memref<!tpu.dma_semaphore, #tpu.memory_space<semaphore_mem>>) src(%dma_wait3A_44 : memref<36864x768xf32, #tpu.memory_space<hbm>>) dst(%dma_wait3A_39 : memref<64x768xf32, #tpu.memory_space<vmem>>)
    %add3A_45 = arith.constant 4608 : i32
    %add3A_46 = arith.addi %add3A_45, %mul3A_2 : i32
    %add3A_47 = arith.constant 16 : i32
    %add3A_48 = arith.addi %add3A_46, %add3A_47 : i32
    "tpu.region"() ({
      %run_scoped3A = tpu.sem_alloc : memref<!tpu.dma_semaphore, #tpu.memory_space<semaphore_mem>>
      %dma_start3A_61 = arith.constant 0 : i32
      %dma_start3A_62 = arith.constant 0 : i32
      %dma_start3A_63 = tpu.memref_slice %arg8[%dma_start3A_61, %dma_start3A_62] : memref<64x768xf32, #tpu.memory_space<vmem>> -> memref<64x768xf32, #tpu.memory_space<vmem>>
      %dma_start3A_64 = arith.constant 0 : i32
      %dma_start3A_65 = tpu.memref_slice %arg4[%add3A_48, %dma_start3A_64] : memref<18432x768xf32, #tpu.memory_space<hbm>> -> memref<64x768xf32, #tpu.memory_space<hbm>>
      %dma_start3A_66 = arith.constant 0 : i32
      %dma_start3A_67 = tpu.memref_slice %arg4[%add3A_48, %dma_start3A_66] : memref<18432x768xf32, #tpu.memory_space<hbm>> -> memref<64x768xf32, #tpu.memory_space<hbm>>
      %dma_start3A_68 = arith.constant 0 : i32
      %dma_start3A_69 = arith.constant 0 : i32
      %dma_start3A_70 = tpu.memref_slice %arg8[%dma_start3A_68, %dma_start3A_69] : memref<64x768xf32, #tpu.memory_space<vmem>> -> memref<64x768xf32, #tpu.memory_space<vmem>>
      tpu.enqueue_dma source(%dma_start3A_70 : memref<64x768xf32, #tpu.memory_space<vmem>>) target(%dma_start3A_67 : memref<64x768xf32, #tpu.memory_space<hbm>>) target_semaphore(%run_scoped3A : memref<!tpu.dma_semaphore, #tpu.memory_space<semaphore_mem>>)
      %dma_wait3A_71 = arith.constant 0 : i32
      %dma_wait3A_72 = arith.constant 0 : i32
      %dma_wait3A_73 = tpu.memref_slice %arg8[%dma_wait3A_71, %dma_wait3A_72] : memref<64x768xf32, #tpu.memory_space<vmem>> -> memref<64x768xf32, #tpu.memory_space<vmem>>
      %dma_wait3A_74 = arith.constant 0 : i32
      %dma_wait3A_75 = tpu.memref_slice %arg4[%add3A_48, %dma_wait3A_74] : memref<18432x768xf32, #tpu.memory_space<hbm>> -> memref<64x768xf32, #tpu.memory_space<hbm>>
      %dma_wait3A_76 = arith.constant 0 : i32
      %dma_wait3A_77 = tpu.memref_slice %arg4[%add3A_48, %dma_wait3A_76] : memref<18432x768xf32, #tpu.memory_space<hbm>> -> memref<64x768xf32, #tpu.memory_space<hbm>>
      %dma_wait3A_78 = arith.constant 0 : i32
      %dma_wait3A_79 = arith.constant 0 : i32
      %dma_wait3A_80 = tpu.memref_slice %arg8[%dma_wait3A_78, %dma_wait3A_79] : memref<64x768xf32, #tpu.memory_space<vmem>> -> memref<64x768xf32, #tpu.memory_space<vmem>>
      tpu.wait_dma2 semaphore(%run_scoped3A : memref<!tpu.dma_semaphore, #tpu.memory_space<semaphore_mem>>) src(%dma_wait3A_80 : memref<64x768xf32, #tpu.memory_space<vmem>>) dst(%dma_wait3A_77 : memref<64x768xf32, #tpu.memory_space<hbm>>)
      tpu.yield
    }) : () -> ()
    %dma_wait3A_49 = arith.constant 0 : i32
    %dma_wait3A_50 = arith.constant 0 : i32
    %dma_wait3A_51 = tpu.memref_slice %arg7[%dma_wait3A_49, %dma_wait3A_50] : memref<64x768xf32, #tpu.memory_space<vmem>> -> memref<64x768xf32, #tpu.memory_space<vmem>>
    %dma_wait3A_52 = arith.constant 80 : i32
    %dma_wait3A_53 = tpu.memref_slice %arg6[%dma_wait3A_52] : memref<144xi32, #tpu.memory_space<vmem>> -> memref<64xi32, #tpu.memory_space<vmem>>
    %dma_wait3A_54 = arith.constant 0 : i32
    %dma_wait3A_55 = arith.constant 0 : i32
    %dma_wait3A_56 = tpu.memref_slice %arg2[%dma_wait3A_54, %dma_wait3A_55] : memref<36864x768xf32, #tpu.memory_space<hbm>> -> memref<36864x768xf32, #tpu.memory_space<hbm>>
    tpu.wait_indirect_dma semaphore(%arg9 : memref<!tpu.dma_semaphore, #tpu.memory_space<semaphore_mem>>) src(%dma_wait3A_56 : memref<36864x768xf32, #tpu.memory_space<hbm>>) dst(%dma_wait3A_51 : memref<64x768xf32, #tpu.memory_space<vmem>>)
    %add3A_57 = arith.constant 4608 : i32
    %add3A_58 = arith.addi %add3A_57, %mul3A_2 : i32
    %add3A_59 = arith.constant 80 : i32
    %add3A_60 = arith.addi %add3A_58, %add3A_59 : i32
    "tpu.region"() ({
      %run_scoped3A = tpu.sem_alloc : memref<!tpu.dma_semaphore, #tpu.memory_space<semaphore_mem>>
      %dma_start3A_61 = arith.constant 0 : i32
      %dma_start3A_62 = arith.constant 0 : i32
      %dma_start3A_63 = tpu.memref_slice %arg7[%dma_start3A_61, %dma_start3A_62] : memref<64x768xf32, #tpu.memory_space<vmem>> -> memref<64x768xf32, #tpu.memory_space<vmem>>
      %dma_start3A_64 = arith.constant 0 : i32
      %dma_start3A_65 = tpu.memref_slice %arg4[%add3A_60, %dma_start3A_64] : memref<18432x768xf32, #tpu.memory_space<hbm>> -> memref<64x768xf32, #tpu.memory_space<hbm>>
      %dma_start3A_66 = arith.constant 0 : i32
      %dma_start3A_67 = tpu.memref_slice %arg4[%add3A_60, %dma_start3A_66] : memref<18432x768xf32, #tpu.memory_space<hbm>> -> memref<64x768xf32, #tpu.memory_space<hbm>>
      %dma_start3A_68 = arith.constant 0 : i32
      %dma_start3A_69 = arith.constant 0 : i32
      %dma_start3A_70 = tpu.memref_slice %arg7[%dma_start3A_68, %dma_start3A_69] : memref<64x768xf32, #tpu.memory_space<vmem>> -> memref<64x768xf32, #tpu.memory_space<vmem>>
      tpu.enqueue_dma source(%dma_start3A_70 : memref<64x768xf32, #tpu.memory_space<vmem>>) target(%dma_start3A_67 : memref<64x768xf32, #tpu.memory_space<hbm>>) target_semaphore(%run_scoped3A : memref<!tpu.dma_semaphore, #tpu.memory_space<semaphore_mem>>)
      %dma_wait3A_71 = arith.constant 0 : i32
      %dma_wait3A_72 = arith.constant 0 : i32
      %dma_wait3A_73 = tpu.memref_slice %arg7[%dma_wait3A_71, %dma_wait3A_72] : memref<64x768xf32, #tpu.memory_space<vmem>> -> memref<64x768xf32, #tpu.memory_space<vmem>>
      %dma_wait3A_74 = arith.constant 0 : i32
      %dma_wait3A_75 = tpu.memref_slice %arg4[%add3A_60, %dma_wait3A_74] : memref<18432x768xf32, #tpu.memory_space<hbm>> -> memref<64x768xf32, #tpu.memory_space<hbm>>
      %dma_wait3A_76 = arith.constant 0 : i32
      %dma_wait3A_77 = tpu.memref_slice %arg4[%add3A_60, %dma_wait3A_76] : memref<18432x768xf32, #tpu.memory_space<hbm>> -> memref<64x768xf32, #tpu.memory_space<hbm>>
      %dma_wait3A_78 = arith.constant 0 : i32
      %dma_wait3A_79 = arith.constant 0 : i32
      %dma_wait3A_80 = tpu.memref_slice %arg7[%dma_wait3A_78, %dma_wait3A_79] : memref<64x768xf32, #tpu.memory_space<vmem>> -> memref<64x768xf32, #tpu.memory_space<vmem>>
      tpu.wait_dma2 semaphore(%run_scoped3A : memref<!tpu.dma_semaphore, #tpu.memory_space<semaphore_mem>>) src(%dma_wait3A_80 : memref<64x768xf32, #tpu.memory_space<vmem>>) dst(%dma_wait3A_77 : memref<64x768xf32, #tpu.memory_space<hbm>>)
      tpu.yield
    }) : () -> ()
    return
  }
}

module attributes {stable_mosaic.version = 14 : i64} {
  func.func @_rank_body(%arg0: i32, %arg1: memref<8x576xf32, #tpu.memory_space<vmem>>, %arg2: memref<1x576x8xf32, #tpu.memory_space<vmem>>, %arg3: memref<1x1x2304xi32, #tpu.memory_space<vmem>>) attributes {dimension_semantics = [#tpu.dimension_semantics<arbitrary>], iteration_bounds = array<i64: 2>, scalar_prefetch = 0 : i64, scratch_operands = 0 : i64, tpu.core_type = #tpu.core_type<tc>, window_params = [{transform_indices = @transform_0, window_bounds = array<i64: 8, 576>}, {transform_indices = @transform_1, window_bounds = array<i64: 1, 576, 8>}, {transform_indices = @transform_2, window_bounds = array<i64: 1, 1, 2304>}]} {
    %get3A = arith.constant 0 : index
    %get3A_0 = arith.constant 0 : index
    %get3A_1 = vector.load %arg1[%get3A, %get3A_0] : memref<8x576xf32, #tpu.memory_space<vmem>>, vector<8x576xf32>
    %bitcast_convert_type3A = tpu.bitcast %get3A_1 : vector<8x576xf32> -> vector<8x576xi32>
    %shift_right_arithmetic3A = arith.constant 31 : i32
    %shift_right_arithmetic3A_2 = vector.broadcast %shift_right_arithmetic3A : i32 to vector<8x576xi32>
    %shift_right_arithmetic3A_3 = arith.shrsi %bitcast_convert_type3A, %shift_right_arithmetic3A_2 : vector<8x576xi32>
    %and3A = arith.constant 2147483647 : i32
    %and3A_4 = vector.broadcast %and3A : i32 to vector<8x576xi32>
    %and3A_5 = arith.andi %shift_right_arithmetic3A_3, %and3A_4 : vector<8x576xi32>
    %xor3A = arith.xori %bitcast_convert_type3A, %and3A_5 : vector<8x576xi32>
    %get3A_6 = arith.constant 0 : index
    %get3A_7 = arith.constant 0 : index
    %get3A_8 = arith.constant 0 : index
    %get3A_9 = vector.load %arg2[%get3A_6, %get3A_7, %get3A_8] : memref<1x576x8xf32, #tpu.memory_space<vmem>>, vector<1x576x8xf32>
    %get3A_10 = vector.shape_cast %get3A_9 : vector<1x576x8xf32> to vector<576x8xf32>
    %bitcast_convert_type3A_11 = tpu.bitcast %get3A_10 : vector<576x8xf32> -> vector<576x8xi32>
    %shift_right_arithmetic3A_12 = arith.constant 31 : i32
    %shift_right_arithmetic3A_13 = vector.broadcast %shift_right_arithmetic3A_12 : i32 to vector<576x8xi32>
    %shift_right_arithmetic3A_14 = arith.shrsi %bitcast_convert_type3A_11, %shift_right_arithmetic3A_13 : vector<576x8xi32>
    %and3A_15 = arith.constant 2147483647 : i32
    %and3A_16 = vector.broadcast %and3A_15 : i32 to vector<576x8xi32>
    %and3A_17 = arith.andi %shift_right_arithmetic3A_14, %and3A_16 : vector<576x8xi32>
    %xor3A_18 = arith.xori %bitcast_convert_type3A_11, %and3A_17 : vector<576x8xi32>
    %iota3A = tpu.iota {dimensions = array<i32: 0>} : vector<576x1xi32>
    %iota3A_19 = tpu.iota {dimensions = array<i32: 1>} : vector<1x576xi32>
    %iota3A_20 = tpu.iota {dimensions = array<i32: 1>} : vector<1x288xi32>
    %slice3A = vector.extract_strided_slice %xor3A_18 {offsets = [0, 0], sizes = [576, 1], strides = [1, 1]} : vector<576x8xi32> to vector<576x1xi32>
    %slice3A_21 = vector.extract_strided_slice %xor3A {offsets = [0, 0], sizes = [1, 576], strides = [1, 1]} : vector<8x576xi32> to vector<1x576xi32>
    %gt3A = vector.broadcast %slice3A_21 : vector<1x576xi32> to vector<576x576xi32>
    %gt3A_22 = vector.broadcast %slice3A : vector<576x1xi32> to vector<576x576xi32>
    %gt3A_23 = arith.cmpi sgt, %gt3A, %gt3A_22 : vector<576x576xi32>
    %eq3A = vector.broadcast %slice3A_21 : vector<1x576xi32> to vector<576x576xi32>
    %eq3A_24 = vector.broadcast %slice3A : vector<576x1xi32> to vector<576x576xi32>
    %eq3A_25 = arith.cmpi eq, %eq3A, %eq3A_24 : vector<576x576xi32>
    %lt3A = vector.broadcast %iota3A_19 : vector<1x576xi32> to vector<576x576xi32>
    %lt3A_26 = vector.broadcast %iota3A : vector<576x1xi32> to vector<576x576xi32>
    %lt3A_27 = arith.cmpi slt, %lt3A, %lt3A_26 : vector<576x576xi32>
    %and3A_28 = arith.andi %eq3A_25, %lt3A_27 : vector<576x576xi1>
    %or3A = arith.ori %gt3A_23, %and3A_28 : vector<576x576xi1>
    %convert_element_type3A = arith.extui %or3A : vector<576x576xi1> to vector<576x576xi32>
    %reduce_sum3A = arith.constant dense<0> : vector<576xi32>
    %reduce_sum3A_29 = vector.multi_reduction <add>, %convert_element_type3A, %reduce_sum3A [1] : vector<576x576xi32> to vector<576xi32>
    %broadcast_in_dim3A = vector.shape_cast %reduce_sum3A_29 : vector<576xi32> to vector<576x1xi32>
    %eq3A_30 = vector.broadcast %broadcast_in_dim3A : vector<576x1xi32> to vector<576x288xi32>
    %eq3A_31 = vector.broadcast %iota3A_20 : vector<1x288xi32> to vector<576x288xi32>
    %eq3A_32 = arith.cmpi eq, %eq3A_30, %eq3A_31 : vector<576x288xi32>
    %convert_element_type3A_33 = arith.extui %eq3A_32 : vector<576x288xi1> to vector<576x288xi32>
    %mul3A = vector.broadcast %iota3A : vector<576x1xi32> to vector<576x288xi32>
    %mul3A_34 = arith.muli %convert_element_type3A_33, %mul3A : vector<576x288xi32>
    %reduce_sum3A_35 = arith.constant dense<0> : vector<288xi32>
    %reduce_sum3A_36 = vector.multi_reduction <add>, %mul3A_34, %reduce_sum3A_35 [0] : vector<576x288xi32> to vector<288xi32>
    %broadcast_in_dim3A_37 = vector.shape_cast %reduce_sum3A_36 : vector<288xi32> to vector<1x288xi32>
    %mul3A_38 = arith.constant 8 : i32
    %mul3A_39 = arith.muli %arg0, %mul3A_38 : i32
    %add3A = arith.constant 0 : i32
    %add3A_40 = arith.addi %add3A, %mul3A_39 : i32
    %add3A_41 = arith.constant 0 : i32
    %add3A_42 = arith.addi %add3A_40, %add3A_41 : i32
    %mul3A_43 = arith.constant 576 : i32
    %mul3A_44 = arith.muli %add3A_42, %mul3A_43 : i32
    %add3A_45 = vector.broadcast %mul3A_44 : i32 to vector<1x288xi32>
    %add3A_46 = arith.addi %broadcast_in_dim3A_37, %add3A_45 : vector<1x288xi32>
    %slice3A_47 = vector.extract_strided_slice %xor3A_18 {offsets = [0, 1], sizes = [576, 1], strides = [1, 1]} : vector<576x8xi32> to vector<576x1xi32>
    %slice3A_48 = vector.extract_strided_slice %xor3A {offsets = [1, 0], sizes = [1, 576], strides = [1, 1]} : vector<8x576xi32> to vector<1x576xi32>
    %gt3A_49 = vector.broadcast %slice3A_48 : vector<1x576xi32> to vector<576x576xi32>
    %gt3A_50 = vector.broadcast %slice3A_47 : vector<576x1xi32> to vector<576x576xi32>
    %gt3A_51 = arith.cmpi sgt, %gt3A_49, %gt3A_50 : vector<576x576xi32>
    %eq3A_52 = vector.broadcast %slice3A_48 : vector<1x576xi32> to vector<576x576xi32>
    %eq3A_53 = vector.broadcast %slice3A_47 : vector<576x1xi32> to vector<576x576xi32>
    %eq3A_54 = arith.cmpi eq, %eq3A_52, %eq3A_53 : vector<576x576xi32>
    %lt3A_55 = vector.broadcast %iota3A_19 : vector<1x576xi32> to vector<576x576xi32>
    %lt3A_56 = vector.broadcast %iota3A : vector<576x1xi32> to vector<576x576xi32>
    %lt3A_57 = arith.cmpi slt, %lt3A_55, %lt3A_56 : vector<576x576xi32>
    %and3A_58 = arith.andi %eq3A_54, %lt3A_57 : vector<576x576xi1>
    %or3A_59 = arith.ori %gt3A_51, %and3A_58 : vector<576x576xi1>
    %convert_element_type3A_60 = arith.extui %or3A_59 : vector<576x576xi1> to vector<576x576xi32>
    %reduce_sum3A_61 = arith.constant dense<0> : vector<576xi32>
    %reduce_sum3A_62 = vector.multi_reduction <add>, %convert_element_type3A_60, %reduce_sum3A_61 [1] : vector<576x576xi32> to vector<576xi32>
    %broadcast_in_dim3A_63 = vector.shape_cast %reduce_sum3A_62 : vector<576xi32> to vector<576x1xi32>
    %eq3A_64 = vector.broadcast %broadcast_in_dim3A_63 : vector<576x1xi32> to vector<576x288xi32>
    %eq3A_65 = vector.broadcast %iota3A_20 : vector<1x288xi32> to vector<576x288xi32>
    %eq3A_66 = arith.cmpi eq, %eq3A_64, %eq3A_65 : vector<576x288xi32>
    %convert_element_type3A_67 = arith.extui %eq3A_66 : vector<576x288xi1> to vector<576x288xi32>
    %mul3A_68 = vector.broadcast %iota3A : vector<576x1xi32> to vector<576x288xi32>
    %mul3A_69 = arith.muli %convert_element_type3A_67, %mul3A_68 : vector<576x288xi32>
    %reduce_sum3A_70 = arith.constant dense<0> : vector<288xi32>
    %reduce_sum3A_71 = vector.multi_reduction <add>, %mul3A_69, %reduce_sum3A_70 [0] : vector<576x288xi32> to vector<288xi32>
    %broadcast_in_dim3A_72 = vector.shape_cast %reduce_sum3A_71 : vector<288xi32> to vector<1x288xi32>
    %mul3A_73 = arith.constant 8 : i32
    %mul3A_74 = arith.muli %arg0, %mul3A_73 : i32
    %add3A_75 = arith.constant 0 : i32
    %add3A_76 = arith.addi %add3A_75, %mul3A_74 : i32
    %add3A_77 = arith.constant 1 : i32
    %add3A_78 = arith.addi %add3A_76, %add3A_77 : i32
    %mul3A_79 = arith.constant 576 : i32
    %mul3A_80 = arith.muli %add3A_78, %mul3A_79 : i32
    %add3A_81 = vector.broadcast %mul3A_80 : i32 to vector<1x288xi32>
    %add3A_82 = arith.addi %broadcast_in_dim3A_72, %add3A_81 : vector<1x288xi32>
    %slice3A_83 = vector.extract_strided_slice %xor3A_18 {offsets = [0, 2], sizes = [576, 1], strides = [1, 1]} : vector<576x8xi32> to vector<576x1xi32>
    %slice3A_84 = vector.extract_strided_slice %xor3A {offsets = [2, 0], sizes = [1, 576], strides = [1, 1]} : vector<8x576xi32> to vector<1x576xi32>
    %gt3A_85 = vector.broadcast %slice3A_84 : vector<1x576xi32> to vector<576x576xi32>
    %gt3A_86 = vector.broadcast %slice3A_83 : vector<576x1xi32> to vector<576x576xi32>
    %gt3A_87 = arith.cmpi sgt, %gt3A_85, %gt3A_86 : vector<576x576xi32>
    %eq3A_88 = vector.broadcast %slice3A_84 : vector<1x576xi32> to vector<576x576xi32>
    %eq3A_89 = vector.broadcast %slice3A_83 : vector<576x1xi32> to vector<576x576xi32>
    %eq3A_90 = arith.cmpi eq, %eq3A_88, %eq3A_89 : vector<576x576xi32>
    %lt3A_91 = vector.broadcast %iota3A_19 : vector<1x576xi32> to vector<576x576xi32>
    %lt3A_92 = vector.broadcast %iota3A : vector<576x1xi32> to vector<576x576xi32>
    %lt3A_93 = arith.cmpi slt, %lt3A_91, %lt3A_92 : vector<576x576xi32>
    %and3A_94 = arith.andi %eq3A_90, %lt3A_93 : vector<576x576xi1>
    %or3A_95 = arith.ori %gt3A_87, %and3A_94 : vector<576x576xi1>
    %convert_element_type3A_96 = arith.extui %or3A_95 : vector<576x576xi1> to vector<576x576xi32>
    %reduce_sum3A_97 = arith.constant dense<0> : vector<576xi32>
    %reduce_sum3A_98 = vector.multi_reduction <add>, %convert_element_type3A_96, %reduce_sum3A_97 [1] : vector<576x576xi32> to vector<576xi32>
    %broadcast_in_dim3A_99 = vector.shape_cast %reduce_sum3A_98 : vector<576xi32> to vector<576x1xi32>
    %eq3A_100 = vector.broadcast %broadcast_in_dim3A_99 : vector<576x1xi32> to vector<576x288xi32>
    %eq3A_101 = vector.broadcast %iota3A_20 : vector<1x288xi32> to vector<576x288xi32>
    %eq3A_102 = arith.cmpi eq, %eq3A_100, %eq3A_101 : vector<576x288xi32>
    %convert_element_type3A_103 = arith.extui %eq3A_102 : vector<576x288xi1> to vector<576x288xi32>
    %mul3A_104 = vector.broadcast %iota3A : vector<576x1xi32> to vector<576x288xi32>
    %mul3A_105 = arith.muli %convert_element_type3A_103, %mul3A_104 : vector<576x288xi32>
    %reduce_sum3A_106 = arith.constant dense<0> : vector<288xi32>
    %reduce_sum3A_107 = vector.multi_reduction <add>, %mul3A_105, %reduce_sum3A_106 [0] : vector<576x288xi32> to vector<288xi32>
    %broadcast_in_dim3A_108 = vector.shape_cast %reduce_sum3A_107 : vector<288xi32> to vector<1x288xi32>
    %mul3A_109 = arith.constant 8 : i32
    %mul3A_110 = arith.muli %arg0, %mul3A_109 : i32
    %add3A_111 = arith.constant 0 : i32
    %add3A_112 = arith.addi %add3A_111, %mul3A_110 : i32
    %add3A_113 = arith.constant 2 : i32
    %add3A_114 = arith.addi %add3A_112, %add3A_113 : i32
    %mul3A_115 = arith.constant 576 : i32
    %mul3A_116 = arith.muli %add3A_114, %mul3A_115 : i32
    %add3A_117 = vector.broadcast %mul3A_116 : i32 to vector<1x288xi32>
    %add3A_118 = arith.addi %broadcast_in_dim3A_108, %add3A_117 : vector<1x288xi32>
    %slice3A_119 = vector.extract_strided_slice %xor3A_18 {offsets = [0, 3], sizes = [576, 1], strides = [1, 1]} : vector<576x8xi32> to vector<576x1xi32>
    %slice3A_120 = vector.extract_strided_slice %xor3A {offsets = [3, 0], sizes = [1, 576], strides = [1, 1]} : vector<8x576xi32> to vector<1x576xi32>
    %gt3A_121 = vector.broadcast %slice3A_120 : vector<1x576xi32> to vector<576x576xi32>
    %gt3A_122 = vector.broadcast %slice3A_119 : vector<576x1xi32> to vector<576x576xi32>
    %gt3A_123 = arith.cmpi sgt, %gt3A_121, %gt3A_122 : vector<576x576xi32>
    %eq3A_124 = vector.broadcast %slice3A_120 : vector<1x576xi32> to vector<576x576xi32>
    %eq3A_125 = vector.broadcast %slice3A_119 : vector<576x1xi32> to vector<576x576xi32>
    %eq3A_126 = arith.cmpi eq, %eq3A_124, %eq3A_125 : vector<576x576xi32>
    %lt3A_127 = vector.broadcast %iota3A_19 : vector<1x576xi32> to vector<576x576xi32>
    %lt3A_128 = vector.broadcast %iota3A : vector<576x1xi32> to vector<576x576xi32>
    %lt3A_129 = arith.cmpi slt, %lt3A_127, %lt3A_128 : vector<576x576xi32>
    %and3A_130 = arith.andi %eq3A_126, %lt3A_129 : vector<576x576xi1>
    %or3A_131 = arith.ori %gt3A_123, %and3A_130 : vector<576x576xi1>
    %convert_element_type3A_132 = arith.extui %or3A_131 : vector<576x576xi1> to vector<576x576xi32>
    %reduce_sum3A_133 = arith.constant dense<0> : vector<576xi32>
    %reduce_sum3A_134 = vector.multi_reduction <add>, %convert_element_type3A_132, %reduce_sum3A_133 [1] : vector<576x576xi32> to vector<576xi32>
    %broadcast_in_dim3A_135 = vector.shape_cast %reduce_sum3A_134 : vector<576xi32> to vector<576x1xi32>
    %eq3A_136 = vector.broadcast %broadcast_in_dim3A_135 : vector<576x1xi32> to vector<576x288xi32>
    %eq3A_137 = vector.broadcast %iota3A_20 : vector<1x288xi32> to vector<576x288xi32>
    %eq3A_138 = arith.cmpi eq, %eq3A_136, %eq3A_137 : vector<576x288xi32>
    %convert_element_type3A_139 = arith.extui %eq3A_138 : vector<576x288xi1> to vector<576x288xi32>
    %mul3A_140 = vector.broadcast %iota3A : vector<576x1xi32> to vector<576x288xi32>
    %mul3A_141 = arith.muli %convert_element_type3A_139, %mul3A_140 : vector<576x288xi32>
    %reduce_sum3A_142 = arith.constant dense<0> : vector<288xi32>
    %reduce_sum3A_143 = vector.multi_reduction <add>, %mul3A_141, %reduce_sum3A_142 [0] : vector<576x288xi32> to vector<288xi32>
    %broadcast_in_dim3A_144 = vector.shape_cast %reduce_sum3A_143 : vector<288xi32> to vector<1x288xi32>
    %mul3A_145 = arith.constant 8 : i32
    %mul3A_146 = arith.muli %arg0, %mul3A_145 : i32
    %add3A_147 = arith.constant 0 : i32
    %add3A_148 = arith.addi %add3A_147, %mul3A_146 : i32
    %add3A_149 = arith.constant 3 : i32
    %add3A_150 = arith.addi %add3A_148, %add3A_149 : i32
    %mul3A_151 = arith.constant 576 : i32
    %mul3A_152 = arith.muli %add3A_150, %mul3A_151 : i32
    %add3A_153 = vector.broadcast %mul3A_152 : i32 to vector<1x288xi32>
    %add3A_154 = arith.addi %broadcast_in_dim3A_144, %add3A_153 : vector<1x288xi32>
    %slice3A_155 = vector.extract_strided_slice %xor3A_18 {offsets = [0, 4], sizes = [576, 1], strides = [1, 1]} : vector<576x8xi32> to vector<576x1xi32>
    %slice3A_156 = vector.extract_strided_slice %xor3A {offsets = [4, 0], sizes = [1, 576], strides = [1, 1]} : vector<8x576xi32> to vector<1x576xi32>
    %gt3A_157 = vector.broadcast %slice3A_156 : vector<1x576xi32> to vector<576x576xi32>
    %gt3A_158 = vector.broadcast %slice3A_155 : vector<576x1xi32> to vector<576x576xi32>
    %gt3A_159 = arith.cmpi sgt, %gt3A_157, %gt3A_158 : vector<576x576xi32>
    %eq3A_160 = vector.broadcast %slice3A_156 : vector<1x576xi32> to vector<576x576xi32>
    %eq3A_161 = vector.broadcast %slice3A_155 : vector<576x1xi32> to vector<576x576xi32>
    %eq3A_162 = arith.cmpi eq, %eq3A_160, %eq3A_161 : vector<576x576xi32>
    %lt3A_163 = vector.broadcast %iota3A_19 : vector<1x576xi32> to vector<576x576xi32>
    %lt3A_164 = vector.broadcast %iota3A : vector<576x1xi32> to vector<576x576xi32>
    %lt3A_165 = arith.cmpi slt, %lt3A_163, %lt3A_164 : vector<576x576xi32>
    %and3A_166 = arith.andi %eq3A_162, %lt3A_165 : vector<576x576xi1>
    %or3A_167 = arith.ori %gt3A_159, %and3A_166 : vector<576x576xi1>
    %convert_element_type3A_168 = arith.extui %or3A_167 : vector<576x576xi1> to vector<576x576xi32>
    %reduce_sum3A_169 = arith.constant dense<0> : vector<576xi32>
    %reduce_sum3A_170 = vector.multi_reduction <add>, %convert_element_type3A_168, %reduce_sum3A_169 [1] : vector<576x576xi32> to vector<576xi32>
    %broadcast_in_dim3A_171 = vector.shape_cast %reduce_sum3A_170 : vector<576xi32> to vector<576x1xi32>
    %eq3A_172 = vector.broadcast %broadcast_in_dim3A_171 : vector<576x1xi32> to vector<576x288xi32>
    %eq3A_173 = vector.broadcast %iota3A_20 : vector<1x288xi32> to vector<576x288xi32>
    %eq3A_174 = arith.cmpi eq, %eq3A_172, %eq3A_173 : vector<576x288xi32>
    %convert_element_type3A_175 = arith.extui %eq3A_174 : vector<576x288xi1> to vector<576x288xi32>
    %mul3A_176 = vector.broadcast %iota3A : vector<576x1xi32> to vector<576x288xi32>
    %mul3A_177 = arith.muli %convert_element_type3A_175, %mul3A_176 : vector<576x288xi32>
    %reduce_sum3A_178 = arith.constant dense<0> : vector<288xi32>
    %reduce_sum3A_179 = vector.multi_reduction <add>, %mul3A_177, %reduce_sum3A_178 [0] : vector<576x288xi32> to vector<288xi32>
    %broadcast_in_dim3A_180 = vector.shape_cast %reduce_sum3A_179 : vector<288xi32> to vector<1x288xi32>
    %mul3A_181 = arith.constant 8 : i32
    %mul3A_182 = arith.muli %arg0, %mul3A_181 : i32
    %add3A_183 = arith.constant 0 : i32
    %add3A_184 = arith.addi %add3A_183, %mul3A_182 : i32
    %add3A_185 = arith.constant 4 : i32
    %add3A_186 = arith.addi %add3A_184, %add3A_185 : i32
    %mul3A_187 = arith.constant 576 : i32
    %mul3A_188 = arith.muli %add3A_186, %mul3A_187 : i32
    %add3A_189 = vector.broadcast %mul3A_188 : i32 to vector<1x288xi32>
    %add3A_190 = arith.addi %broadcast_in_dim3A_180, %add3A_189 : vector<1x288xi32>
    %slice3A_191 = vector.extract_strided_slice %xor3A_18 {offsets = [0, 5], sizes = [576, 1], strides = [1, 1]} : vector<576x8xi32> to vector<576x1xi32>
    %slice3A_192 = vector.extract_strided_slice %xor3A {offsets = [5, 0], sizes = [1, 576], strides = [1, 1]} : vector<8x576xi32> to vector<1x576xi32>
    %gt3A_193 = vector.broadcast %slice3A_192 : vector<1x576xi32> to vector<576x576xi32>
    %gt3A_194 = vector.broadcast %slice3A_191 : vector<576x1xi32> to vector<576x576xi32>
    %gt3A_195 = arith.cmpi sgt, %gt3A_193, %gt3A_194 : vector<576x576xi32>
    %eq3A_196 = vector.broadcast %slice3A_192 : vector<1x576xi32> to vector<576x576xi32>
    %eq3A_197 = vector.broadcast %slice3A_191 : vector<576x1xi32> to vector<576x576xi32>
    %eq3A_198 = arith.cmpi eq, %eq3A_196, %eq3A_197 : vector<576x576xi32>
    %lt3A_199 = vector.broadcast %iota3A_19 : vector<1x576xi32> to vector<576x576xi32>
    %lt3A_200 = vector.broadcast %iota3A : vector<576x1xi32> to vector<576x576xi32>
    %lt3A_201 = arith.cmpi slt, %lt3A_199, %lt3A_200 : vector<576x576xi32>
    %and3A_202 = arith.andi %eq3A_198, %lt3A_201 : vector<576x576xi1>
    %or3A_203 = arith.ori %gt3A_195, %and3A_202 : vector<576x576xi1>
    %convert_element_type3A_204 = arith.extui %or3A_203 : vector<576x576xi1> to vector<576x576xi32>
    %reduce_sum3A_205 = arith.constant dense<0> : vector<576xi32>
    %reduce_sum3A_206 = vector.multi_reduction <add>, %convert_element_type3A_204, %reduce_sum3A_205 [1] : vector<576x576xi32> to vector<576xi32>
    %broadcast_in_dim3A_207 = vector.shape_cast %reduce_sum3A_206 : vector<576xi32> to vector<576x1xi32>
    %eq3A_208 = vector.broadcast %broadcast_in_dim3A_207 : vector<576x1xi32> to vector<576x288xi32>
    %eq3A_209 = vector.broadcast %iota3A_20 : vector<1x288xi32> to vector<576x288xi32>
    %eq3A_210 = arith.cmpi eq, %eq3A_208, %eq3A_209 : vector<576x288xi32>
    %convert_element_type3A_211 = arith.extui %eq3A_210 : vector<576x288xi1> to vector<576x288xi32>
    %mul3A_212 = vector.broadcast %iota3A : vector<576x1xi32> to vector<576x288xi32>
    %mul3A_213 = arith.muli %convert_element_type3A_211, %mul3A_212 : vector<576x288xi32>
    %reduce_sum3A_214 = arith.constant dense<0> : vector<288xi32>
    %reduce_sum3A_215 = vector.multi_reduction <add>, %mul3A_213, %reduce_sum3A_214 [0] : vector<576x288xi32> to vector<288xi32>
    %broadcast_in_dim3A_216 = vector.shape_cast %reduce_sum3A_215 : vector<288xi32> to vector<1x288xi32>
    %mul3A_217 = arith.constant 8 : i32
    %mul3A_218 = arith.muli %arg0, %mul3A_217 : i32
    %add3A_219 = arith.constant 0 : i32
    %add3A_220 = arith.addi %add3A_219, %mul3A_218 : i32
    %add3A_221 = arith.constant 5 : i32
    %add3A_222 = arith.addi %add3A_220, %add3A_221 : i32
    %mul3A_223 = arith.constant 576 : i32
    %mul3A_224 = arith.muli %add3A_222, %mul3A_223 : i32
    %add3A_225 = vector.broadcast %mul3A_224 : i32 to vector<1x288xi32>
    %add3A_226 = arith.addi %broadcast_in_dim3A_216, %add3A_225 : vector<1x288xi32>
    %slice3A_227 = vector.extract_strided_slice %xor3A_18 {offsets = [0, 6], sizes = [576, 1], strides = [1, 1]} : vector<576x8xi32> to vector<576x1xi32>
    %slice3A_228 = vector.extract_strided_slice %xor3A {offsets = [6, 0], sizes = [1, 576], strides = [1, 1]} : vector<8x576xi32> to vector<1x576xi32>
    %gt3A_229 = vector.broadcast %slice3A_228 : vector<1x576xi32> to vector<576x576xi32>
    %gt3A_230 = vector.broadcast %slice3A_227 : vector<576x1xi32> to vector<576x576xi32>
    %gt3A_231 = arith.cmpi sgt, %gt3A_229, %gt3A_230 : vector<576x576xi32>
    %eq3A_232 = vector.broadcast %slice3A_228 : vector<1x576xi32> to vector<576x576xi32>
    %eq3A_233 = vector.broadcast %slice3A_227 : vector<576x1xi32> to vector<576x576xi32>
    %eq3A_234 = arith.cmpi eq, %eq3A_232, %eq3A_233 : vector<576x576xi32>
    %lt3A_235 = vector.broadcast %iota3A_19 : vector<1x576xi32> to vector<576x576xi32>
    %lt3A_236 = vector.broadcast %iota3A : vector<576x1xi32> to vector<576x576xi32>
    %lt3A_237 = arith.cmpi slt, %lt3A_235, %lt3A_236 : vector<576x576xi32>
    %and3A_238 = arith.andi %eq3A_234, %lt3A_237 : vector<576x576xi1>
    %or3A_239 = arith.ori %gt3A_231, %and3A_238 : vector<576x576xi1>
    %convert_element_type3A_240 = arith.extui %or3A_239 : vector<576x576xi1> to vector<576x576xi32>
    %reduce_sum3A_241 = arith.constant dense<0> : vector<576xi32>
    %reduce_sum3A_242 = vector.multi_reduction <add>, %convert_element_type3A_240, %reduce_sum3A_241 [1] : vector<576x576xi32> to vector<576xi32>
    %broadcast_in_dim3A_243 = vector.shape_cast %reduce_sum3A_242 : vector<576xi32> to vector<576x1xi32>
    %eq3A_244 = vector.broadcast %broadcast_in_dim3A_243 : vector<576x1xi32> to vector<576x288xi32>
    %eq3A_245 = vector.broadcast %iota3A_20 : vector<1x288xi32> to vector<576x288xi32>
    %eq3A_246 = arith.cmpi eq, %eq3A_244, %eq3A_245 : vector<576x288xi32>
    %convert_element_type3A_247 = arith.extui %eq3A_246 : vector<576x288xi1> to vector<576x288xi32>
    %mul3A_248 = vector.broadcast %iota3A : vector<576x1xi32> to vector<576x288xi32>
    %mul3A_249 = arith.muli %convert_element_type3A_247, %mul3A_248 : vector<576x288xi32>
    %reduce_sum3A_250 = arith.constant dense<0> : vector<288xi32>
    %reduce_sum3A_251 = vector.multi_reduction <add>, %mul3A_249, %reduce_sum3A_250 [0] : vector<576x288xi32> to vector<288xi32>
    %broadcast_in_dim3A_252 = vector.shape_cast %reduce_sum3A_251 : vector<288xi32> to vector<1x288xi32>
    %mul3A_253 = arith.constant 8 : i32
    %mul3A_254 = arith.muli %arg0, %mul3A_253 : i32
    %add3A_255 = arith.constant 0 : i32
    %add3A_256 = arith.addi %add3A_255, %mul3A_254 : i32
    %add3A_257 = arith.constant 6 : i32
    %add3A_258 = arith.addi %add3A_256, %add3A_257 : i32
    %mul3A_259 = arith.constant 576 : i32
    %mul3A_260 = arith.muli %add3A_258, %mul3A_259 : i32
    %add3A_261 = vector.broadcast %mul3A_260 : i32 to vector<1x288xi32>
    %add3A_262 = arith.addi %broadcast_in_dim3A_252, %add3A_261 : vector<1x288xi32>
    %slice3A_263 = vector.extract_strided_slice %xor3A_18 {offsets = [0, 7], sizes = [576, 1], strides = [1, 1]} : vector<576x8xi32> to vector<576x1xi32>
    %slice3A_264 = vector.extract_strided_slice %xor3A {offsets = [7, 0], sizes = [1, 576], strides = [1, 1]} : vector<8x576xi32> to vector<1x576xi32>
    %gt3A_265 = vector.broadcast %slice3A_264 : vector<1x576xi32> to vector<576x576xi32>
    %gt3A_266 = vector.broadcast %slice3A_263 : vector<576x1xi32> to vector<576x576xi32>
    %gt3A_267 = arith.cmpi sgt, %gt3A_265, %gt3A_266 : vector<576x576xi32>
    %eq3A_268 = vector.broadcast %slice3A_264 : vector<1x576xi32> to vector<576x576xi32>
    %eq3A_269 = vector.broadcast %slice3A_263 : vector<576x1xi32> to vector<576x576xi32>
    %eq3A_270 = arith.cmpi eq, %eq3A_268, %eq3A_269 : vector<576x576xi32>
    %lt3A_271 = vector.broadcast %iota3A_19 : vector<1x576xi32> to vector<576x576xi32>
    %lt3A_272 = vector.broadcast %iota3A : vector<576x1xi32> to vector<576x576xi32>
    %lt3A_273 = arith.cmpi slt, %lt3A_271, %lt3A_272 : vector<576x576xi32>
    %and3A_274 = arith.andi %eq3A_270, %lt3A_273 : vector<576x576xi1>
    %or3A_275 = arith.ori %gt3A_267, %and3A_274 : vector<576x576xi1>
    %convert_element_type3A_276 = arith.extui %or3A_275 : vector<576x576xi1> to vector<576x576xi32>
    %reduce_sum3A_277 = arith.constant dense<0> : vector<576xi32>
    %reduce_sum3A_278 = vector.multi_reduction <add>, %convert_element_type3A_276, %reduce_sum3A_277 [1] : vector<576x576xi32> to vector<576xi32>
    %broadcast_in_dim3A_279 = vector.shape_cast %reduce_sum3A_278 : vector<576xi32> to vector<576x1xi32>
    %eq3A_280 = vector.broadcast %broadcast_in_dim3A_279 : vector<576x1xi32> to vector<576x288xi32>
    %eq3A_281 = vector.broadcast %iota3A_20 : vector<1x288xi32> to vector<576x288xi32>
    %eq3A_282 = arith.cmpi eq, %eq3A_280, %eq3A_281 : vector<576x288xi32>
    %convert_element_type3A_283 = arith.extui %eq3A_282 : vector<576x288xi1> to vector<576x288xi32>
    %mul3A_284 = vector.broadcast %iota3A : vector<576x1xi32> to vector<576x288xi32>
    %mul3A_285 = arith.muli %convert_element_type3A_283, %mul3A_284 : vector<576x288xi32>
    %reduce_sum3A_286 = arith.constant dense<0> : vector<288xi32>
    %reduce_sum3A_287 = vector.multi_reduction <add>, %mul3A_285, %reduce_sum3A_286 [0] : vector<576x288xi32> to vector<288xi32>
    %broadcast_in_dim3A_288 = vector.shape_cast %reduce_sum3A_287 : vector<288xi32> to vector<1x288xi32>
    %mul3A_289 = arith.constant 8 : i32
    %mul3A_290 = arith.muli %arg0, %mul3A_289 : i32
    %add3A_291 = arith.constant 0 : i32
    %add3A_292 = arith.addi %add3A_291, %mul3A_290 : i32
    %add3A_293 = arith.constant 7 : i32
    %add3A_294 = arith.addi %add3A_292, %add3A_293 : i32
    %mul3A_295 = arith.constant 576 : i32
    %mul3A_296 = arith.muli %add3A_294, %mul3A_295 : i32
    %add3A_297 = vector.broadcast %mul3A_296 : i32 to vector<1x288xi32>
    %add3A_298 = arith.addi %broadcast_in_dim3A_288, %add3A_297 : vector<1x288xi32>
    %concatenate3A = tpu.concatenate %add3A_46, %add3A_82, %add3A_118, %add3A_154, %add3A_190, %add3A_226, %add3A_262, %add3A_298 in 1 : vector<1x288xi32>, vector<1x288xi32>, vector<1x288xi32>, vector<1x288xi32>, vector<1x288xi32>, vector<1x288xi32>, vector<1x288xi32>, vector<1x288xi32> -> vector<1x2304xi32>
    %reshape3A = vector.shape_cast %concatenate3A : vector<1x2304xi32> to vector<2304xi32>
    %swap3A = arith.constant 0 : index
    %swap3A_299 = arith.constant 0 : index
    %swap3A_300 = arith.constant 0 : index
    %swap3A_301 = vector.load %arg3[%swap3A, %swap3A_299, %swap3A_300] : memref<1x1x2304xi32, #tpu.memory_space<vmem>>, vector<1x1x2304xi32>
    %swap3A_302 = vector.shape_cast %swap3A_301 : vector<1x1x2304xi32> to vector<2304xi32>
    %swap3A_303 = vector.shape_cast %reshape3A : vector<2304xi32> to vector<1x1x2304xi32>
    tpu.vector_store %arg3[%swap3A, %swap3A_299, %swap3A_300], %swap3A_303 {strides = array<i32>} : memref<1x1x2304xi32, #tpu.memory_space<vmem>>, vector<1x1x2304xi32>,
    return
  }
  func.func @transform_0(%arg0: i32) -> (i32, i32) {
    %add3A = arith.constant 0 : i32
    %add3A_0 = arith.addi %add3A, %arg0 : i32
    %c0_i32 = arith.constant 0 : i32
    %c0_i32_1 = arith.constant 0 : i32
    return %add3A_0, %c0_i32 : i32, i32
  }
  func.func @transform_1(%arg0: i32) -> (i32, i32, i32) {
    %add3A = arith.constant 0 : i32
    %add3A_0 = arith.addi %add3A, %arg0 : i32
    %c0_i32 = arith.constant 0 : i32
    %c0_i32_1 = arith.constant 0 : i32
    %c0_i32_2 = arith.constant 0 : i32
    return %add3A_0, %c0_i32, %c0_i32_1 : i32, i32, i32
  }
  func.func @transform_2(%arg0: i32) -> (i32, i32, i32) {
    %c0_i32 = arith.constant 0 : i32
    %c0_i32_0 = arith.constant 0 : i32
    %c0_i32_1 = arith.constant 0 : i32
    return %arg0, %c0_i32, %c0_i32_0 : i32, i32, i32
  }
}

module attributes {stable_mosaic.version = 14 : i64} {
  func.func @_rank_body(%arg0: i32, %arg1: memref<8x576xf32, #tpu.memory_space<vmem>>, %arg2: memref<1x576x8xf32, #tpu.memory_space<vmem>>, %arg3: memref<1x1x2304xi32, #tpu.memory_space<vmem>>) attributes {dimension_semantics = [#tpu.dimension_semantics<arbitrary>], iteration_bounds = array<i64: 2>, scalar_prefetch = 0 : i64, scratch_operands = 0 : i64, tpu.core_type = #tpu.core_type<tc>, window_params = [{transform_indices = @transform_0, window_bounds = array<i64: 8, 576>}, {transform_indices = @transform_1, window_bounds = array<i64: 1, 576, 8>}, {transform_indices = @transform_2, window_bounds = array<i64: 1, 1, 2304>}]} {
    %get3A = arith.constant 0 : index
    %get3A_0 = arith.constant 0 : index
    %get3A_1 = vector.load %arg1[%get3A, %get3A_0] : memref<8x576xf32, #tpu.memory_space<vmem>>, vector<8x576xf32>
    %bitcast_convert_type3A = tpu.bitcast %get3A_1 : vector<8x576xf32> -> vector<8x576xi32>
    %shift_right_arithmetic3A = arith.constant 31 : i32
    %shift_right_arithmetic3A_2 = vector.broadcast %shift_right_arithmetic3A : i32 to vector<8x576xi32>
    %shift_right_arithmetic3A_3 = arith.shrsi %bitcast_convert_type3A, %shift_right_arithmetic3A_2 : vector<8x576xi32>
    %and3A = arith.constant 2147483647 : i32
    %and3A_4 = vector.broadcast %and3A : i32 to vector<8x576xi32>
    %and3A_5 = arith.andi %shift_right_arithmetic3A_3, %and3A_4 : vector<8x576xi32>
    %xor3A = arith.xori %bitcast_convert_type3A, %and3A_5 : vector<8x576xi32>
    %get3A_6 = arith.constant 0 : index
    %get3A_7 = arith.constant 0 : index
    %get3A_8 = arith.constant 0 : index
    %get3A_9 = vector.load %arg2[%get3A_6, %get3A_7, %get3A_8] : memref<1x576x8xf32, #tpu.memory_space<vmem>>, vector<1x576x8xf32>
    %get3A_10 = vector.shape_cast %get3A_9 : vector<1x576x8xf32> to vector<576x8xf32>
    %bitcast_convert_type3A_11 = tpu.bitcast %get3A_10 : vector<576x8xf32> -> vector<576x8xi32>
    %shift_right_arithmetic3A_12 = arith.constant 31 : i32
    %shift_right_arithmetic3A_13 = vector.broadcast %shift_right_arithmetic3A_12 : i32 to vector<576x8xi32>
    %shift_right_arithmetic3A_14 = arith.shrsi %bitcast_convert_type3A_11, %shift_right_arithmetic3A_13 : vector<576x8xi32>
    %and3A_15 = arith.constant 2147483647 : i32
    %and3A_16 = vector.broadcast %and3A_15 : i32 to vector<576x8xi32>
    %and3A_17 = arith.andi %shift_right_arithmetic3A_14, %and3A_16 : vector<576x8xi32>
    %xor3A_18 = arith.xori %bitcast_convert_type3A_11, %and3A_17 : vector<576x8xi32>
    %iota3A = tpu.iota {dimensions = array<i32: 0>} : vector<576x1xi32>
    %iota3A_19 = tpu.iota {dimensions = array<i32: 1>} : vector<1x576xi32>
    %iota3A_20 = tpu.iota {dimensions = array<i32: 1>} : vector<1x288xi32>
    %slice3A = vector.extract_strided_slice %xor3A_18 {offsets = [0, 0], sizes = [576, 1], strides = [1, 1]} : vector<576x8xi32> to vector<576x1xi32>
    %slice3A_21 = vector.extract_strided_slice %xor3A {offsets = [0, 0], sizes = [1, 576], strides = [1, 1]} : vector<8x576xi32> to vector<1x576xi32>
    %gt3A = vector.broadcast %slice3A_21 : vector<1x576xi32> to vector<576x576xi32>
    %gt3A_22 = vector.broadcast %slice3A : vector<576x1xi32> to vector<576x576xi32>
    %gt3A_23 = arith.cmpi sgt, %gt3A, %gt3A_22 : vector<576x576xi32>
    %eq3A = vector.broadcast %slice3A_21 : vector<1x576xi32> to vector<576x576xi32>
    %eq3A_24 = vector.broadcast %slice3A : vector<576x1xi32> to vector<576x576xi32>
    %eq3A_25 = arith.cmpi eq, %eq3A, %eq3A_24 : vector<576x576xi32>
    %lt3A = vector.broadcast %iota3A_19 : vector<1x576xi32> to vector<576x576xi32>
    %lt3A_26 = vector.broadcast %iota3A : vector<576x1xi32> to vector<576x576xi32>
    %lt3A_27 = arith.cmpi slt, %lt3A, %lt3A_26 : vector<576x576xi32>
    %and3A_28 = arith.andi %eq3A_25, %lt3A_27 : vector<576x576xi1>
    %or3A = arith.ori %gt3A_23, %and3A_28 : vector<576x576xi1>
    %convert_element_type3A = arith.extui %or3A : vector<576x576xi1> to vector<576x576xi32>
    %reduce_sum3A = arith.constant dense<0> : vector<576xi32>
    %reduce_sum3A_29 = vector.multi_reduction <add>, %convert_element_type3A, %reduce_sum3A [1] : vector<576x576xi32> to vector<576xi32>
    %broadcast_in_dim3A = vector.shape_cast %reduce_sum3A_29 : vector<576xi32> to vector<576x1xi32>
    %eq3A_30 = vector.broadcast %broadcast_in_dim3A : vector<576x1xi32> to vector<576x288xi32>
    %eq3A_31 = vector.broadcast %iota3A_20 : vector<1x288xi32> to vector<576x288xi32>
    %eq3A_32 = arith.cmpi eq, %eq3A_30, %eq3A_31 : vector<576x288xi32>
    %convert_element_type3A_33 = arith.extui %eq3A_32 : vector<576x288xi1> to vector<576x288xi32>
    %mul3A = vector.broadcast %iota3A : vector<576x1xi32> to vector<576x288xi32>
    %mul3A_34 = arith.muli %convert_element_type3A_33, %mul3A : vector<576x288xi32>
    %reduce_sum3A_35 = arith.constant dense<0> : vector<288xi32>
    %reduce_sum3A_36 = vector.multi_reduction <add>, %mul3A_34, %reduce_sum3A_35 [0] : vector<576x288xi32> to vector<288xi32>
    %broadcast_in_dim3A_37 = vector.shape_cast %reduce_sum3A_36 : vector<288xi32> to vector<1x288xi32>
    %mul3A_38 = arith.constant 8 : i32
    %mul3A_39 = arith.muli %arg0, %mul3A_38 : i32
    %add3A = arith.constant 16 : i32
    %add3A_40 = arith.addi %add3A, %mul3A_39 : i32
    %add3A_41 = arith.constant 0 : i32
    %add3A_42 = arith.addi %add3A_40, %add3A_41 : i32
    %mul3A_43 = arith.constant 576 : i32
    %mul3A_44 = arith.muli %add3A_42, %mul3A_43 : i32
    %add3A_45 = vector.broadcast %mul3A_44 : i32 to vector<1x288xi32>
    %add3A_46 = arith.addi %broadcast_in_dim3A_37, %add3A_45 : vector<1x288xi32>
    %slice3A_47 = vector.extract_strided_slice %xor3A_18 {offsets = [0, 1], sizes = [576, 1], strides = [1, 1]} : vector<576x8xi32> to vector<576x1xi32>
    %slice3A_48 = vector.extract_strided_slice %xor3A {offsets = [1, 0], sizes = [1, 576], strides = [1, 1]} : vector<8x576xi32> to vector<1x576xi32>
    %gt3A_49 = vector.broadcast %slice3A_48 : vector<1x576xi32> to vector<576x576xi32>
    %gt3A_50 = vector.broadcast %slice3A_47 : vector<576x1xi32> to vector<576x576xi32>
    %gt3A_51 = arith.cmpi sgt, %gt3A_49, %gt3A_50 : vector<576x576xi32>
    %eq3A_52 = vector.broadcast %slice3A_48 : vector<1x576xi32> to vector<576x576xi32>
    %eq3A_53 = vector.broadcast %slice3A_47 : vector<576x1xi32> to vector<576x576xi32>
    %eq3A_54 = arith.cmpi eq, %eq3A_52, %eq3A_53 : vector<576x576xi32>
    %lt3A_55 = vector.broadcast %iota3A_19 : vector<1x576xi32> to vector<576x576xi32>
    %lt3A_56 = vector.broadcast %iota3A : vector<576x1xi32> to vector<576x576xi32>
    %lt3A_57 = arith.cmpi slt, %lt3A_55, %lt3A_56 : vector<576x576xi32>
    %and3A_58 = arith.andi %eq3A_54, %lt3A_57 : vector<576x576xi1>
    %or3A_59 = arith.ori %gt3A_51, %and3A_58 : vector<576x576xi1>
    %convert_element_type3A_60 = arith.extui %or3A_59 : vector<576x576xi1> to vector<576x576xi32>
    %reduce_sum3A_61 = arith.constant dense<0> : vector<576xi32>
    %reduce_sum3A_62 = vector.multi_reduction <add>, %convert_element_type3A_60, %reduce_sum3A_61 [1] : vector<576x576xi32> to vector<576xi32>
    %broadcast_in_dim3A_63 = vector.shape_cast %reduce_sum3A_62 : vector<576xi32> to vector<576x1xi32>
    %eq3A_64 = vector.broadcast %broadcast_in_dim3A_63 : vector<576x1xi32> to vector<576x288xi32>
    %eq3A_65 = vector.broadcast %iota3A_20 : vector<1x288xi32> to vector<576x288xi32>
    %eq3A_66 = arith.cmpi eq, %eq3A_64, %eq3A_65 : vector<576x288xi32>
    %convert_element_type3A_67 = arith.extui %eq3A_66 : vector<576x288xi1> to vector<576x288xi32>
    %mul3A_68 = vector.broadcast %iota3A : vector<576x1xi32> to vector<576x288xi32>
    %mul3A_69 = arith.muli %convert_element_type3A_67, %mul3A_68 : vector<576x288xi32>
    %reduce_sum3A_70 = arith.constant dense<0> : vector<288xi32>
    %reduce_sum3A_71 = vector.multi_reduction <add>, %mul3A_69, %reduce_sum3A_70 [0] : vector<576x288xi32> to vector<288xi32>
    %broadcast_in_dim3A_72 = vector.shape_cast %reduce_sum3A_71 : vector<288xi32> to vector<1x288xi32>
    %mul3A_73 = arith.constant 8 : i32
    %mul3A_74 = arith.muli %arg0, %mul3A_73 : i32
    %add3A_75 = arith.constant 16 : i32
    %add3A_76 = arith.addi %add3A_75, %mul3A_74 : i32
    %add3A_77 = arith.constant 1 : i32
    %add3A_78 = arith.addi %add3A_76, %add3A_77 : i32
    %mul3A_79 = arith.constant 576 : i32
    %mul3A_80 = arith.muli %add3A_78, %mul3A_79 : i32
    %add3A_81 = vector.broadcast %mul3A_80 : i32 to vector<1x288xi32>
    %add3A_82 = arith.addi %broadcast_in_dim3A_72, %add3A_81 : vector<1x288xi32>
    %slice3A_83 = vector.extract_strided_slice %xor3A_18 {offsets = [0, 2], sizes = [576, 1], strides = [1, 1]} : vector<576x8xi32> to vector<576x1xi32>
    %slice3A_84 = vector.extract_strided_slice %xor3A {offsets = [2, 0], sizes = [1, 576], strides = [1, 1]} : vector<8x576xi32> to vector<1x576xi32>
    %gt3A_85 = vector.broadcast %slice3A_84 : vector<1x576xi32> to vector<576x576xi32>
    %gt3A_86 = vector.broadcast %slice3A_83 : vector<576x1xi32> to vector<576x576xi32>
    %gt3A_87 = arith.cmpi sgt, %gt3A_85, %gt3A_86 : vector<576x576xi32>
    %eq3A_88 = vector.broadcast %slice3A_84 : vector<1x576xi32> to vector<576x576xi32>
    %eq3A_89 = vector.broadcast %slice3A_83 : vector<576x1xi32> to vector<576x576xi32>
    %eq3A_90 = arith.cmpi eq, %eq3A_88, %eq3A_89 : vector<576x576xi32>
    %lt3A_91 = vector.broadcast %iota3A_19 : vector<1x576xi32> to vector<576x576xi32>
    %lt3A_92 = vector.broadcast %iota3A : vector<576x1xi32> to vector<576x576xi32>
    %lt3A_93 = arith.cmpi slt, %lt3A_91, %lt3A_92 : vector<576x576xi32>
    %and3A_94 = arith.andi %eq3A_90, %lt3A_93 : vector<576x576xi1>
    %or3A_95 = arith.ori %gt3A_87, %and3A_94 : vector<576x576xi1>
    %convert_element_type3A_96 = arith.extui %or3A_95 : vector<576x576xi1> to vector<576x576xi32>
    %reduce_sum3A_97 = arith.constant dense<0> : vector<576xi32>
    %reduce_sum3A_98 = vector.multi_reduction <add>, %convert_element_type3A_96, %reduce_sum3A_97 [1] : vector<576x576xi32> to vector<576xi32>
    %broadcast_in_dim3A_99 = vector.shape_cast %reduce_sum3A_98 : vector<576xi32> to vector<576x1xi32>
    %eq3A_100 = vector.broadcast %broadcast_in_dim3A_99 : vector<576x1xi32> to vector<576x288xi32>
    %eq3A_101 = vector.broadcast %iota3A_20 : vector<1x288xi32> to vector<576x288xi32>
    %eq3A_102 = arith.cmpi eq, %eq3A_100, %eq3A_101 : vector<576x288xi32>
    %convert_element_type3A_103 = arith.extui %eq3A_102 : vector<576x288xi1> to vector<576x288xi32>
    %mul3A_104 = vector.broadcast %iota3A : vector<576x1xi32> to vector<576x288xi32>
    %mul3A_105 = arith.muli %convert_element_type3A_103, %mul3A_104 : vector<576x288xi32>
    %reduce_sum3A_106 = arith.constant dense<0> : vector<288xi32>
    %reduce_sum3A_107 = vector.multi_reduction <add>, %mul3A_105, %reduce_sum3A_106 [0] : vector<576x288xi32> to vector<288xi32>
    %broadcast_in_dim3A_108 = vector.shape_cast %reduce_sum3A_107 : vector<288xi32> to vector<1x288xi32>
    %mul3A_109 = arith.constant 8 : i32
    %mul3A_110 = arith.muli %arg0, %mul3A_109 : i32
    %add3A_111 = arith.constant 16 : i32
    %add3A_112 = arith.addi %add3A_111, %mul3A_110 : i32
    %add3A_113 = arith.constant 2 : i32
    %add3A_114 = arith.addi %add3A_112, %add3A_113 : i32
    %mul3A_115 = arith.constant 576 : i32
    %mul3A_116 = arith.muli %add3A_114, %mul3A_115 : i32
    %add3A_117 = vector.broadcast %mul3A_116 : i32 to vector<1x288xi32>
    %add3A_118 = arith.addi %broadcast_in_dim3A_108, %add3A_117 : vector<1x288xi32>
    %slice3A_119 = vector.extract_strided_slice %xor3A_18 {offsets = [0, 3], sizes = [576, 1], strides = [1, 1]} : vector<576x8xi32> to vector<576x1xi32>
    %slice3A_120 = vector.extract_strided_slice %xor3A {offsets = [3, 0], sizes = [1, 576], strides = [1, 1]} : vector<8x576xi32> to vector<1x576xi32>
    %gt3A_121 = vector.broadcast %slice3A_120 : vector<1x576xi32> to vector<576x576xi32>
    %gt3A_122 = vector.broadcast %slice3A_119 : vector<576x1xi32> to vector<576x576xi32>
    %gt3A_123 = arith.cmpi sgt, %gt3A_121, %gt3A_122 : vector<576x576xi32>
    %eq3A_124 = vector.broadcast %slice3A_120 : vector<1x576xi32> to vector<576x576xi32>
    %eq3A_125 = vector.broadcast %slice3A_119 : vector<576x1xi32> to vector<576x576xi32>
    %eq3A_126 = arith.cmpi eq, %eq3A_124, %eq3A_125 : vector<576x576xi32>
    %lt3A_127 = vector.broadcast %iota3A_19 : vector<1x576xi32> to vector<576x576xi32>
    %lt3A_128 = vector.broadcast %iota3A : vector<576x1xi32> to vector<576x576xi32>
    %lt3A_129 = arith.cmpi slt, %lt3A_127, %lt3A_128 : vector<576x576xi32>
    %and3A_130 = arith.andi %eq3A_126, %lt3A_129 : vector<576x576xi1>
    %or3A_131 = arith.ori %gt3A_123, %and3A_130 : vector<576x576xi1>
    %convert_element_type3A_132 = arith.extui %or3A_131 : vector<576x576xi1> to vector<576x576xi32>
    %reduce_sum3A_133 = arith.constant dense<0> : vector<576xi32>
    %reduce_sum3A_134 = vector.multi_reduction <add>, %convert_element_type3A_132, %reduce_sum3A_133 [1] : vector<576x576xi32> to vector<576xi32>
    %broadcast_in_dim3A_135 = vector.shape_cast %reduce_sum3A_134 : vector<576xi32> to vector<576x1xi32>
    %eq3A_136 = vector.broadcast %broadcast_in_dim3A_135 : vector<576x1xi32> to vector<576x288xi32>
    %eq3A_137 = vector.broadcast %iota3A_20 : vector<1x288xi32> to vector<576x288xi32>
    %eq3A_138 = arith.cmpi eq, %eq3A_136, %eq3A_137 : vector<576x288xi32>
    %convert_element_type3A_139 = arith.extui %eq3A_138 : vector<576x288xi1> to vector<576x288xi32>
    %mul3A_140 = vector.broadcast %iota3A : vector<576x1xi32> to vector<576x288xi32>
    %mul3A_141 = arith.muli %convert_element_type3A_139, %mul3A_140 : vector<576x288xi32>
    %reduce_sum3A_142 = arith.constant dense<0> : vector<288xi32>
    %reduce_sum3A_143 = vector.multi_reduction <add>, %mul3A_141, %reduce_sum3A_142 [0] : vector<576x288xi32> to vector<288xi32>
    %broadcast_in_dim3A_144 = vector.shape_cast %reduce_sum3A_143 : vector<288xi32> to vector<1x288xi32>
    %mul3A_145 = arith.constant 8 : i32
    %mul3A_146 = arith.muli %arg0, %mul3A_145 : i32
    %add3A_147 = arith.constant 16 : i32
    %add3A_148 = arith.addi %add3A_147, %mul3A_146 : i32
    %add3A_149 = arith.constant 3 : i32
    %add3A_150 = arith.addi %add3A_148, %add3A_149 : i32
    %mul3A_151 = arith.constant 576 : i32
    %mul3A_152 = arith.muli %add3A_150, %mul3A_151 : i32
    %add3A_153 = vector.broadcast %mul3A_152 : i32 to vector<1x288xi32>
    %add3A_154 = arith.addi %broadcast_in_dim3A_144, %add3A_153 : vector<1x288xi32>
    %slice3A_155 = vector.extract_strided_slice %xor3A_18 {offsets = [0, 4], sizes = [576, 1], strides = [1, 1]} : vector<576x8xi32> to vector<576x1xi32>
    %slice3A_156 = vector.extract_strided_slice %xor3A {offsets = [4, 0], sizes = [1, 576], strides = [1, 1]} : vector<8x576xi32> to vector<1x576xi32>
    %gt3A_157 = vector.broadcast %slice3A_156 : vector<1x576xi32> to vector<576x576xi32>
    %gt3A_158 = vector.broadcast %slice3A_155 : vector<576x1xi32> to vector<576x576xi32>
    %gt3A_159 = arith.cmpi sgt, %gt3A_157, %gt3A_158 : vector<576x576xi32>
    %eq3A_160 = vector.broadcast %slice3A_156 : vector<1x576xi32> to vector<576x576xi32>
    %eq3A_161 = vector.broadcast %slice3A_155 : vector<576x1xi32> to vector<576x576xi32>
    %eq3A_162 = arith.cmpi eq, %eq3A_160, %eq3A_161 : vector<576x576xi32>
    %lt3A_163 = vector.broadcast %iota3A_19 : vector<1x576xi32> to vector<576x576xi32>
    %lt3A_164 = vector.broadcast %iota3A : vector<576x1xi32> to vector<576x576xi32>
    %lt3A_165 = arith.cmpi slt, %lt3A_163, %lt3A_164 : vector<576x576xi32>
    %and3A_166 = arith.andi %eq3A_162, %lt3A_165 : vector<576x576xi1>
    %or3A_167 = arith.ori %gt3A_159, %and3A_166 : vector<576x576xi1>
    %convert_element_type3A_168 = arith.extui %or3A_167 : vector<576x576xi1> to vector<576x576xi32>
    %reduce_sum3A_169 = arith.constant dense<0> : vector<576xi32>
    %reduce_sum3A_170 = vector.multi_reduction <add>, %convert_element_type3A_168, %reduce_sum3A_169 [1] : vector<576x576xi32> to vector<576xi32>
    %broadcast_in_dim3A_171 = vector.shape_cast %reduce_sum3A_170 : vector<576xi32> to vector<576x1xi32>
    %eq3A_172 = vector.broadcast %broadcast_in_dim3A_171 : vector<576x1xi32> to vector<576x288xi32>
    %eq3A_173 = vector.broadcast %iota3A_20 : vector<1x288xi32> to vector<576x288xi32>
    %eq3A_174 = arith.cmpi eq, %eq3A_172, %eq3A_173 : vector<576x288xi32>
    %convert_element_type3A_175 = arith.extui %eq3A_174 : vector<576x288xi1> to vector<576x288xi32>
    %mul3A_176 = vector.broadcast %iota3A : vector<576x1xi32> to vector<576x288xi32>
    %mul3A_177 = arith.muli %convert_element_type3A_175, %mul3A_176 : vector<576x288xi32>
    %reduce_sum3A_178 = arith.constant dense<0> : vector<288xi32>
    %reduce_sum3A_179 = vector.multi_reduction <add>, %mul3A_177, %reduce_sum3A_178 [0] : vector<576x288xi32> to vector<288xi32>
    %broadcast_in_dim3A_180 = vector.shape_cast %reduce_sum3A_179 : vector<288xi32> to vector<1x288xi32>
    %mul3A_181 = arith.constant 8 : i32
    %mul3A_182 = arith.muli %arg0, %mul3A_181 : i32
    %add3A_183 = arith.constant 16 : i32
    %add3A_184 = arith.addi %add3A_183, %mul3A_182 : i32
    %add3A_185 = arith.constant 4 : i32
    %add3A_186 = arith.addi %add3A_184, %add3A_185 : i32
    %mul3A_187 = arith.constant 576 : i32
    %mul3A_188 = arith.muli %add3A_186, %mul3A_187 : i32
    %add3A_189 = vector.broadcast %mul3A_188 : i32 to vector<1x288xi32>
    %add3A_190 = arith.addi %broadcast_in_dim3A_180, %add3A_189 : vector<1x288xi32>
    %slice3A_191 = vector.extract_strided_slice %xor3A_18 {offsets = [0, 5], sizes = [576, 1], strides = [1, 1]} : vector<576x8xi32> to vector<576x1xi32>
    %slice3A_192 = vector.extract_strided_slice %xor3A {offsets = [5, 0], sizes = [1, 576], strides = [1, 1]} : vector<8x576xi32> to vector<1x576xi32>
    %gt3A_193 = vector.broadcast %slice3A_192 : vector<1x576xi32> to vector<576x576xi32>
    %gt3A_194 = vector.broadcast %slice3A_191 : vector<576x1xi32> to vector<576x576xi32>
    %gt3A_195 = arith.cmpi sgt, %gt3A_193, %gt3A_194 : vector<576x576xi32>
    %eq3A_196 = vector.broadcast %slice3A_192 : vector<1x576xi32> to vector<576x576xi32>
    %eq3A_197 = vector.broadcast %slice3A_191 : vector<576x1xi32> to vector<576x576xi32>
    %eq3A_198 = arith.cmpi eq, %eq3A_196, %eq3A_197 : vector<576x576xi32>
    %lt3A_199 = vector.broadcast %iota3A_19 : vector<1x576xi32> to vector<576x576xi32>
    %lt3A_200 = vector.broadcast %iota3A : vector<576x1xi32> to vector<576x576xi32>
    %lt3A_201 = arith.cmpi slt, %lt3A_199, %lt3A_200 : vector<576x576xi32>
    %and3A_202 = arith.andi %eq3A_198, %lt3A_201 : vector<576x576xi1>
    %or3A_203 = arith.ori %gt3A_195, %and3A_202 : vector<576x576xi1>
    %convert_element_type3A_204 = arith.extui %or3A_203 : vector<576x576xi1> to vector<576x576xi32>
    %reduce_sum3A_205 = arith.constant dense<0> : vector<576xi32>
    %reduce_sum3A_206 = vector.multi_reduction <add>, %convert_element_type3A_204, %reduce_sum3A_205 [1] : vector<576x576xi32> to vector<576xi32>
    %broadcast_in_dim3A_207 = vector.shape_cast %reduce_sum3A_206 : vector<576xi32> to vector<576x1xi32>
    %eq3A_208 = vector.broadcast %broadcast_in_dim3A_207 : vector<576x1xi32> to vector<576x288xi32>
    %eq3A_209 = vector.broadcast %iota3A_20 : vector<1x288xi32> to vector<576x288xi32>
    %eq3A_210 = arith.cmpi eq, %eq3A_208, %eq3A_209 : vector<576x288xi32>
    %convert_element_type3A_211 = arith.extui %eq3A_210 : vector<576x288xi1> to vector<576x288xi32>
    %mul3A_212 = vector.broadcast %iota3A : vector<576x1xi32> to vector<576x288xi32>
    %mul3A_213 = arith.muli %convert_element_type3A_211, %mul3A_212 : vector<576x288xi32>
    %reduce_sum3A_214 = arith.constant dense<0> : vector<288xi32>
    %reduce_sum3A_215 = vector.multi_reduction <add>, %mul3A_213, %reduce_sum3A_214 [0] : vector<576x288xi32> to vector<288xi32>
    %broadcast_in_dim3A_216 = vector.shape_cast %reduce_sum3A_215 : vector<288xi32> to vector<1x288xi32>
    %mul3A_217 = arith.constant 8 : i32
    %mul3A_218 = arith.muli %arg0, %mul3A_217 : i32
    %add3A_219 = arith.constant 16 : i32
    %add3A_220 = arith.addi %add3A_219, %mul3A_218 : i32
    %add3A_221 = arith.constant 5 : i32
    %add3A_222 = arith.addi %add3A_220, %add3A_221 : i32
    %mul3A_223 = arith.constant 576 : i32
    %mul3A_224 = arith.muli %add3A_222, %mul3A_223 : i32
    %add3A_225 = vector.broadcast %mul3A_224 : i32 to vector<1x288xi32>
    %add3A_226 = arith.addi %broadcast_in_dim3A_216, %add3A_225 : vector<1x288xi32>
    %slice3A_227 = vector.extract_strided_slice %xor3A_18 {offsets = [0, 6], sizes = [576, 1], strides = [1, 1]} : vector<576x8xi32> to vector<576x1xi32>
    %slice3A_228 = vector.extract_strided_slice %xor3A {offsets = [6, 0], sizes = [1, 576], strides = [1, 1]} : vector<8x576xi32> to vector<1x576xi32>
    %gt3A_229 = vector.broadcast %slice3A_228 : vector<1x576xi32> to vector<576x576xi32>
    %gt3A_230 = vector.broadcast %slice3A_227 : vector<576x1xi32> to vector<576x576xi32>
    %gt3A_231 = arith.cmpi sgt, %gt3A_229, %gt3A_230 : vector<576x576xi32>
    %eq3A_232 = vector.broadcast %slice3A_228 : vector<1x576xi32> to vector<576x576xi32>
    %eq3A_233 = vector.broadcast %slice3A_227 : vector<576x1xi32> to vector<576x576xi32>
    %eq3A_234 = arith.cmpi eq, %eq3A_232, %eq3A_233 : vector<576x576xi32>
    %lt3A_235 = vector.broadcast %iota3A_19 : vector<1x576xi32> to vector<576x576xi32>
    %lt3A_236 = vector.broadcast %iota3A : vector<576x1xi32> to vector<576x576xi32>
    %lt3A_237 = arith.cmpi slt, %lt3A_235, %lt3A_236 : vector<576x576xi32>
    %and3A_238 = arith.andi %eq3A_234, %lt3A_237 : vector<576x576xi1>
    %or3A_239 = arith.ori %gt3A_231, %and3A_238 : vector<576x576xi1>
    %convert_element_type3A_240 = arith.extui %or3A_239 : vector<576x576xi1> to vector<576x576xi32>
    %reduce_sum3A_241 = arith.constant dense<0> : vector<576xi32>
    %reduce_sum3A_242 = vector.multi_reduction <add>, %convert_element_type3A_240, %reduce_sum3A_241 [1] : vector<576x576xi32> to vector<576xi32>
    %broadcast_in_dim3A_243 = vector.shape_cast %reduce_sum3A_242 : vector<576xi32> to vector<576x1xi32>
    %eq3A_244 = vector.broadcast %broadcast_in_dim3A_243 : vector<576x1xi32> to vector<576x288xi32>
    %eq3A_245 = vector.broadcast %iota3A_20 : vector<1x288xi32> to vector<576x288xi32>
    %eq3A_246 = arith.cmpi eq, %eq3A_244, %eq3A_245 : vector<576x288xi32>
    %convert_element_type3A_247 = arith.extui %eq3A_246 : vector<576x288xi1> to vector<576x288xi32>
    %mul3A_248 = vector.broadcast %iota3A : vector<576x1xi32> to vector<576x288xi32>
    %mul3A_249 = arith.muli %convert_element_type3A_247, %mul3A_248 : vector<576x288xi32>
    %reduce_sum3A_250 = arith.constant dense<0> : vector<288xi32>
    %reduce_sum3A_251 = vector.multi_reduction <add>, %mul3A_249, %reduce_sum3A_250 [0] : vector<576x288xi32> to vector<288xi32>
    %broadcast_in_dim3A_252 = vector.shape_cast %reduce_sum3A_251 : vector<288xi32> to vector<1x288xi32>
    %mul3A_253 = arith.constant 8 : i32
    %mul3A_254 = arith.muli %arg0, %mul3A_253 : i32
    %add3A_255 = arith.constant 16 : i32
    %add3A_256 = arith.addi %add3A_255, %mul3A_254 : i32
    %add3A_257 = arith.constant 6 : i32
    %add3A_258 = arith.addi %add3A_256, %add3A_257 : i32
    %mul3A_259 = arith.constant 576 : i32
    %mul3A_260 = arith.muli %add3A_258, %mul3A_259 : i32
    %add3A_261 = vector.broadcast %mul3A_260 : i32 to vector<1x288xi32>
    %add3A_262 = arith.addi %broadcast_in_dim3A_252, %add3A_261 : vector<1x288xi32>
    %slice3A_263 = vector.extract_strided_slice %xor3A_18 {offsets = [0, 7], sizes = [576, 1], strides = [1, 1]} : vector<576x8xi32> to vector<576x1xi32>
    %slice3A_264 = vector.extract_strided_slice %xor3A {offsets = [7, 0], sizes = [1, 576], strides = [1, 1]} : vector<8x576xi32> to vector<1x576xi32>
    %gt3A_265 = vector.broadcast %slice3A_264 : vector<1x576xi32> to vector<576x576xi32>
    %gt3A_266 = vector.broadcast %slice3A_263 : vector<576x1xi32> to vector<576x576xi32>
    %gt3A_267 = arith.cmpi sgt, %gt3A_265, %gt3A_266 : vector<576x576xi32>
    %eq3A_268 = vector.broadcast %slice3A_264 : vector<1x576xi32> to vector<576x576xi32>
    %eq3A_269 = vector.broadcast %slice3A_263 : vector<576x1xi32> to vector<576x576xi32>
    %eq3A_270 = arith.cmpi eq, %eq3A_268, %eq3A_269 : vector<576x576xi32>
    %lt3A_271 = vector.broadcast %iota3A_19 : vector<1x576xi32> to vector<576x576xi32>
    %lt3A_272 = vector.broadcast %iota3A : vector<576x1xi32> to vector<576x576xi32>
    %lt3A_273 = arith.cmpi slt, %lt3A_271, %lt3A_272 : vector<576x576xi32>
    %and3A_274 = arith.andi %eq3A_270, %lt3A_273 : vector<576x576xi1>
    %or3A_275 = arith.ori %gt3A_267, %and3A_274 : vector<576x576xi1>
    %convert_element_type3A_276 = arith.extui %or3A_275 : vector<576x576xi1> to vector<576x576xi32>
    %reduce_sum3A_277 = arith.constant dense<0> : vector<576xi32>
    %reduce_sum3A_278 = vector.multi_reduction <add>, %convert_element_type3A_276, %reduce_sum3A_277 [1] : vector<576x576xi32> to vector<576xi32>
    %broadcast_in_dim3A_279 = vector.shape_cast %reduce_sum3A_278 : vector<576xi32> to vector<576x1xi32>
    %eq3A_280 = vector.broadcast %broadcast_in_dim3A_279 : vector<576x1xi32> to vector<576x288xi32>
    %eq3A_281 = vector.broadcast %iota3A_20 : vector<1x288xi32> to vector<576x288xi32>
    %eq3A_282 = arith.cmpi eq, %eq3A_280, %eq3A_281 : vector<576x288xi32>
    %convert_element_type3A_283 = arith.extui %eq3A_282 : vector<576x288xi1> to vector<576x288xi32>
    %mul3A_284 = vector.broadcast %iota3A : vector<576x1xi32> to vector<576x288xi32>
    %mul3A_285 = arith.muli %convert_element_type3A_283, %mul3A_284 : vector<576x288xi32>
    %reduce_sum3A_286 = arith.constant dense<0> : vector<288xi32>
    %reduce_sum3A_287 = vector.multi_reduction <add>, %mul3A_285, %reduce_sum3A_286 [0] : vector<576x288xi32> to vector<288xi32>
    %broadcast_in_dim3A_288 = vector.shape_cast %reduce_sum3A_287 : vector<288xi32> to vector<1x288xi32>
    %mul3A_289 = arith.constant 8 : i32
    %mul3A_290 = arith.muli %arg0, %mul3A_289 : i32
    %add3A_291 = arith.constant 16 : i32
    %add3A_292 = arith.addi %add3A_291, %mul3A_290 : i32
    %add3A_293 = arith.constant 7 : i32
    %add3A_294 = arith.addi %add3A_292, %add3A_293 : i32
    %mul3A_295 = arith.constant 576 : i32
    %mul3A_296 = arith.muli %add3A_294, %mul3A_295 : i32
    %add3A_297 = vector.broadcast %mul3A_296 : i32 to vector<1x288xi32>
    %add3A_298 = arith.addi %broadcast_in_dim3A_288, %add3A_297 : vector<1x288xi32>
    %concatenate3A = tpu.concatenate %add3A_46, %add3A_82, %add3A_118, %add3A_154, %add3A_190, %add3A_226, %add3A_262, %add3A_298 in 1 : vector<1x288xi32>, vector<1x288xi32>, vector<1x288xi32>, vector<1x288xi32>, vector<1x288xi32>, vector<1x288xi32>, vector<1x288xi32>, vector<1x288xi32> -> vector<1x2304xi32>
    %reshape3A = vector.shape_cast %concatenate3A : vector<1x2304xi32> to vector<2304xi32>
    %swap3A = arith.constant 0 : index
    %swap3A_299 = arith.constant 0 : index
    %swap3A_300 = arith.constant 0 : index
    %swap3A_301 = vector.load %arg3[%swap3A, %swap3A_299, %swap3A_300] : memref<1x1x2304xi32, #tpu.memory_space<vmem>>, vector<1x1x2304xi32>
    %swap3A_302 = vector.shape_cast %swap3A_301 : vector<1x1x2304xi32> to vector<2304xi32>
    %swap3A_303 = vector.shape_cast %reshape3A : vector<2304xi32> to vector<1x1x2304xi32>
    tpu.vector_store %arg3[%swap3A, %swap3A_299, %swap3A_300], %swap3A_303 {strides = array<i32>} : memref<1x1x2304xi32, #tpu.memory_space<vmem>>, vector<1x1x2304xi32>,
    return
  }
  func.func @transform_0(%arg0: i32) -> (i32, i32) {
    %add3A = arith.constant 2 : i32
    %add3A_0 = arith.addi %add3A, %arg0 : i32
    %c0_i32 = arith.constant 0 : i32
    %c0_i32_1 = arith.constant 0 : i32
    return %add3A_0, %c0_i32 : i32, i32
  }
  func.func @transform_1(%arg0: i32) -> (i32, i32, i32) {
    %add3A = arith.constant 2 : i32
    %add3A_0 = arith.addi %add3A, %arg0 : i32
    %c0_i32 = arith.constant 0 : i32
    %c0_i32_1 = arith.constant 0 : i32
    %c0_i32_2 = arith.constant 0 : i32
    return %add3A_0, %c0_i32, %c0_i32_1 : i32, i32, i32
  }
  func.func @transform_2(%arg0: i32) -> (i32, i32, i32) {
    %c0_i32 = arith.constant 0 : i32
    %c0_i32_0 = arith.constant 0 : i32
    %c0_i32_1 = arith.constant 0 : i32
    return %arg0, %c0_i32, %c0_i32_0 : i32, i32, i32
  }
}

module attributes {stable_mosaic.version = 14 : i64} {
  func.func @_rank_body(%arg0: i32, %arg1: memref<8x576xf32, #tpu.memory_space<vmem>>, %arg2: memref<1x576x8xf32, #tpu.memory_space<vmem>>, %arg3: memref<1x1x2304xi32, #tpu.memory_space<vmem>>) attributes {dimension_semantics = [#tpu.dimension_semantics<arbitrary>], iteration_bounds = array<i64: 4>, scalar_prefetch = 0 : i64, scratch_operands = 0 : i64, tpu.core_type = #tpu.core_type<tc>, window_params = [{transform_indices = @transform_0, window_bounds = array<i64: 8, 576>}, {transform_indices = @transform_1, window_bounds = array<i64: 1, 576, 8>}, {transform_indices = @transform_2, window_bounds = array<i64: 1, 1, 2304>}]} {
    %get3A = arith.constant 0 : index
    %get3A_0 = arith.constant 0 : index
    %get3A_1 = vector.load %arg1[%get3A, %get3A_0] : memref<8x576xf32, #tpu.memory_space<vmem>>, vector<8x576xf32>
    %bitcast_convert_type3A = tpu.bitcast %get3A_1 : vector<8x576xf32> -> vector<8x576xi32>
    %shift_right_arithmetic3A = arith.constant 31 : i32
    %shift_right_arithmetic3A_2 = vector.broadcast %shift_right_arithmetic3A : i32 to vector<8x576xi32>
    %shift_right_arithmetic3A_3 = arith.shrsi %bitcast_convert_type3A, %shift_right_arithmetic3A_2 : vector<8x576xi32>
    %and3A = arith.constant 2147483647 : i32
    %and3A_4 = vector.broadcast %and3A : i32 to vector<8x576xi32>
    %and3A_5 = arith.andi %shift_right_arithmetic3A_3, %and3A_4 : vector<8x576xi32>
    %xor3A = arith.xori %bitcast_convert_type3A, %and3A_5 : vector<8x576xi32>
    %get3A_6 = arith.constant 0 : index
    %get3A_7 = arith.constant 0 : index
    %get3A_8 = arith.constant 0 : index
    %get3A_9 = vector.load %arg2[%get3A_6, %get3A_7, %get3A_8] : memref<1x576x8xf32, #tpu.memory_space<vmem>>, vector<1x576x8xf32>
    %get3A_10 = vector.shape_cast %get3A_9 : vector<1x576x8xf32> to vector<576x8xf32>
    %bitcast_convert_type3A_11 = tpu.bitcast %get3A_10 : vector<576x8xf32> -> vector<576x8xi32>
    %shift_right_arithmetic3A_12 = arith.constant 31 : i32
    %shift_right_arithmetic3A_13 = vector.broadcast %shift_right_arithmetic3A_12 : i32 to vector<576x8xi32>
    %shift_right_arithmetic3A_14 = arith.shrsi %bitcast_convert_type3A_11, %shift_right_arithmetic3A_13 : vector<576x8xi32>
    %and3A_15 = arith.constant 2147483647 : i32
    %and3A_16 = vector.broadcast %and3A_15 : i32 to vector<576x8xi32>
    %and3A_17 = arith.andi %shift_right_arithmetic3A_14, %and3A_16 : vector<576x8xi32>
    %xor3A_18 = arith.xori %bitcast_convert_type3A_11, %and3A_17 : vector<576x8xi32>
    %iota3A = tpu.iota {dimensions = array<i32: 0>} : vector<576x1xi32>
    %iota3A_19 = tpu.iota {dimensions = array<i32: 1>} : vector<1x576xi32>
    %iota3A_20 = tpu.iota {dimensions = array<i32: 1>} : vector<1x288xi32>
    %slice3A = vector.extract_strided_slice %xor3A_18 {offsets = [0, 0], sizes = [576, 1], strides = [1, 1]} : vector<576x8xi32> to vector<576x1xi32>
    %slice3A_21 = vector.extract_strided_slice %xor3A {offsets = [0, 0], sizes = [1, 576], strides = [1, 1]} : vector<8x576xi32> to vector<1x576xi32>
    %gt3A = vector.broadcast %slice3A_21 : vector<1x576xi32> to vector<576x576xi32>
    %gt3A_22 = vector.broadcast %slice3A : vector<576x1xi32> to vector<576x576xi32>
    %gt3A_23 = arith.cmpi sgt, %gt3A, %gt3A_22 : vector<576x576xi32>
    %eq3A = vector.broadcast %slice3A_21 : vector<1x576xi32> to vector<576x576xi32>
    %eq3A_24 = vector.broadcast %slice3A : vector<576x1xi32> to vector<576x576xi32>
    %eq3A_25 = arith.cmpi eq, %eq3A, %eq3A_24 : vector<576x576xi32>
    %lt3A = vector.broadcast %iota3A_19 : vector<1x576xi32> to vector<576x576xi32>
    %lt3A_26 = vector.broadcast %iota3A : vector<576x1xi32> to vector<576x576xi32>
    %lt3A_27 = arith.cmpi slt, %lt3A, %lt3A_26 : vector<576x576xi32>
    %and3A_28 = arith.andi %eq3A_25, %lt3A_27 : vector<576x576xi1>
    %or3A = arith.ori %gt3A_23, %and3A_28 : vector<576x576xi1>
    %convert_element_type3A = arith.extui %or3A : vector<576x576xi1> to vector<576x576xi32>
    %reduce_sum3A = arith.constant dense<0> : vector<576xi32>
    %reduce_sum3A_29 = vector.multi_reduction <add>, %convert_element_type3A, %reduce_sum3A [1] : vector<576x576xi32> to vector<576xi32>
    %broadcast_in_dim3A = vector.shape_cast %reduce_sum3A_29 : vector<576xi32> to vector<576x1xi32>
    %eq3A_30 = vector.broadcast %broadcast_in_dim3A : vector<576x1xi32> to vector<576x288xi32>
    %eq3A_31 = vector.broadcast %iota3A_20 : vector<1x288xi32> to vector<576x288xi32>
    %eq3A_32 = arith.cmpi eq, %eq3A_30, %eq3A_31 : vector<576x288xi32>
    %convert_element_type3A_33 = arith.extui %eq3A_32 : vector<576x288xi1> to vector<576x288xi32>
    %mul3A = vector.broadcast %iota3A : vector<576x1xi32> to vector<576x288xi32>
    %mul3A_34 = arith.muli %convert_element_type3A_33, %mul3A : vector<576x288xi32>
    %reduce_sum3A_35 = arith.constant dense<0> : vector<288xi32>
    %reduce_sum3A_36 = vector.multi_reduction <add>, %mul3A_34, %reduce_sum3A_35 [0] : vector<576x288xi32> to vector<288xi32>
    %broadcast_in_dim3A_37 = vector.shape_cast %reduce_sum3A_36 : vector<288xi32> to vector<1x288xi32>
    %mul3A_38 = arith.constant 8 : i32
    %mul3A_39 = arith.muli %arg0, %mul3A_38 : i32
    %add3A = arith.constant 32 : i32
    %add3A_40 = arith.addi %add3A, %mul3A_39 : i32
    %add3A_41 = arith.constant 0 : i32
    %add3A_42 = arith.addi %add3A_40, %add3A_41 : i32
    %mul3A_43 = arith.constant 576 : i32
    %mul3A_44 = arith.muli %add3A_42, %mul3A_43 : i32
    %add3A_45 = vector.broadcast %mul3A_44 : i32 to vector<1x288xi32>
    %add3A_46 = arith.addi %broadcast_in_dim3A_37, %add3A_45 : vector<1x288xi32>
    %slice3A_47 = vector.extract_strided_slice %xor3A_18 {offsets = [0, 1], sizes = [576, 1], strides = [1, 1]} : vector<576x8xi32> to vector<576x1xi32>
    %slice3A_48 = vector.extract_strided_slice %xor3A {offsets = [1, 0], sizes = [1, 576], strides = [1, 1]} : vector<8x576xi32> to vector<1x576xi32>
    %gt3A_49 = vector.broadcast %slice3A_48 : vector<1x576xi32> to vector<576x576xi32>
    %gt3A_50 = vector.broadcast %slice3A_47 : vector<576x1xi32> to vector<576x576xi32>
    %gt3A_51 = arith.cmpi sgt, %gt3A_49, %gt3A_50 : vector<576x576xi32>
    %eq3A_52 = vector.broadcast %slice3A_48 : vector<1x576xi32> to vector<576x576xi32>
    %eq3A_53 = vector.broadcast %slice3A_47 : vector<576x1xi32> to vector<576x576xi32>
    %eq3A_54 = arith.cmpi eq, %eq3A_52, %eq3A_53 : vector<576x576xi32>
    %lt3A_55 = vector.broadcast %iota3A_19 : vector<1x576xi32> to vector<576x576xi32>
    %lt3A_56 = vector.broadcast %iota3A : vector<576x1xi32> to vector<576x576xi32>
    %lt3A_57 = arith.cmpi slt, %lt3A_55, %lt3A_56 : vector<576x576xi32>
    %and3A_58 = arith.andi %eq3A_54, %lt3A_57 : vector<576x576xi1>
    %or3A_59 = arith.ori %gt3A_51, %and3A_58 : vector<576x576xi1>
    %convert_element_type3A_60 = arith.extui %or3A_59 : vector<576x576xi1> to vector<576x576xi32>
    %reduce_sum3A_61 = arith.constant dense<0> : vector<576xi32>
    %reduce_sum3A_62 = vector.multi_reduction <add>, %convert_element_type3A_60, %reduce_sum3A_61 [1] : vector<576x576xi32> to vector<576xi32>
    %broadcast_in_dim3A_63 = vector.shape_cast %reduce_sum3A_62 : vector<576xi32> to vector<576x1xi32>
    %eq3A_64 = vector.broadcast %broadcast_in_dim3A_63 : vector<576x1xi32> to vector<576x288xi32>
    %eq3A_65 = vector.broadcast %iota3A_20 : vector<1x288xi32> to vector<576x288xi32>
    %eq3A_66 = arith.cmpi eq, %eq3A_64, %eq3A_65 : vector<576x288xi32>
    %convert_element_type3A_67 = arith.extui %eq3A_66 : vector<576x288xi1> to vector<576x288xi32>
    %mul3A_68 = vector.broadcast %iota3A : vector<576x1xi32> to vector<576x288xi32>
    %mul3A_69 = arith.muli %convert_element_type3A_67, %mul3A_68 : vector<576x288xi32>
    %reduce_sum3A_70 = arith.constant dense<0> : vector<288xi32>
    %reduce_sum3A_71 = vector.multi_reduction <add>, %mul3A_69, %reduce_sum3A_70 [0] : vector<576x288xi32> to vector<288xi32>
    %broadcast_in_dim3A_72 = vector.shape_cast %reduce_sum3A_71 : vector<288xi32> to vector<1x288xi32>
    %mul3A_73 = arith.constant 8 : i32
    %mul3A_74 = arith.muli %arg0, %mul3A_73 : i32
    %add3A_75 = arith.constant 32 : i32
    %add3A_76 = arith.addi %add3A_75, %mul3A_74 : i32
    %add3A_77 = arith.constant 1 : i32
    %add3A_78 = arith.addi %add3A_76, %add3A_77 : i32
    %mul3A_79 = arith.constant 576 : i32
    %mul3A_80 = arith.muli %add3A_78, %mul3A_79 : i32
    %add3A_81 = vector.broadcast %mul3A_80 : i32 to vector<1x288xi32>
    %add3A_82 = arith.addi %broadcast_in_dim3A_72, %add3A_81 : vector<1x288xi32>
    %slice3A_83 = vector.extract_strided_slice %xor3A_18 {offsets = [0, 2], sizes = [576, 1], strides = [1, 1]} : vector<576x8xi32> to vector<576x1xi32>
    %slice3A_84 = vector.extract_strided_slice %xor3A {offsets = [2, 0], sizes = [1, 576], strides = [1, 1]} : vector<8x576xi32> to vector<1x576xi32>
    %gt3A_85 = vector.broadcast %slice3A_84 : vector<1x576xi32> to vector<576x576xi32>
    %gt3A_86 = vector.broadcast %slice3A_83 : vector<576x1xi32> to vector<576x576xi32>
    %gt3A_87 = arith.cmpi sgt, %gt3A_85, %gt3A_86 : vector<576x576xi32>
    %eq3A_88 = vector.broadcast %slice3A_84 : vector<1x576xi32> to vector<576x576xi32>
    %eq3A_89 = vector.broadcast %slice3A_83 : vector<576x1xi32> to vector<576x576xi32>
    %eq3A_90 = arith.cmpi eq, %eq3A_88, %eq3A_89 : vector<576x576xi32>
    %lt3A_91 = vector.broadcast %iota3A_19 : vector<1x576xi32> to vector<576x576xi32>
    %lt3A_92 = vector.broadcast %iota3A : vector<576x1xi32> to vector<576x576xi32>
    %lt3A_93 = arith.cmpi slt, %lt3A_91, %lt3A_92 : vector<576x576xi32>
    %and3A_94 = arith.andi %eq3A_90, %lt3A_93 : vector<576x576xi1>
    %or3A_95 = arith.ori %gt3A_87, %and3A_94 : vector<576x576xi1>
    %convert_element_type3A_96 = arith.extui %or3A_95 : vector<576x576xi1> to vector<576x576xi32>
    %reduce_sum3A_97 = arith.constant dense<0> : vector<576xi32>
    %reduce_sum3A_98 = vector.multi_reduction <add>, %convert_element_type3A_96, %reduce_sum3A_97 [1] : vector<576x576xi32> to vector<576xi32>
    %broadcast_in_dim3A_99 = vector.shape_cast %reduce_sum3A_98 : vector<576xi32> to vector<576x1xi32>
    %eq3A_100 = vector.broadcast %broadcast_in_dim3A_99 : vector<576x1xi32> to vector<576x288xi32>
    %eq3A_101 = vector.broadcast %iota3A_20 : vector<1x288xi32> to vector<576x288xi32>
    %eq3A_102 = arith.cmpi eq, %eq3A_100, %eq3A_101 : vector<576x288xi32>
    %convert_element_type3A_103 = arith.extui %eq3A_102 : vector<576x288xi1> to vector<576x288xi32>
    %mul3A_104 = vector.broadcast %iota3A : vector<576x1xi32> to vector<576x288xi32>
    %mul3A_105 = arith.muli %convert_element_type3A_103, %mul3A_104 : vector<576x288xi32>
    %reduce_sum3A_106 = arith.constant dense<0> : vector<288xi32>
    %reduce_sum3A_107 = vector.multi_reduction <add>, %mul3A_105, %reduce_sum3A_106 [0] : vector<576x288xi32> to vector<288xi32>
    %broadcast_in_dim3A_108 = vector.shape_cast %reduce_sum3A_107 : vector<288xi32> to vector<1x288xi32>
    %mul3A_109 = arith.constant 8 : i32
    %mul3A_110 = arith.muli %arg0, %mul3A_109 : i32
    %add3A_111 = arith.constant 32 : i32
    %add3A_112 = arith.addi %add3A_111, %mul3A_110 : i32
    %add3A_113 = arith.constant 2 : i32
    %add3A_114 = arith.addi %add3A_112, %add3A_113 : i32
    %mul3A_115 = arith.constant 576 : i32
    %mul3A_116 = arith.muli %add3A_114, %mul3A_115 : i32
    %add3A_117 = vector.broadcast %mul3A_116 : i32 to vector<1x288xi32>
    %add3A_118 = arith.addi %broadcast_in_dim3A_108, %add3A_117 : vector<1x288xi32>
    %slice3A_119 = vector.extract_strided_slice %xor3A_18 {offsets = [0, 3], sizes = [576, 1], strides = [1, 1]} : vector<576x8xi32> to vector<576x1xi32>
    %slice3A_120 = vector.extract_strided_slice %xor3A {offsets = [3, 0], sizes = [1, 576], strides = [1, 1]} : vector<8x576xi32> to vector<1x576xi32>
    %gt3A_121 = vector.broadcast %slice3A_120 : vector<1x576xi32> to vector<576x576xi32>
    %gt3A_122 = vector.broadcast %slice3A_119 : vector<576x1xi32> to vector<576x576xi32>
    %gt3A_123 = arith.cmpi sgt, %gt3A_121, %gt3A_122 : vector<576x576xi32>
    %eq3A_124 = vector.broadcast %slice3A_120 : vector<1x576xi32> to vector<576x576xi32>
    %eq3A_125 = vector.broadcast %slice3A_119 : vector<576x1xi32> to vector<576x576xi32>
    %eq3A_126 = arith.cmpi eq, %eq3A_124, %eq3A_125 : vector<576x576xi32>
    %lt3A_127 = vector.broadcast %iota3A_19 : vector<1x576xi32> to vector<576x576xi32>
    %lt3A_128 = vector.broadcast %iota3A : vector<576x1xi32> to vector<576x576xi32>
    %lt3A_129 = arith.cmpi slt, %lt3A_127, %lt3A_128 : vector<576x576xi32>
    %and3A_130 = arith.andi %eq3A_126, %lt3A_129 : vector<576x576xi1>
    %or3A_131 = arith.ori %gt3A_123, %and3A_130 : vector<576x576xi1>
    %convert_element_type3A_132 = arith.extui %or3A_131 : vector<576x576xi1> to vector<576x576xi32>
    %reduce_sum3A_133 = arith.constant dense<0> : vector<576xi32>
    %reduce_sum3A_134 = vector.multi_reduction <add>, %convert_element_type3A_132, %reduce_sum3A_133 [1] : vector<576x576xi32> to vector<576xi32>
    %broadcast_in_dim3A_135 = vector.shape_cast %reduce_sum3A_134 : vector<576xi32> to vector<576x1xi32>
    %eq3A_136 = vector.broadcast %broadcast_in_dim3A_135 : vector<576x1xi32> to vector<576x288xi32>
    %eq3A_137 = vector.broadcast %iota3A_20 : vector<1x288xi32> to vector<576x288xi32>
    %eq3A_138 = arith.cmpi eq, %eq3A_136, %eq3A_137 : vector<576x288xi32>
    %convert_element_type3A_139 = arith.extui %eq3A_138 : vector<576x288xi1> to vector<576x288xi32>
    %mul3A_140 = vector.broadcast %iota3A : vector<576x1xi32> to vector<576x288xi32>
    %mul3A_141 = arith.muli %convert_element_type3A_139, %mul3A_140 : vector<576x288xi32>
    %reduce_sum3A_142 = arith.constant dense<0> : vector<288xi32>
    %reduce_sum3A_143 = vector.multi_reduction <add>, %mul3A_141, %reduce_sum3A_142 [0] : vector<576x288xi32> to vector<288xi32>
    %broadcast_in_dim3A_144 = vector.shape_cast %reduce_sum3A_143 : vector<288xi32> to vector<1x288xi32>
    %mul3A_145 = arith.constant 8 : i32
    %mul3A_146 = arith.muli %arg0, %mul3A_145 : i32
    %add3A_147 = arith.constant 32 : i32
    %add3A_148 = arith.addi %add3A_147, %mul3A_146 : i32
    %add3A_149 = arith.constant 3 : i32
    %add3A_150 = arith.addi %add3A_148, %add3A_149 : i32
    %mul3A_151 = arith.constant 576 : i32
    %mul3A_152 = arith.muli %add3A_150, %mul3A_151 : i32
    %add3A_153 = vector.broadcast %mul3A_152 : i32 to vector<1x288xi32>
    %add3A_154 = arith.addi %broadcast_in_dim3A_144, %add3A_153 : vector<1x288xi32>
    %slice3A_155 = vector.extract_strided_slice %xor3A_18 {offsets = [0, 4], sizes = [576, 1], strides = [1, 1]} : vector<576x8xi32> to vector<576x1xi32>
    %slice3A_156 = vector.extract_strided_slice %xor3A {offsets = [4, 0], sizes = [1, 576], strides = [1, 1]} : vector<8x576xi32> to vector<1x576xi32>
    %gt3A_157 = vector.broadcast %slice3A_156 : vector<1x576xi32> to vector<576x576xi32>
    %gt3A_158 = vector.broadcast %slice3A_155 : vector<576x1xi32> to vector<576x576xi32>
    %gt3A_159 = arith.cmpi sgt, %gt3A_157, %gt3A_158 : vector<576x576xi32>
    %eq3A_160 = vector.broadcast %slice3A_156 : vector<1x576xi32> to vector<576x576xi32>
    %eq3A_161 = vector.broadcast %slice3A_155 : vector<576x1xi32> to vector<576x576xi32>
    %eq3A_162 = arith.cmpi eq, %eq3A_160, %eq3A_161 : vector<576x576xi32>
    %lt3A_163 = vector.broadcast %iota3A_19 : vector<1x576xi32> to vector<576x576xi32>
    %lt3A_164 = vector.broadcast %iota3A : vector<576x1xi32> to vector<576x576xi32>
    %lt3A_165 = arith.cmpi slt, %lt3A_163, %lt3A_164 : vector<576x576xi32>
    %and3A_166 = arith.andi %eq3A_162, %lt3A_165 : vector<576x576xi1>
    %or3A_167 = arith.ori %gt3A_159, %and3A_166 : vector<576x576xi1>
    %convert_element_type3A_168 = arith.extui %or3A_167 : vector<576x576xi1> to vector<576x576xi32>
    %reduce_sum3A_169 = arith.constant dense<0> : vector<576xi32>
    %reduce_sum3A_170 = vector.multi_reduction <add>, %convert_element_type3A_168, %reduce_sum3A_169 [1] : vector<576x576xi32> to vector<576xi32>
    %broadcast_in_dim3A_171 = vector.shape_cast %reduce_sum3A_170 : vector<576xi32> to vector<576x1xi32>
    %eq3A_172 = vector.broadcast %broadcast_in_dim3A_171 : vector<576x1xi32> to vector<576x288xi32>
    %eq3A_173 = vector.broadcast %iota3A_20 : vector<1x288xi32> to vector<576x288xi32>
    %eq3A_174 = arith.cmpi eq, %eq3A_172, %eq3A_173 : vector<576x288xi32>
    %convert_element_type3A_175 = arith.extui %eq3A_174 : vector<576x288xi1> to vector<576x288xi32>
    %mul3A_176 = vector.broadcast %iota3A : vector<576x1xi32> to vector<576x288xi32>
    %mul3A_177 = arith.muli %convert_element_type3A_175, %mul3A_176 : vector<576x288xi32>
    %reduce_sum3A_178 = arith.constant dense<0> : vector<288xi32>
    %reduce_sum3A_179 = vector.multi_reduction <add>, %mul3A_177, %reduce_sum3A_178 [0] : vector<576x288xi32> to vector<288xi32>
    %broadcast_in_dim3A_180 = vector.shape_cast %reduce_sum3A_179 : vector<288xi32> to vector<1x288xi32>
    %mul3A_181 = arith.constant 8 : i32
    %mul3A_182 = arith.muli %arg0, %mul3A_181 : i32
    %add3A_183 = arith.constant 32 : i32
    %add3A_184 = arith.addi %add3A_183, %mul3A_182 : i32
    %add3A_185 = arith.constant 4 : i32
    %add3A_186 = arith.addi %add3A_184, %add3A_185 : i32
    %mul3A_187 = arith.constant 576 : i32
    %mul3A_188 = arith.muli %add3A_186, %mul3A_187 : i32
    %add3A_189 = vector.broadcast %mul3A_188 : i32 to vector<1x288xi32>
    %add3A_190 = arith.addi %broadcast_in_dim3A_180, %add3A_189 : vector<1x288xi32>
    %slice3A_191 = vector.extract_strided_slice %xor3A_18 {offsets = [0, 5], sizes = [576, 1], strides = [1, 1]} : vector<576x8xi32> to vector<576x1xi32>
    %slice3A_192 = vector.extract_strided_slice %xor3A {offsets = [5, 0], sizes = [1, 576], strides = [1, 1]} : vector<8x576xi32> to vector<1x576xi32>
    %gt3A_193 = vector.broadcast %slice3A_192 : vector<1x576xi32> to vector<576x576xi32>
    %gt3A_194 = vector.broadcast %slice3A_191 : vector<576x1xi32> to vector<576x576xi32>
    %gt3A_195 = arith.cmpi sgt, %gt3A_193, %gt3A_194 : vector<576x576xi32>
    %eq3A_196 = vector.broadcast %slice3A_192 : vector<1x576xi32> to vector<576x576xi32>
    %eq3A_197 = vector.broadcast %slice3A_191 : vector<576x1xi32> to vector<576x576xi32>
    %eq3A_198 = arith.cmpi eq, %eq3A_196, %eq3A_197 : vector<576x576xi32>
    %lt3A_199 = vector.broadcast %iota3A_19 : vector<1x576xi32> to vector<576x576xi32>
    %lt3A_200 = vector.broadcast %iota3A : vector<576x1xi32> to vector<576x576xi32>
    %lt3A_201 = arith.cmpi slt, %lt3A_199, %lt3A_200 : vector<576x576xi32>
    %and3A_202 = arith.andi %eq3A_198, %lt3A_201 : vector<576x576xi1>
    %or3A_203 = arith.ori %gt3A_195, %and3A_202 : vector<576x576xi1>
    %convert_element_type3A_204 = arith.extui %or3A_203 : vector<576x576xi1> to vector<576x576xi32>
    %reduce_sum3A_205 = arith.constant dense<0> : vector<576xi32>
    %reduce_sum3A_206 = vector.multi_reduction <add>, %convert_element_type3A_204, %reduce_sum3A_205 [1] : vector<576x576xi32> to vector<576xi32>
    %broadcast_in_dim3A_207 = vector.shape_cast %reduce_sum3A_206 : vector<576xi32> to vector<576x1xi32>
    %eq3A_208 = vector.broadcast %broadcast_in_dim3A_207 : vector<576x1xi32> to vector<576x288xi32>
    %eq3A_209 = vector.broadcast %iota3A_20 : vector<1x288xi32> to vector<576x288xi32>
    %eq3A_210 = arith.cmpi eq, %eq3A_208, %eq3A_209 : vector<576x288xi32>
    %convert_element_type3A_211 = arith.extui %eq3A_210 : vector<576x288xi1> to vector<576x288xi32>
    %mul3A_212 = vector.broadcast %iota3A : vector<576x1xi32> to vector<576x288xi32>
    %mul3A_213 = arith.muli %convert_element_type3A_211, %mul3A_212 : vector<576x288xi32>
    %reduce_sum3A_214 = arith.constant dense<0> : vector<288xi32>
    %reduce_sum3A_215 = vector.multi_reduction <add>, %mul3A_213, %reduce_sum3A_214 [0] : vector<576x288xi32> to vector<288xi32>
    %broadcast_in_dim3A_216 = vector.shape_cast %reduce_sum3A_215 : vector<288xi32> to vector<1x288xi32>
    %mul3A_217 = arith.constant 8 : i32
    %mul3A_218 = arith.muli %arg0, %mul3A_217 : i32
    %add3A_219 = arith.constant 32 : i32
    %add3A_220 = arith.addi %add3A_219, %mul3A_218 : i32
    %add3A_221 = arith.constant 5 : i32
    %add3A_222 = arith.addi %add3A_220, %add3A_221 : i32
    %mul3A_223 = arith.constant 576 : i32
    %mul3A_224 = arith.muli %add3A_222, %mul3A_223 : i32
    %add3A_225 = vector.broadcast %mul3A_224 : i32 to vector<1x288xi32>
    %add3A_226 = arith.addi %broadcast_in_dim3A_216, %add3A_225 : vector<1x288xi32>
    %slice3A_227 = vector.extract_strided_slice %xor3A_18 {offsets = [0, 6], sizes = [576, 1], strides = [1, 1]} : vector<576x8xi32> to vector<576x1xi32>
    %slice3A_228 = vector.extract_strided_slice %xor3A {offsets = [6, 0], sizes = [1, 576], strides = [1, 1]} : vector<8x576xi32> to vector<1x576xi32>
    %gt3A_229 = vector.broadcast %slice3A_228 : vector<1x576xi32> to vector<576x576xi32>
    %gt3A_230 = vector.broadcast %slice3A_227 : vector<576x1xi32> to vector<576x576xi32>
    %gt3A_231 = arith.cmpi sgt, %gt3A_229, %gt3A_230 : vector<576x576xi32>
    %eq3A_232 = vector.broadcast %slice3A_228 : vector<1x576xi32> to vector<576x576xi32>
    %eq3A_233 = vector.broadcast %slice3A_227 : vector<576x1xi32> to vector<576x576xi32>
    %eq3A_234 = arith.cmpi eq, %eq3A_232, %eq3A_233 : vector<576x576xi32>
    %lt3A_235 = vector.broadcast %iota3A_19 : vector<1x576xi32> to vector<576x576xi32>
    %lt3A_236 = vector.broadcast %iota3A : vector<576x1xi32> to vector<576x576xi32>
    %lt3A_237 = arith.cmpi slt, %lt3A_235, %lt3A_236 : vector<576x576xi32>
    %and3A_238 = arith.andi %eq3A_234, %lt3A_237 : vector<576x576xi1>
    %or3A_239 = arith.ori %gt3A_231, %and3A_238 : vector<576x576xi1>
    %convert_element_type3A_240 = arith.extui %or3A_239 : vector<576x576xi1> to vector<576x576xi32>
    %reduce_sum3A_241 = arith.constant dense<0> : vector<576xi32>
    %reduce_sum3A_242 = vector.multi_reduction <add>, %convert_element_type3A_240, %reduce_sum3A_241 [1] : vector<576x576xi32> to vector<576xi32>
    %broadcast_in_dim3A_243 = vector.shape_cast %reduce_sum3A_242 : vector<576xi32> to vector<576x1xi32>
    %eq3A_244 = vector.broadcast %broadcast_in_dim3A_243 : vector<576x1xi32> to vector<576x288xi32>
    %eq3A_245 = vector.broadcast %iota3A_20 : vector<1x288xi32> to vector<576x288xi32>
    %eq3A_246 = arith.cmpi eq, %eq3A_244, %eq3A_245 : vector<576x288xi32>
    %convert_element_type3A_247 = arith.extui %eq3A_246 : vector<576x288xi1> to vector<576x288xi32>
    %mul3A_248 = vector.broadcast %iota3A : vector<576x1xi32> to vector<576x288xi32>
    %mul3A_249 = arith.muli %convert_element_type3A_247, %mul3A_248 : vector<576x288xi32>
    %reduce_sum3A_250 = arith.constant dense<0> : vector<288xi32>
    %reduce_sum3A_251 = vector.multi_reduction <add>, %mul3A_249, %reduce_sum3A_250 [0] : vector<576x288xi32> to vector<288xi32>
    %broadcast_in_dim3A_252 = vector.shape_cast %reduce_sum3A_251 : vector<288xi32> to vector<1x288xi32>
    %mul3A_253 = arith.constant 8 : i32
    %mul3A_254 = arith.muli %arg0, %mul3A_253 : i32
    %add3A_255 = arith.constant 32 : i32
    %add3A_256 = arith.addi %add3A_255, %mul3A_254 : i32
    %add3A_257 = arith.constant 6 : i32
    %add3A_258 = arith.addi %add3A_256, %add3A_257 : i32
    %mul3A_259 = arith.constant 576 : i32
    %mul3A_260 = arith.muli %add3A_258, %mul3A_259 : i32
    %add3A_261 = vector.broadcast %mul3A_260 : i32 to vector<1x288xi32>
    %add3A_262 = arith.addi %broadcast_in_dim3A_252, %add3A_261 : vector<1x288xi32>
    %slice3A_263 = vector.extract_strided_slice %xor3A_18 {offsets = [0, 7], sizes = [576, 1], strides = [1, 1]} : vector<576x8xi32> to vector<576x1xi32>
    %slice3A_264 = vector.extract_strided_slice %xor3A {offsets = [7, 0], sizes = [1, 576], strides = [1, 1]} : vector<8x576xi32> to vector<1x576xi32>
    %gt3A_265 = vector.broadcast %slice3A_264 : vector<1x576xi32> to vector<576x576xi32>
    %gt3A_266 = vector.broadcast %slice3A_263 : vector<576x1xi32> to vector<576x576xi32>
    %gt3A_267 = arith.cmpi sgt, %gt3A_265, %gt3A_266 : vector<576x576xi32>
    %eq3A_268 = vector.broadcast %slice3A_264 : vector<1x576xi32> to vector<576x576xi32>
    %eq3A_269 = vector.broadcast %slice3A_263 : vector<576x1xi32> to vector<576x576xi32>
    %eq3A_270 = arith.cmpi eq, %eq3A_268, %eq3A_269 : vector<576x576xi32>
    %lt3A_271 = vector.broadcast %iota3A_19 : vector<1x576xi32> to vector<576x576xi32>
    %lt3A_272 = vector.broadcast %iota3A : vector<576x1xi32> to vector<576x576xi32>
    %lt3A_273 = arith.cmpi slt, %lt3A_271, %lt3A_272 : vector<576x576xi32>
    %and3A_274 = arith.andi %eq3A_270, %lt3A_273 : vector<576x576xi1>
    %or3A_275 = arith.ori %gt3A_267, %and3A_274 : vector<576x576xi1>
    %convert_element_type3A_276 = arith.extui %or3A_275 : vector<576x576xi1> to vector<576x576xi32>
    %reduce_sum3A_277 = arith.constant dense<0> : vector<576xi32>
    %reduce_sum3A_278 = vector.multi_reduction <add>, %convert_element_type3A_276, %reduce_sum3A_277 [1] : vector<576x576xi32> to vector<576xi32>
    %broadcast_in_dim3A_279 = vector.shape_cast %reduce_sum3A_278 : vector<576xi32> to vector<576x1xi32>
    %eq3A_280 = vector.broadcast %broadcast_in_dim3A_279 : vector<576x1xi32> to vector<576x288xi32>
    %eq3A_281 = vector.broadcast %iota3A_20 : vector<1x288xi32> to vector<576x288xi32>
    %eq3A_282 = arith.cmpi eq, %eq3A_280, %eq3A_281 : vector<576x288xi32>
    %convert_element_type3A_283 = arith.extui %eq3A_282 : vector<576x288xi1> to vector<576x288xi32>
    %mul3A_284 = vector.broadcast %iota3A : vector<576x1xi32> to vector<576x288xi32>
    %mul3A_285 = arith.muli %convert_element_type3A_283, %mul3A_284 : vector<576x288xi32>
    %reduce_sum3A_286 = arith.constant dense<0> : vector<288xi32>
    %reduce_sum3A_287 = vector.multi_reduction <add>, %mul3A_285, %reduce_sum3A_286 [0] : vector<576x288xi32> to vector<288xi32>
    %broadcast_in_dim3A_288 = vector.shape_cast %reduce_sum3A_287 : vector<288xi32> to vector<1x288xi32>
    %mul3A_289 = arith.constant 8 : i32
    %mul3A_290 = arith.muli %arg0, %mul3A_289 : i32
    %add3A_291 = arith.constant 32 : i32
    %add3A_292 = arith.addi %add3A_291, %mul3A_290 : i32
    %add3A_293 = arith.constant 7 : i32
    %add3A_294 = arith.addi %add3A_292, %add3A_293 : i32
    %mul3A_295 = arith.constant 576 : i32
    %mul3A_296 = arith.muli %add3A_294, %mul3A_295 : i32
    %add3A_297 = vector.broadcast %mul3A_296 : i32 to vector<1x288xi32>
    %add3A_298 = arith.addi %broadcast_in_dim3A_288, %add3A_297 : vector<1x288xi32>
    %concatenate3A = tpu.concatenate %add3A_46, %add3A_82, %add3A_118, %add3A_154, %add3A_190, %add3A_226, %add3A_262, %add3A_298 in 1 : vector<1x288xi32>, vector<1x288xi32>, vector<1x288xi32>, vector<1x288xi32>, vector<1x288xi32>, vector<1x288xi32>, vector<1x288xi32>, vector<1x288xi32> -> vector<1x2304xi32>
    %reshape3A = vector.shape_cast %concatenate3A : vector<1x2304xi32> to vector<2304xi32>
    %swap3A = arith.constant 0 : index
    %swap3A_299 = arith.constant 0 : index
    %swap3A_300 = arith.constant 0 : index
    %swap3A_301 = vector.load %arg3[%swap3A, %swap3A_299, %swap3A_300] : memref<1x1x2304xi32, #tpu.memory_space<vmem>>, vector<1x1x2304xi32>
    %swap3A_302 = vector.shape_cast %swap3A_301 : vector<1x1x2304xi32> to vector<2304xi32>
    %swap3A_303 = vector.shape_cast %reshape3A : vector<2304xi32> to vector<1x1x2304xi32>
    tpu.vector_store %arg3[%swap3A, %swap3A_299, %swap3A_300], %swap3A_303 {strides = array<i32>} : memref<1x1x2304xi32, #tpu.memory_space<vmem>>, vector<1x1x2304xi32>,
    return
  }
  func.func @transform_0(%arg0: i32) -> (i32, i32) {
    %add3A = arith.constant 4 : i32
    %add3A_0 = arith.addi %add3A, %arg0 : i32
    %c0_i32 = arith.constant 0 : i32
    %c0_i32_1 = arith.constant 0 : i32
    return %add3A_0, %c0_i32 : i32, i32
  }
  func.func @transform_1(%arg0: i32) -> (i32, i32, i32) {
    %add3A = arith.constant 4 : i32
    %add3A_0 = arith.addi %add3A, %arg0 : i32
    %c0_i32 = arith.constant 0 : i32
    %c0_i32_1 = arith.constant 0 : i32
    %c0_i32_2 = arith.constant 0 : i32
    return %add3A_0, %c0_i32, %c0_i32_1 : i32, i32, i32
  }
  func.func @transform_2(%arg0: i32) -> (i32, i32, i32) {
    %c0_i32 = arith.constant 0 : i32
    %c0_i32_0 = arith.constant 0 : i32
    %c0_i32_1 = arith.constant 0 : i32
    return %arg0, %c0_i32, %c0_i32_0 : i32, i32, i32
  }
}

</mosaic_0001>

<sc_bundles>
// kernel: kernel.11.cloned.1.call-start
scs
__scs_entry_jumppad:
0x0: {  	(pc) =	sbr.rel $0x88, $3  }
0x1: {  	(tag) =	ssettag $0x0;
	lr =	simm.s32 $0x1  }
0x2: {  	[smem:$0x3F9F] =	sst lr;
	_ =	strace $0xD0000000  }
0x3: {  	_ = 	snop  }
0x4: {  	_ = 	snop  }
0x5: {  	_ = 	snop  }
0x6: {  	_ = 	snop  }
0x7: {  	_ = 	snop  }
__scs_overlays_trampoline_lowered:
0x8: {  	[smem:$0x3FAE] =	sst s0  }
0x9: {  	[smem:$0x3FAF] =	sst s1  }
0xa: {  	[smem:$0x3FB0] =	sst s2  }
0xb: {  	[smem:$0x3FB1] =	sst s3  }
0xc: {  	[smem:$0x3FB2] =	sst s4  }
0xd: {  	[smem:$0x3FB3] =	sst s5  }
0xe: {  	[smem:$0x3FB4] =	sst s6  }
0xf: {  	[smem:$0x3FB5] =	sst s7  }
0x10: {  	[smem:$0x3FB6] =	sst s8  }
0x11: {  	[smem:$0x3FB7] =	sst s9;
	s0 =	simm.s32 @!p0 $0x0  }
0x12: {  	s1 =	sld [smem:$0x3F9D];
	s0 =	simm.s32 @p0 $0x1  }
0x13: {  	[smem:$0x3FB8] =	sst s0;
	s0 =	simm.s32 @!p1 $0x0  }
0x14: {  	s2 =	sld [smem:$0x3F9C];
	s0 =	simm.s32 @p1 $0x1  }
0x15: {  	[smem:$0x3FB9] =	sst s0;
	s0 =	simm.s32 @!p2 $0x0  }
0x16: {  	s3 =	sld [smem:$0x3FDB];
	s0 =	simm.s32 @p2 $0x1  }
0x17: {  	s4 =	simm.s32 $0x1BF5;
	[smem:$0x3FBB] =	sst s0  }
0x18: {  	s0 =	sld [smem:$0x3F9E];
	_ =	swait.ge [sflag:s4], $0x0  }
0x19: {  	s7 =	sld [smem:$0x3F9F]  }
0x1a: {  	s8 =	sadd.s32 $0xFFFFE003, lr  }
0x1b: {  	s9 =	sadd.s32 $0xFFFFFEF7, lr;
	s5 =	simm.s32 $0xFFFFFFFF;
	p2 =	slt.u32 s8, $0xFFFFF086  }
0x1c: {  	p1 =	slt.u32 s9, $0xF7A;
	s5 =	simm.s32 @!p2 $0x0  }
0x1d: {  	s5 =	simm.s32 @p1 $0x1;
	p0 =	seq.s32 s7, s2  }
0x1e: {  	s7 =	smul.u32 @!p0 $0xF7A, s2;
	p2 =	seq.s32 @!p0 s5, $0x0  }
0x1f: {  	s9 =	smul.u32 $0xF7A, s1;
	s8 =	simm.s32 @!p0 $0x1BF5;
	p2 =	por !p2, p0  }
0x20: {  	[sflag:s8] =	ssyncset.s32 @!p0 $0xFFFFF086;
	s6 =	sadd.s32 @!p0 s3, s7;
	s7 =	simm.s32 @!p0 $0x108  }
0x21: {  	s3 =	sadd.s32 s3, s9;
	s6 =	sadd.s32 @!p0 $0x88, s6;
	s7 =	simm.s32 @p2 $0x1082  }
0x22: {  	[simem:s7], [sflag:s8] =	dma.local @!p0 [hbm:s6], $0xF7A  }
0x23: {  	s9 =	sor.u32 $0xD0000000, s2;
	s6 =	simm.s32 $0x108;
	_ =	swait.ge @!p0 [sflag:s8], $0x0  }
0x24: {  	s3 =	sadd.s32 $0x88, s3;
	s6 =	simm.s32 @!p1 $0x1082;
	[sflag:s4] =	ssyncset.s32 $0xFFFFF086  }
0x25: {  	[simem:s6], [sflag:s4] =	dma.local [hbm:s3], $0xF7A  }
0x26: {  	[smem:$0x3F9F] =	sst s1;
	(tag) =	ssettag s2;
	_ =	strace s9  }
0x27: {  	s1 =	sld [smem:$0x3FAF]  }
0x28: {  	s2 =	sld [smem:$0x3FB0]  }
0x29: {  	s4 =	sld [smem:$0x3FB2]  }
0x2a: {  	p0 =	seq.s32 s5, $0x0;
	s5 =	sld [smem:$0x3FB3]  }
0x2b: {  	s6 =	sld [smem:$0x3FB4]  }
0x2c: {  	s7 =	sld [smem:$0x3FB5]  }
0x2d: {  	s3 =	simm.s32 $0x108;
	s8 =	sld [smem:$0x3FB6]  }
0x2e: {  	s3 =	simm.s32 @!p0 $0x1082;
	s9 =	sld [smem:$0x3FB7]  }
0x2f: {  	lr =	sadd.s32 s0, s3;
	s0 =	sld [smem:$0x3FAE]  }
0x30: {  	s3 =	sld [smem:$0x3FB1]  }
0x31: {  	[smem:$0x3FBA] =	sst s10  }
0x32: {  	s10 =	sld [smem:$0x3FB8];
	_ =	sdelay $0x3  }
0x33: {  	p0 =	seq.s32 s10, $0x1;
	s10 =	sld [smem:$0x3FBA];
	_ =	sdelay $0x3  }
0x34: {  	[smem:$0x3FBA] =	sst s10  }
0x35: {  	s10 =	sld [smem:$0x3FB9];
	_ =	sdelay $0x3  }
0x36: {  	p1 =	seq.s32 s10, $0x1;
	s10 =	sld [smem:$0x3FBA];
	_ =	sdelay $0x3  }
0x37: {  	[smem:$0x3FBA] =	sst s10  }
0x38: {  	s10 =	sld [smem:$0x3FBB]  }
0x39: {  	_ = 	snop;
	(pc) =	sbr.ind lr, $3  }
0x3a: {  	_ = 	snop  }
0x3b: {  	_ = 	snop  }
0x3c: {  	p2 =	seq.s32 s10, $0x1;
	s10 =	sld [smem:$0x3FBA]  }
0x3d: {  	_ =	shalt  }
0x3e: {  	_ =	shalt  }
0x3f: {  	_ =	shalt  }
0x40: {  	_ =	shalt  }
0x41: {  	_ =	shalt  }
0x42: {  	_ =	shalt  }
0x43: {  	_ =	shalt  }
0x44: {  	_ =	shalt  }
0x45: {  	_ =	shalt  }
0x46: {  	_ =	shalt  }
0x47: {  	_ =	shalt  }
0x48: {  	_ =	shalt  }
0x49: {  	_ =	shalt  }
0x4a: {  	_ =	shalt  }
0x4b: {  	_ =	shalt  }
0x4c: {  	_ =	shalt  }
0x4d: {  	_ =	shalt  }
0x4e: {  	_ =	shalt  }
0x4f: {  	_ =	shalt  }
0x50: {  	_ =	shalt  }
0x51: {  	_ =	shalt  }
0x52: {  	_ =	shalt  }
0x53: {  	_ =	shalt  }
0x54: {  	_ =	shalt  }
0x55: {  	_ =	shalt  }
0x56: {  	_ =	shalt  }
0x57: {  	_ =	shalt  }
0x58: {  	_ =	shalt  }
0x59: {  	_ =	shalt  }
0x5a: {  	_ =	shalt  }
0x5b: {  	_ =	shalt  }
0x5c: {  	_ =	shalt  }
0x5d: {  	_ =	shalt  }
0x5e: {  	_ =	shalt  }
0x5f: {  	_ =	shalt  }
0x60: {  	_ =	shalt  }
0x61: {  	_ =	shalt  }
0x62: {  	_ =	shalt  }
0x63: {  	_ =	shalt  }
0x64: {  	_ =	shalt  }
0x65: {  	_ =	shalt  }
0x66: {  	_ =	shalt  }
0x67: {  	_ =	shalt  }
0x68: {  	_ =	shalt  }
0x69: {  	_ =	shalt  }
0x6a: {  	_ =	shalt  }
0x6b: {  	_ =	shalt  }
0x6c: {  	_ =	shalt  }
0x6d: {  	_ =	shalt  }
0x6e: {  	_ =	shalt  }
0x6f: {  	_ =	shalt  }
0x70: {  	_ =	shalt  }
0x71: {  	_ =	shalt  }
0x72: {  	_ =	shalt  }
0x73: {  	_ =	shalt  }
0x74: {  	_ =	shalt  }
0x75: {  	_ =	shalt  }
0x76: {  	_ =	shalt  }
0x77: {  	_ =	shalt  }
0x78: {  	_ =	shalt  }
0x79: {  	_ =	shalt  }
0x7a: {  	_ =	shalt  }
0x7b: {  	_ =	shalt  }
0x7c: {  	_ =	shalt  }
0x7d: {  	_ =	shalt  }
0x7e: {  	_ =	shalt  }
0x7f: {  	_ =	shalt  }
0x80: {  	_ =	shalt  }
0x81: {  	_ =	shalt  }
0x82: {  	_ =	shalt  }
0x83: {  	_ =	shalt  }
0x84: {  	_ =	shalt  }
0x85: {  	_ =	shalt  }
0x86: {  	_ =	shalt  }
0x87: {  	_ =	shalt  }
.Lfunc_end0:
.L_simem_size_0:
called_computation.1_lowered:
.L_overlay_start_0:
0x88: {  	s2 =	sld [smem:$0x3FD9]  }
0x89: {  	s3 =	sld [smem:$0x3FFE];
	_ =	sdelay $0x1  }
0x8a: {  	s1 =	srdreg.scid  }
0x8b: {  	s0 =	sand.u32 $0x1, s1  }
0x8c: {  	s17 =	sshll.u32 s0, $0xA;
	s2 =	sadd.s32 s3, s2  }
0x8d: {  	s2 =	sadd.s32 s2, s17  }
0x8e: {  	[smem:$0x3FC6] =	sst s2  }
0x8f: {  	_ = 	snop  }
0x90: {  	s2 =	sld [smem:$0x3FC9]  }
0x91: {  	s18 =	sld [smem:$0x3FD0];
	(tm) =	ssettm $0x1  }
0x92: {  	s4 =	sld [smem:$0x3FFB];
	_ =	sdelay $0x3  }
0x93: {  	_ =	strace s4  }
0x94: {  	s4 =	sld [smem:$0x3FFC];
	_ =	sdelay $0x3  }
0x95: {  	_ =	strace s4  }
0x96: {  	s4 =	sld [smem:$0x3FFD];
	_ =	sdelay $0x3  }
0x97: {  	_ =	strace s4  }
0x98: {  	_ =	strace $0x8FFFFFFF  }
0x99: {  	s19 =	sld [smem:$0x3FDB];
	_ =	sdelay $0x1  }
0x9a: {  	s5 =	simm.s32 $_scs_section_size  }
0x9b: {  	s6 =	simm.s32 $_size__tile_overlayer_lowered;
	s7 =	simm.s32 $_tile_overlayer_lowered  }
0x9c: {  	s22 =	simm.s32 $0x1BFF;
	s21 =	sshll.u32 s7, $0x1;
	s4 =	sadd.s32 s5, s19  }
0x9d: {  	s8 =	simm.s32 $0x0;
	s20 =	sshll.u32 s6, $0x1;
	s6 =	sadd.s32 s21, s4  }
0x9e: {  	[timem:s8], [sflag:s22] =	dma.local [hbm:s6], s20  }
0x9f: {  	_ =	swait.ge [sflag:s22], s20  }
0xa0: {  	s5 =	ssub.s32 $0x0, s20;
	[sflag:s22] =	ssyncset.done $0x0  }
0xa1: {  	[sflag:s22] =	ssyncadd.s32 s5;
	_ =	sdelay $0x1  }
0xa2: {  	s23 =	simm.s32 $0x1B8B  }
0xa3: {  	_ =	swait.ge [sflag:s23], $0x1  }
0xa4: {  	[sflag:s23] =	ssyncset.done $0x0  }
0xa5: {  	s25 =	simm.s32 $0x1B8E;
	s24 =	sld [smem:$0x3FFE];
	[sflag:s23] =	ssyncadd.s32 $0xFFFFFFFF  }
0xa6: {  	s26 =	simm.s32 $execute0_lowered;
	[smem:$0x3FD2] =	sst s25  }
0xa7: {  	s6 =	sshll.u32 s26, $0x1;
	_ =	strace $0x80000049;
	[dreg:$0x1] =	wrdreg $0xFFFFFFFF  }
0xa8: {  	s28 =	simm.s32 $_size_execute0_lowered;
	s4 =	sadd.s32 s4, s6;
	[dreg:$0x0] =	wrdreg $0x0  }
0xa9: {  	s6 =	sshll.u32 s28, $0x1;
	[dreg:$0x2] =	wrdreg s4  }
0xaa: {  	[dreg:$0x3] =	wrdreg s6  }
0xab: {  	[dreg:$0x4] =	wrdreg $0xC0  }
0xac: {  	_ =	task [dreg:s8], $0x5FFFF  }
0xad: {  	[dreg:$0x1] =	wrdreg $0xFFFFFFFF  }
0xae: {  	[dreg:$0x0] =	wrdreg $0x60  }
0xaf: {  	[dreg:$0x2] =	wrdreg s2  }
0xb0: {  	[dreg:$0x3] =	wrdreg s24  }
0xb1: {  	[dreg:$0x4] =	wrdreg s18  }
0xb2: {  	[dreg:$0x5] =	wrdreg $0x9  }
0xb3: {  	_ =	task.clear_ibuf [dreg:s8], $0x6FFFF;
	_ =	strace $0x90000049  }
0xb4: {  	s29 =	simm.s32 $0x9;
	_ =	strace $0x8000004B  }
0xb5: {  	_ =	swait.ge [sflag:s29], $0x1  }
0xb6: {  	[sflag:s29] =	ssyncadd.s32 $0xFFFFFFFF  }
0xb7: {  	_ =	strace $0x9000004B  }
0xb8: {  	_ =	sfence  }
0xb9: {  	s30 =	sld [smem:$0x0];
	_ =	sdelay $0x2  }
0xba: {  	s31 =	sshll.u32 s1, $0xD;
	s1 =	sshrl.u32 s1, $0x2  }
0xbb: {  	s3 =	sand.u32 $0x4000, s31;
	s1 =	sadd.s32 s1, s30  }
0xbc: {  	s0 =	sor.u32 s3, s0;
	s1 =	sshll.u32 s1, $0x11  }
0xbd: {  	s0 =	sor.u32 s1, s0  }
0xbe: {  	s0 =	sadd.s32 $0x8F2B, s0  }
0xbf: {  	[sflag:s0] =	ssyncadd.remote.s32 $0x1  }
0xc0: {  	_ =	sfence.sel $0xFFFF  }
0xc1: {  	[dreg:$0x0] =	wrdreg $0xFFFFFFFF;
	(pc) =	sbr.abs _section_cstart, $3  }
0xc2: {  	[dreg:$0x1] =	wrdreg $0xFFFFFFFF  }
0xc3: {  	_ =	task.clear_ibuf [dreg:s8], $0x2FFFF;
	_ =	strace $0x9FFFFFFF  }
0xc4: {  	(tm) =	ssettm $0x7FFFFFFF  }
0xc5: {  	_ =	shalt  }
tec
execute0_lowered:
.L_overlay_start_1:
0x0: {  	(tag) =	ssettag $0x1  }
0x1: {  	s1 =	srdreg.scid;
	s0 =	stileid.u32  }
0x2: {  	s1 =	sand.u32 $0x1, s1;
	s2 =	sshll.u32 s0, $0x1  }
0x3: {  	s3 =	sor.u32 s1, s2  }
0x4: {  	s4 =	rddreg [dreg:$0x1];
	s3 =	smul.u32 $0x90, s3  }
0x5: {  	s5 =	rddreg [dreg:$0x2]  }
0x6: {  	s2 =	rddreg [dreg:$0x0];
	s6 =	sshrl.u32 s3, $0x3;
	s3 =	simm.s32 $0x0  }
0x7: {  	s23 =	simm.s32 $0xC900;
	[smem:$0x7FF] =	sst s3  }
0x8: {  	s24 =	simm.s32 $0xD100;
	_ =	strace $0x8000004A;
	[dreg:$0x8] =	wrdreg s23  }
0x9: {  	s25 =	simm.s32 $0xD900;
	[dreg:$0x9] =	wrdreg s24  }
0xa: {  	s26 =	simm.s32 $0xE100;
	[dreg:$0xa] =	wrdreg s25  }
0xb: {  	s0 =	simm.s32 $0xE900;
	s7 =	smul.u32 $0x300, s6;
	[dreg:$0xb] =	wrdreg s26  }
0xc: {  	s4 =	sadd.s32 s6, s4;
	s6 =	simm.s32 $0xF900;
	[dreg:$0xc] =	wrdreg s0  }
0xd: {  	s8 =	simm.s32 $0x10900;
	[dreg:$0xe] =	wrdreg s6  }
0xe: {  	s9 =	simm.s32 $0x11100;
	s10 =	simm.s32 $0x11900;
	[dreg:$0x10] =	wrdreg s8  }
0xf: {  	s11 =	simm.s32 $0x12100;
	s12 =	simm.s32 $0x12900;
	[dreg:$0x11] =	wrdreg s9  }
0x10: {  	s14 =	simm.s32 $0x13100;
	s15 =	simm.s32 $0x13900;
	[dreg:$0x12] =	wrdreg s10  }
0x11: {  	s16 =	simm.s32 $0x14100;
	s17 =	simm.s32 $0x14900;
	[dreg:$0x13] =	wrdreg s11  }
0x12: {  	s18 =	simm.s32 $0x15100;
	s19 =	simm.s32 $0x15900;
	[dreg:$0x14] =	wrdreg s12  }
0x13: {  	s28 =	simm.s32 $0xA100;
	s29 =	simm.s32 $0xA900;
	[dreg:$0x15] =	wrdreg s14  }
0x14: {  	s30 =	simm.s32 $0xB100;
	s1 =	ssub.s32 $0x2, s1;
	[dreg:$0x16] =	wrdreg s15  }
0x15: {  	s31 =	simm.s32 $0xB900;
	s13 =	sshrl.u32 s1, $0x1;
	[dreg:$0x17] =	wrdreg s16  }
0x16: {  	s1 =	ssub.s32 s1, s13;
	s13 =	simm.s32 $0x2900;
	[dreg:$0x18] =	wrdreg s17  }
0x17: {  	s4 =	sadd.s32 $0x13400, s4;
	s6 =	smax.u32 s1, $0x1;
	[dreg:$0x19] =	wrdreg s18  }
0x18: {  	s8 =	simm.s32 $0x100;
	[dreg:$0x1a] =	wrdreg s19;
	s9 =	simm.s32 $0x900  }
0x19: {  	s10 =	simm.s32 $0x1100;
	s11 =	simm.s32 $0x1900;
	s23 =	simm.s32 $0x17900  }
0x1a: {  	s12 =	simm.s32 $0x2100;
	s24 =	simm.s32 $0x3100;
	[dreg:$0x4] =	wrdreg s4  }
0x1b: {  	s25 =	simm.s32 $0x3900;
	s14 =	simm.s32 $0xC100;
	[dreg:$0x1e] =	wrdreg s23  }
0x1c: {  	s26 =	simm.s32 $0x4100;
	s15 =	simm.s32 $0x1;
	[dreg:$0x1f] =	wrdreg s24  }
0x1d: {  	s17 =	simm.s32 $0x5100;
	s18 =	simm.s32 $0x5900;
	[smem:$0x7FC] =	sst s25  }
0x1e: {  	s5 =	sadd.s32 s5, s7;
	s7 =	simm.s32 $0x10100;
	[smem:$0x7FD] =	sst s26  }
0x1f: {  	s19 =	simm.s32 $0x6100;
	s20 =	sadd.s32 $0x6C000, s5;
	[dreg:$0xf] =	wrdreg s7  }
0x20: {  	s1 =	simm.s32 $0x2;
	s21 =	sadd.s32 $0x6C600, s5;
	[dreg:$0x5] =	wrdreg s20  }
0x21: {  	s4 =	sadd.s32 $0x100, s2;
	s22 =	sadd.s32 $0x6DE00, s5;
	[dreg:$0x6] =	wrdreg s21  }
0x22: {  	s23 =	simm.s32 $0x8100;
	s5 =	simm.s32 $0xF100;
	[dreg:$0x7] =	wrdreg s22  }
0x23: {  	s24 =	simm.s32 $0x8900;
	[dreg:$0xd] =	wrdreg s5;
	s20 =	simm.s32 $0x16100  }
0x24: {  	s25 =	simm.s32 $0x9100;
	s21 =	simm.s32 $0x16900;
	[dreg:$0x1b] =	wrdreg s20  }
0x25: {  	v2 =	vlaneseq.u32;
	s26 =	simm.s32 $0x9900;
	s22 =	simm.s32 $0x17100;
	[dreg:$0x1c] =	wrdreg s21  }
0x26: {  	vm0 =	vmmov $0xffff;
	v1 =	vshrl.u32 v2, $0x3;
	s7 =	simm.s32 $0x3;
	s5 =	sadd.s32 $0x200, s2;
	[dreg:$0x1d] =	wrdreg s22  }
0x27: {  	v0 =	vand.u32 $0x7, v2;
	v2 =	vor.u32 $0x8, v2;
	v1 =	vmul.u32 $0x8, v1;
	s20 =	simm.s32 $0x6900;
	s21 =	simm.s32 $0x7100;
	s22 =	simm.s32 $0x7900  }
.LBB2_1:
0x28: {  	s0 =	rddreg [dreg:$0x4]  }
0x29: {  	[tilespmem:s3], [sflag:$0x3] =	stream.linear.gather [hbm4b:s0+s3], $0x90, $0x38;
	[tilespmem:$0x18100] =	vst v63  }
0x2a: {  	_ =	swait.ge [sflag:s7], $0x90  }
0x2b: {  	[sflag:s7] =	ssyncset.done $0x0  }
0x2c: {  	[sflag:s7] =	ssyncadd.s32 $0xFFFFFF70  }
0x2d: {  	v3 =	vld [tilespmem:$0x0];
	_ =	sdelay $0x4  }
0x2e: {  	v4 =	vshrl.u32 v3, $0x3  }
0x2f: {  	v4 =	vmul.u32 $0x30, v4  }
0x30: {  	v3 =	vand.u32 $0x7, v3  }
0x31: {  	v3 =	vor.u32 v3, v4  }
0x32: {  	v4 =	vperm.xlane v3, v0;
	_ =	sdelay $0x1  }
0x33: {  	v4 =	vadd.s32 v1, v4;
	_ =	sdelay $0x3  }
0x34: {  	v3 =	vperm.xlane v3, v2  }
0x35: {  	[tilespmem:s8], [sflag:$0x1] =	stream.indirect_vreg.gather [hbm4b:s2+s3], $0x80, v4, vm0, $0xb8;
	[tilespmem:$0x18100] =	vst v63  }
0x36: {  	v3 =	vadd.s32 v1, v3  }
0x37: {  	[tilespmem:s9], [sflag:$0x1] =	stream.indirect_vreg.gather [hbm4b:s4+s3], $0x80, v4, vm0, $0xb8;
	[tilespmem:$0x18100] =	vst v63  }
0x38: {  	_ = 	snop  }
0x39: {  	[tilespmem:s10], [sflag:$0x1] =	stream.indirect_vreg.gather [hbm4b:s5+s3], $0x80, v4, vm0, $0xb8;
	[tilespmem:$0x18100] =	vst v63  }
0x3a: {  	_ = 	snop  }
0x3b: {  	[tilespmem:s11], [sflag:$0x1] =	stream.indirect_vreg.gather [hbm4b:s2+s3], $0x80, v3, vm0, $0xb8;
	[tilespmem:$0x18100] =	vst v63  }
0x3c: {  	_ = 	snop  }
0x3d: {  	[tilespmem:s12], [sflag:$0x1] =	stream.indirect_vreg.gather [hbm4b:s4+s3], $0x80, v3, vm0, $0xb8;
	[tilespmem:$0x18100] =	vst v63  }
0x3e: {  	_ = 	snop  }
0x3f: {  	[tilespmem:s13], [sflag:$0x1] =	stream.indirect_vreg.gather [hbm4b:s5+s3], $0x80, v3, vm0, $0xb8;
	[tilespmem:$0x18100] =	vst v63  }
0x40: {  	v3 =	vld [tilespmem:$0x10];
	_ =	sdelay $0x4  }
0x41: {  	v56 =	vshrl.u32 v3, $0x3  }
0x42: {  	v4 =	vmul.u32 $0x30, v56  }
0x43: {  	v3 =	vand.u32 $0x7, v3  }
0x44: {  	v3 =	vor.u32 v3, v4  }
0x45: {  	v4 =	vperm.xlane v3, v0;
	_ =	sdelay $0x1  }
0x46: {  	v4 =	vadd.s32 v1, v4;
	_ =	sdelay $0x3  }
0x47: {  	v3 =	vperm.xlane v3, v2  }
0x48: {  	[tilespmem:s14], [sflag:$0x2] =	stream.indirect_vreg.gather [hbm4b:s2+s3], $0x80, v4, vm0, $0xb8;
	[tilespmem:$0x18100] =	vst v63  }
0x49: {  	s0 =	rddreg [dreg:$0x8];
	v3 =	vadd.s32 v1, v3  }
0x4a: {  	[tilespmem:s0], [sflag:$0x2] =	stream.indirect_vreg.gather [hbm4b:s4+s3], $0x80, v4, vm0, $0xb8;
	[tilespmem:$0x18100] =	vst v63  }
0x4b: {  	s16 =	rddreg [dreg:$0x9]  }
0x4c: {  	[tilespmem:s16], [sflag:$0x2] =	stream.indirect_vreg.gather [hbm4b:s5+s3], $0x80, v4, vm0, $0xb8;
	[tilespmem:$0x18100] =	vst v63  }
0x4d: {  	s0 =	rddreg [dreg:$0xa]  }
0x4e: {  	[tilespmem:s0], [sflag:$0x2] =	stream.indirect_vreg.gather [hbm4b:s2+s3], $0x80, v3, vm0, $0xb8;
	[tilespmem:$0x18100] =	vst v63  }
0x4f: {  	s16 =	rddreg [dreg:$0xb]  }
0x50: {  	[tilespmem:s16], [sflag:$0x2] =	stream.indirect_vreg.gather [hbm4b:s4+s3], $0x80, v3, vm0, $0xb8;
	[tilespmem:$0x18100] =	vst v63  }
0x51: {  	s0 =	rddreg [dreg:$0xc]  }
0x52: {  	[tilespmem:s0], [sflag:$0x2] =	stream.indirect_vreg.gather [hbm4b:s5+s3], $0x80, v3, vm0, $0xb8;
	[tilespmem:$0x18100] =	vst v63  }
0x53: {  	v3 =	vld [tilespmem:$0x20];
	_ =	sdelay $0x4  }
0x54: {  	v57 =	vshrl.u32 v3, $0x3  }
0x55: {  	v4 =	vmul.u32 $0x30, v57  }
0x56: {  	v3 =	vand.u32 $0x7, v3  }
0x57: {  	v3 =	vor.u32 v3, v4  }
0x58: {  	v4 =	vperm.xlane v3, v0;
	_ =	sdelay $0x1  }
0x59: {  	v4 =	vadd.s32 v1, v4;
	_ =	sdelay $0x3  }
0x5a: {  	s0 =	rddreg [dreg:$0xd];
	v3 =	vperm.xlane v3, v2  }
0x5b: {  	[tilespmem:s0], [sflag:$0x2] =	stream.indirect_vreg.gather [hbm4b:s2+s3], $0x80, v4, vm0, $0xb8;
	[tilespmem:$0x18100] =	vst v63  }
0x5c: {  	s16 =	rddreg [dreg:$0xe];
	v3 =	vadd.s32 v1, v3  }
0x5d: {  	[tilespmem:s16], [sflag:$0x2] =	stream.indirect_vreg.gather [hbm4b:s4+s3], $0x80, v4, vm0, $0xb8;
	[tilespmem:$0x18100] =	vst v63  }
0x5e: {  	s0 =	rddreg [dreg:$0xf]  }
0x5f: {  	[tilespmem:s0], [sflag:$0x2] =	stream.indirect_vreg.gather [hbm4b:s5+s3], $0x80, v4, vm0, $0xb8;
	[tilespmem:$0x18100] =	vst v63  }
0x60: {  	s16 =	rddreg [dreg:$0x10]  }
0x61: {  	[tilespmem:s16], [sflag:$0x2] =	stream.indirect_vreg.gather [hbm4b:s2+s3], $0x80, v3, vm0, $0xb8;
	[tilespmem:$0x18100] =	vst v63  }
0x62: {  	s0 =	rddreg [dreg:$0x11]  }
0x63: {  	[tilespmem:s0], [sflag:$0x2] =	stream.indirect_vreg.gather [hbm4b:s4+s3], $0x80, v3, vm0, $0xb8;
	[tilespmem:$0x18100] =	vst v63  }
0x64: {  	s16 =	rddreg [dreg:$0x12]  }
0x65: {  	[tilespmem:s16], [sflag:$0x2] =	stream.indirect_vreg.gather [hbm4b:s5+s3], $0x80, v3, vm0, $0xb8;
	[tilespmem:$0x18100] =	vst v63  }
0x66: {  	v3 =	vld [tilespmem:$0x30];
	_ =	sdelay $0x4  }
0x67: {  	v58 =	vshrl.u32 v3, $0x3  }
0x68: {  	v4 =	vmul.u32 $0x30, v58  }
0x69: {  	v3 =	vand.u32 $0x7, v3  }
0x6a: {  	v3 =	vor.u32 v3, v4  }
0x6b: {  	v4 =	vperm.xlane v3, v0;
	_ =	sdelay $0x1  }
0x6c: {  	v4 =	vadd.s32 v1, v4;
	_ =	sdelay $0x3  }
0x6d: {  	s0 =	rddreg [dreg:$0x13];
	v3 =	vperm.xlane v3, v2  }
0x6e: {  	[tilespmem:s0], [sflag:$0x2] =	stream.indirect_vreg.gather [hbm4b:s2+s3], $0x80, v4, vm0, $0xb8;
	[tilespmem:$0x18100] =	vst v63  }
0x6f: {  	s16 =	rddreg [dreg:$0x14];
	v3 =	vadd.s32 v1, v3  }
0x70: {  	[tilespmem:s16], [sflag:$0x2] =	stream.indirect_vreg.gather [hbm4b:s4+s3], $0x80, v4, vm0, $0xb8;
	[tilespmem:$0x18100] =	vst v63  }
0x71: {  	s0 =	rddreg [dreg:$0x15]  }
0x72: {  	[tilespmem:s0], [sflag:$0x2] =	stream.indirect_vreg.gather [hbm4b:s5+s3], $0x80, v4, vm0, $0xb8;
	[tilespmem:$0x18100] =	vst v63  }
0x73: {  	s16 =	rddreg [dreg:$0x16]  }
0x74: {  	[tilespmem:s16], [sflag:$0x2] =	stream.indirect_vreg.gather [hbm4b:s2+s3], $0x80, v3, vm0, $0xb8;
	[tilespmem:$0x18100] =	vst v63  }
0x75: {  	s0 =	rddreg [dreg:$0x17]  }
0x76: {  	[tilespmem:s0], [sflag:$0x2] =	stream.indirect_vreg.gather [hbm4b:s4+s3], $0x80, v3, vm0, $0xb8;
	[tilespmem:$0x18100] =	vst v63  }
0x77: {  	s16 =	rddreg [dreg:$0x18]  }
0x78: {  	[tilespmem:s16], [sflag:$0x2] =	stream.indirect_vreg.gather [hbm4b:s5+s3], $0x80, v3, vm0, $0xb8;
	[tilespmem:$0x18100] =	vst v63  }
0x79: {  	v3 =	vld [tilespmem:$0x40];
	_ =	sdelay $0x4  }
0x7a: {  	v59 =	vshrl.u32 v3, $0x3  }
0x7b: {  	v4 =	vmul.u32 $0x30, v59  }
0x7c: {  	v3 =	vand.u32 $0x7, v3  }
0x7d: {  	v3 =	vor.u32 v3, v4  }
0x7e: {  	v4 =	vperm.xlane v3, v0;
	_ =	sdelay $0x1  }
0x7f: {  	v4 =	vadd.s32 v1, v4;
	_ =	sdelay $0x3  }
0x80: {  	s0 =	rddreg [dreg:$0x19];
	v3 =	vperm.xlane v3, v2  }
0x81: {  	[tilespmem:s0], [sflag:$0x2] =	stream.indirect_vreg.gather [hbm4b:s2+s3], $0x80, v4, vm0, $0xb8;
	[tilespmem:$0x18100] =	vst v63  }
0x82: {  	s16 =	rddreg [dreg:$0x1a];
	v3 =	vadd.s32 v1, v3  }
0x83: {  	[tilespmem:s16], [sflag:$0x2] =	stream.indirect_vreg.gather [hbm4b:s4+s3], $0x80, v4, vm0, $0xb8;
	[tilespmem:$0x18100] =	vst v63  }
0x84: {  	s0 =	rddreg [dreg:$0x1b]  }
0x85: {  	[tilespmem:s0], [sflag:$0x2] =	stream.indirect_vreg.gather [hbm4b:s5+s3], $0x80, v4, vm0, $0xb8;
	[tilespmem:$0x18100] =	vst v63  }
0x86: {  	s16 =	rddreg [dreg:$0x1c]  }
0x87: {  	[tilespmem:s16], [sflag:$0x2] =	stream.indirect_vreg.gather [hbm4b:s2+s3], $0x80, v3, vm0, $0xb8;
	[tilespmem:$0x18100] =	vst v63  }
0x88: {  	s0 =	rddreg [dreg:$0x1d]  }
0x89: {  	[tilespmem:s0], [sflag:$0x2] =	stream.indirect_vreg.gather [hbm4b:s4+s3], $0x80, v3, vm0, $0xb8;
	[tilespmem:$0x18100] =	vst v63  }
0x8a: {  	s16 =	rddreg [dreg:$0x1e]  }
0x8b: {  	[tilespmem:s16], [sflag:$0x2] =	stream.indirect_vreg.gather [hbm4b:s5+s3], $0x80, v3, vm0, $0xb8;
	[tilespmem:$0x18100] =	vst v63  }
0x8c: {  	_ =	swait.ge [sflag:s15], $0x3000  }
0x8d: {  	[sflag:s15] =	ssyncset.done $0x0  }
0x8e: {  	s16 =	rddreg [dreg:$0x5];
	[sflag:s15] =	ssyncadd.s32 $0xFFFFD000  }
0x8f: {  	[hbm4b:s16+s3] =	stream.linear.scatter [tilespmem:s8], [sflag:$0x3], $0x3000, $0x38;
	[tilespmem:$0x18100] =	vst v63  }
0x90: {  	_ =	swait.ge [sflag:s7], $0x3000  }
0x91: {  	[sflag:s7] =	ssyncset.done $0x0  }
0x92: {  	[sflag:s7] =	ssyncadd.s32 $0xFFFFD000  }
0x93: {  	v3 =	vld [tilespmem:$0x50];
	_ =	sdelay $0x4  }
0x94: {  	v60 =	vshrl.u32 v3, $0x3  }
0x95: {  	v4 =	vmul.u32 $0x30, v60  }
0x96: {  	v3 =	vand.u32 $0x7, v3  }
0x97: {  	v3 =	vor.u32 v3, v4  }
0x98: {  	v4 =	vperm.xlane v3, v0;
	_ =	sdelay $0x1  }
0x99: {  	v4 =	vadd.s32 v1, v4;
	_ =	sdelay $0x3  }
0x9a: {  	v3 =	vperm.xlane v3, v2  }
0x9b: {  	[tilespmem:s8], [sflag:$0x1] =	stream.indirect_vreg.gather [hbm4b:s2+s3], $0x80, v4, vm0, $0xb8;
	[tilespmem:$0x18100] =	vst v63  }
0x9c: {  	v3 =	vadd.s32 v1, v3  }
0x9d: {  	[tilespmem:s9], [sflag:$0x1] =	stream.indirect_vreg.gather [hbm4b:s4+s3], $0x80, v4, vm0, $0xb8;
	[tilespmem:$0x18100] =	vst v63  }
0x9e: {  	_ = 	snop  }
0x9f: {  	[tilespmem:s10], [sflag:$0x1] =	stream.indirect_vreg.gather [hbm4b:s5+s3], $0x80, v4, vm0, $0xb8;
	[tilespmem:$0x18100] =	vst v63  }
0xa0: {  	_ = 	snop  }
0xa1: {  	[tilespmem:s11], [sflag:$0x1] =	stream.indirect_vreg.gather [hbm4b:s2+s3], $0x80, v3, vm0, $0xb8;
	[tilespmem:$0x18100] =	vst v63  }
0xa2: {  	_ = 	snop  }
0xa3: {  	[tilespmem:s12], [sflag:$0x1] =	stream.indirect_vreg.gather [hbm4b:s4+s3], $0x80, v3, vm0, $0xb8;
	[tilespmem:$0x18100] =	vst v63  }
0xa4: {  	_ = 	snop  }
0xa5: {  	[tilespmem:s13], [sflag:$0x1] =	stream.indirect_vreg.gather [hbm4b:s5+s3], $0x80, v3, vm0, $0xb8;
	[tilespmem:$0x18100] =	vst v63  }
0xa6: {  	v3 =	vld [tilespmem:$0x60];
	_ =	sdelay $0x4  }
0xa7: {  	v61 =	vshrl.u32 v3, $0x3  }
0xa8: {  	v4 =	vmul.u32 $0x30, v61  }
0xa9: {  	v3 =	vand.u32 $0x7, v3  }
0xaa: {  	v3 =	vor.u32 v3, v4  }
0xab: {  	v4 =	vperm.xlane v3, v0;
	_ =	sdelay $0x1  }
0xac: {  	v4 =	vadd.s32 v1, v4;
	_ =	sdelay $0x2  }
0xad: {  	s0 =	rddreg [dreg:$0x1f]  }
0xae: {  	s16 =	sld [smem:$0x7FC];
	v3 =	vperm.xlane v3, v2  }
0xaf: {  	[tilespmem:s0], [sflag:$0x1] =	stream.indirect_vreg.gather [hbm4b:s2+s3], $0x80, v4, vm0, $0xb8;
	[tilespmem:$0x18100] =	vst v63  }
0xb0: {  	v3 =	vadd.s32 v1, v3;
	s0 =	sld [smem:$0x7FD]  }
0xb1: {  	[tilespmem:s16], [sflag:$0x1] =	stream.indirect_vreg.gather [hbm4b:s4+s3], $0x80, v4, vm0, $0xb8;
	[tilespmem:$0x18100] =	vst v63  }
0xb2: {  	_ = 	snop  }
0xb3: {  	[tilespmem:s0], [sflag:$0x1] =	stream.indirect_vreg.gather [hbm4b:s5+s3], $0x80, v4, vm0, $0xb8;
	[tilespmem:$0x18100] =	vst v63  }
0xb4: {  	s16 =	simm.s32 $0x4900  }
0xb5: {  	[tilespmem:s16], [sflag:$0x1] =	stream.indirect_vreg.gather [hbm4b:s2+s3], $0x80, v3, vm0, $0xb8;
	[tilespmem:$0x18100] =	vst v63  }
0xb6: {  	_ = 	snop  }
0xb7: {  	[tilespmem:s17], [sflag:$0x1] =	stream.indirect_vreg.gather [hbm4b:s4+s3], $0x80, v3, vm0, $0xb8;
	[tilespmem:$0x18100] =	vst v63  }
0xb8: {  	_ = 	snop  }
0xb9: {  	[tilespmem:s18], [sflag:$0x1] =	stream.indirect_vreg.gather [hbm4b:s5+s3], $0x80, v3, vm0, $0xb8;
	[tilespmem:$0x18100] =	vst v63  }
0xba: {  	v3 =	vld [tilespmem:$0x70];
	_ =	sdelay $0x4  }
0xbb: {  	v62 =	vshrl.u32 v3, $0x3  }
0xbc: {  	v4 =	vmul.u32 $0x30, v62  }
0xbd: {  	v3 =	vand.u32 $0x7, v3  }
0xbe: {  	v3 =	vor.u32 v3, v4  }
0xbf: {  	v4 =	vperm.xlane v3, v0;
	_ =	sdelay $0x1  }
0xc0: {  	v4 =	vadd.s32 v1, v4;
	_ =	sdelay $0x3  }
0xc1: {  	v3 =	vperm.xlane v3, v2  }
0xc2: {  	[tilespmem:s19], [sflag:$0x1] =	stream.indirect_vreg.gather [hbm4b:s2+s3], $0x80, v4, vm0, $0xb8;
	[tilespmem:$0x18100] =	vst v63  }
0xc3: {  	v3 =	vadd.s32 v1, v3  }
0xc4: {  	[tilespmem:s20], [sflag:$0x1] =	stream.indirect_vreg.gather [hbm4b:s4+s3], $0x80, v4, vm0, $0xb8;
	[tilespmem:$0x18100] =	vst v63  }
0xc5: {  	_ = 	snop  }
0xc6: {  	[tilespmem:s21], [sflag:$0x1] =	stream.indirect_vreg.gather [hbm4b:s5+s3], $0x80, v4, vm0, $0xb8;
	[tilespmem:$0x18100] =	vst v63  }
0xc7: {  	_ = 	snop  }
0xc8: {  	[tilespmem:s22], [sflag:$0x1] =	stream.indirect_vreg.gather [hbm4b:s2+s3], $0x80, v3, vm0, $0xb8;
	[tilespmem:$0x18100] =	vst v63  }
0xc9: {  	_ = 	snop  }
0xca: {  	[tilespmem:s23], [sflag:$0x1] =	stream.indirect_vreg.gather [hbm4b:s4+s3], $0x80, v3, vm0, $0xb8;
	[tilespmem:$0x18100] =	vst v63  }
0xcb: {  	_ = 	snop  }
0xcc: {  	[tilespmem:s24], [sflag:$0x1] =	stream.indirect_vreg.gather [hbm4b:s5+s3], $0x80, v3, vm0, $0xb8;
	[tilespmem:$0x18100] =	vst v63  }
0xcd: {  	v3 =	vld [tilespmem:$0x80];
	_ =	sdelay $0x4  }
0xce: {  	v63 =	vshrl.u32 v3, $0x3  }
0xcf: {  	v4 =	vmul.u32 $0x30, v63  }
0xd0: {  	v3 =	vand.u32 $0x7, v3  }
0xd1: {  	v3 =	vor.u32 v3, v4  }
0xd2: {  	v4 =	vperm.xlane v3, v0;
	_ =	sdelay $0x1  }
0xd3: {  	v4 =	vadd.s32 v1, v4;
	_ =	sdelay $0x3  }
0xd4: {  	v3 =	vperm.xlane v3, v2  }
0xd5: {  	[tilespmem:s25], [sflag:$0x1] =	stream.indirect_vreg.gather [hbm4b:s2+s3], $0x80, v4, vm0, $0xb8;
	[tilespmem:$0x18100] =	vst v63  }
0xd6: {  	v3 =	vadd.s32 v1, v3  }
0xd7: {  	[tilespmem:s26], [sflag:$0x1] =	stream.indirect_vreg.gather [hbm4b:s4+s3], $0x80, v4, vm0, $0xb8;
	[tilespmem:$0x18100] =	vst v63  }
0xd8: {  	_ = 	snop  }
0xd9: {  	[tilespmem:s28], [sflag:$0x1] =	stream.indirect_vreg.gather [hbm4b:s5+s3], $0x80, v4, vm0, $0xb8;
	[tilespmem:$0x18100] =	vst v63  }
0xda: {  	_ = 	snop  }
0xdb: {  	[tilespmem:s29], [sflag:$0x1] =	stream.indirect_vreg.gather [hbm4b:s2+s3], $0x80, v3, vm0, $0xb8;
	[tilespmem:$0x18100] =	vst v63  }
0xdc: {  	_ = 	snop  }
0xdd: {  	[tilespmem:s30], [sflag:$0x1] =	stream.indirect_vreg.gather [hbm4b:s4+s3], $0x80, v3, vm0, $0xb8;
	[tilespmem:$0x18100] =	vst v63  }
0xde: {  	_ = 	snop  }
0xdf: {  	[tilespmem:s31], [sflag:$0x1] =	stream.indirect_vreg.gather [hbm4b:s5+s3], $0x80, v3, vm0, $0xb8;
	[tilespmem:$0x18100] =	vst v63  }
0xe0: {  	_ =	swait.ge [sflag:s1], $0xC000  }
0xe1: {  	[sflag:s1] =	ssyncset.done $0x0  }
0xe2: {  	s16 =	rddreg [dreg:$0x6];
	[sflag:s1] =	ssyncadd.s32 $0xFFFF4000  }
0xe3: {  	[hbm4b:s16+s3] =	stream.linear.scatter [tilespmem:s14], [sflag:$0x3], $0xC000, $0x38;
	[tilespmem:$0x18100] =	vst v63  }
0xe4: {  	_ =	swait.ge [sflag:s7], $0xC000  }
0xe5: {  	[sflag:s7] =	ssyncset.done $0x0  }
0xe6: {  	[sflag:s7] =	ssyncadd.s32 $0xFFFF4000  }
0xe7: {  	_ =	swait.ge [sflag:s15], $0xC000  }
0xe8: {  	p0 =	sne.s32 s6, $0x1;
	[sflag:s15] =	ssyncset.done $0x0  }
.Ltmp0:
0xe9: {  	s16 =	rddreg [dreg:$0x7];
	[sflag:s15] =	ssyncadd.s32 $0xFFFF4000;
	(pc) =	sbr.rel @p0 .LBB2_1-.Ltmp0, $4  }
0xea: {  	[hbm4b:s16+s3] =	stream.linear.scatter [tilespmem:s8], [sflag:$0x3], $0xC000, $0x38;
	[tilespmem:$0x18100] =	vst v63  }
0xeb: {  	_ =	swait.ge [sflag:s7], $0xC000  }
0xec: {  	[sflag:s7] =	ssyncset.done $0x0  }
0xed: {  	s6 =	sadd.s32 $0xFFFFFFFF, s6;
	[sflag:s7] =	ssyncadd.s32 $0xFFFF4000  }
0xee: {  	_ =	sfence.sel $0x180000  }
0xef: {  	[bflag:$0x0] =	sbarrier.arrive $0xFFFF  }
0xf0: {  	_ =	strace $0x9000004A  }
0xf1: {  	s0 =	stileid.u32;
	[bflag:$0x2] =	sbarrier.arrive $0xFFFF  }
0xf2: {  	p0 =	sne.s32 s0, $0x0;
	s0 =	rddreg [dreg:$0x3]  }
0xf3: {  	s0 =	sadd.s32 @!p0 $0x100000, s0  }
0xf4: {  	[sflag:s0] =	ssyncadd.tile.s32 @!p0 $0x1;
	_ =	shalt  }
.Lfunc_end2:
_tile_overlayer_lowered:
.L_overlay_start_2:
0xf5: {  	(tag) =	ssettag $0x2  }
0xf6: {  	s0 =	rddreg [dreg:$0x0];
	s2 =	stileid.u32  }
0xf7: {  	s1 =	rddreg [dreg:$0x1];
	p0 =	sne.s32 s2, $0x0  }
0xf8: {  	s3 =	rddreg [dreg:$0x2];
	[bflag:$0x3] =	sbarrier.arrive $0xFFFF;
	s2 =	simm.s32 @!p0 $0x1C03  }
0xf9: {  	[timem:s3], [sflag:s2] =	dma.local @!p0 [hbm:s0], s1  }
0xfa: {  	s0 =	simm.s32 @!p0 $0x3  }
0xfb: {  	_ =	swait.ge @!p0 [sflag:s0], s1  }
0xfc: {  	s1 =	ssub.s32 @!p0 $0x0, s1;
	[sflag:s0] =	ssyncset.done @!p0 $0x0  }
0xfd: {  	[sflag:s0] =	ssyncadd.s32 @!p0 s1  }
0xfe: {  	[bflag:$0x3] =	sbarrier.arrive $0xFFFF  }
0xff: {  	_ =	shalt  }

// kernel: kernel.14.cloned.1.call-start
scs
__scs_entry_jumppad:
0x0: {  	(pc) =	sbr.rel $0x88, $3  }
0x1: {  	(tag) =	ssettag $0x0;
	lr =	simm.s32 $0x1  }
0x2: {  	[smem:$0x3F9F] =	sst lr;
	_ =	strace $0xD0000000  }
0x3: {  	_ = 	snop  }
0x4: {  	_ = 	snop  }
0x5: {  	_ = 	snop  }
0x6: {  	_ = 	snop  }
0x7: {  	_ = 	snop  }
__scs_overlays_trampoline_lowered:
0x8: {  	[smem:$0x3FAE] =	sst s0  }
0x9: {  	[smem:$0x3FAF] =	sst s1  }
0xa: {  	[smem:$0x3FB0] =	sst s2  }
0xb: {  	[smem:$0x3FB1] =	sst s3  }
0xc: {  	[smem:$0x3FB2] =	sst s4  }
0xd: {  	[smem:$0x3FB3] =	sst s5  }
0xe: {  	[smem:$0x3FB4] =	sst s6  }
0xf: {  	[smem:$0x3FB5] =	sst s7  }
0x10: {  	[smem:$0x3FB6] =	sst s8  }
0x11: {  	[smem:$0x3FB7] =	sst s9;
	s0 =	simm.s32 @!p0 $0x0  }
0x12: {  	s1 =	sld [smem:$0x3F9D];
	s0 =	simm.s32 @p0 $0x1  }
0x13: {  	[smem:$0x3FB8] =	sst s0;
	s0 =	simm.s32 @!p1 $0x0  }
0x14: {  	s2 =	sld [smem:$0x3F9C];
	s0 =	simm.s32 @p1 $0x1  }
0x15: {  	[smem:$0x3FB9] =	sst s0;
	s0 =	simm.s32 @!p2 $0x0  }
0x16: {  	s3 =	sld [smem:$0x3FDB];
	s0 =	simm.s32 @p2 $0x1  }
0x17: {  	s4 =	simm.s32 $0x1BF5;
	[smem:$0x3FBB] =	sst s0  }
0x18: {  	s0 =	sld [smem:$0x3F9E];
	_ =	swait.ge [sflag:s4], $0x0  }
0x19: {  	s7 =	sld [smem:$0x3F9F]  }
0x1a: {  	s8 =	sadd.s32 $0xFFFFE003, lr  }
0x1b: {  	s9 =	sadd.s32 $0xFFFFFEF7, lr;
	s5 =	simm.s32 $0xFFFFFFFF;
	p2 =	slt.u32 s8, $0xFFFFF086  }
0x1c: {  	p1 =	slt.u32 s9, $0xF7A;
	s5 =	simm.s32 @!p2 $0x0  }
0x1d: {  	s5 =	simm.s32 @p1 $0x1;
	p0 =	seq.s32 s7, s2  }
0x1e: {  	s7 =	smul.u32 @!p0 $0xF7A, s2;
	p2 =	seq.s32 @!p0 s5, $0x0  }
0x1f: {  	s9 =	smul.u32 $0xF7A, s1;
	s8 =	simm.s32 @!p0 $0x1BF5;
	p2 =	por !p2, p0  }
0x20: {  	[sflag:s8] =	ssyncset.s32 @!p0 $0xFFFFF086;
	s6 =	sadd.s32 @!p0 s3, s7;
	s7 =	simm.s32 @!p0 $0x108  }
0x21: {  	s3 =	sadd.s32 s3, s9;
	s6 =	sadd.s32 @!p0 $0x88, s6;
	s7 =	simm.s32 @p2 $0x1082  }
0x22: {  	[simem:s7], [sflag:s8] =	dma.local @!p0 [hbm:s6], $0xF7A  }
0x23: {  	s9 =	sor.u32 $0xD0000000, s2;
	s6 =	simm.s32 $0x108;
	_ =	swait.ge @!p0 [sflag:s8], $0x0  }
0x24: {  	s3 =	sadd.s32 $0x88, s3;
	s6 =	simm.s32 @!p1 $0x1082;
	[sflag:s4] =	ssyncset.s32 $0xFFFFF086  }
0x25: {  	[simem:s6], [sflag:s4] =	dma.local [hbm:s3], $0xF7A  }
0x26: {  	[smem:$0x3F9F] =	sst s1;
	(tag) =	ssettag s2;
	_ =	strace s9  }
0x27: {  	s1 =	sld [smem:$0x3FAF]  }
0x28: {  	s2 =	sld [smem:$0x3FB0]  }
0x29: {  	s4 =	sld [smem:$0x3FB2]  }
0x2a: {  	p0 =	seq.s32 s5, $0x0;
	s5 =	sld [smem:$0x3FB3]  }
0x2b: {  	s6 =	sld [smem:$0x3FB4]  }
0x2c: {  	s7 =	sld [smem:$0x3FB5]  }
0x2d: {  	s3 =	simm.s32 $0x108;
	s8 =	sld [smem:$0x3FB6]  }
0x2e: {  	s3 =	simm.s32 @!p0 $0x1082;
	s9 =	sld [smem:$0x3FB7]  }
0x2f: {  	lr =	sadd.s32 s0, s3;
	s0 =	sld [smem:$0x3FAE]  }
0x30: {  	s3 =	sld [smem:$0x3FB1]  }
0x31: {  	[smem:$0x3FBA] =	sst s10  }
0x32: {  	s10 =	sld [smem:$0x3FB8];
	_ =	sdelay $0x3  }
0x33: {  	p0 =	seq.s32 s10, $0x1;
	s10 =	sld [smem:$0x3FBA];
	_ =	sdelay $0x3  }
0x34: {  	[smem:$0x3FBA] =	sst s10  }
0x35: {  	s10 =	sld [smem:$0x3FB9];
	_ =	sdelay $0x3  }
0x36: {  	p1 =	seq.s32 s10, $0x1;
	s10 =	sld [smem:$0x3FBA];
	_ =	sdelay $0x3  }
0x37: {  	[smem:$0x3FBA] =	sst s10  }
0x38: {  	s10 =	sld [smem:$0x3FBB]  }
0x39: {  	_ = 	snop;
	(pc) =	sbr.ind lr, $3  }
0x3a: {  	_ = 	snop  }
0x3b: {  	_ = 	snop  }
0x3c: {  	p2 =	seq.s32 s10, $0x1;
	s10 =	sld [smem:$0x3FBA]  }
0x3d: {  	_ =	shalt  }
0x3e: {  	_ =	shalt  }
0x3f: {  	_ =	shalt  }
0x40: {  	_ =	shalt  }
0x41: {  	_ =	shalt  }
0x42: {  	_ =	shalt  }
0x43: {  	_ =	shalt  }
0x44: {  	_ =	shalt  }
0x45: {  	_ =	shalt  }
0x46: {  	_ =	shalt  }
0x47: {  	_ =	shalt  }
0x48: {  	_ =	shalt  }
0x49: {  	_ =	shalt  }
0x4a: {  	_ =	shalt  }
0x4b: {  	_ =	shalt  }
0x4c: {  	_ =	shalt  }
0x4d: {  	_ =	shalt  }
0x4e: {  	_ =	shalt  }
0x4f: {  	_ =	shalt  }
0x50: {  	_ =	shalt  }
0x51: {  	_ =	shalt  }
0x52: {  	_ =	shalt  }
0x53: {  	_ =	shalt  }
0x54: {  	_ =	shalt  }
0x55: {  	_ =	shalt  }
0x56: {  	_ =	shalt  }
0x57: {  	_ =	shalt  }
0x58: {  	_ =	shalt  }
0x59: {  	_ =	shalt  }
0x5a: {  	_ =	shalt  }
0x5b: {  	_ =	shalt  }
0x5c: {  	_ =	shalt  }
0x5d: {  	_ =	shalt  }
0x5e: {  	_ =	shalt  }
0x5f: {  	_ =	shalt  }
0x60: {  	_ =	shalt  }
0x61: {  	_ =	shalt  }
0x62: {  	_ =	shalt  }
0x63: {  	_ =	shalt  }
0x64: {  	_ =	shalt  }
0x65: {  	_ =	shalt  }
0x66: {  	_ =	shalt  }
0x67: {  	_ =	shalt  }
0x68: {  	_ =	shalt  }
0x69: {  	_ =	shalt  }
0x6a: {  	_ =	shalt  }
0x6b: {  	_ =	shalt  }
0x6c: {  	_ =	shalt  }
0x6d: {  	_ =	shalt  }
0x6e: {  	_ =	shalt  }
0x6f: {  	_ =	shalt  }
0x70: {  	_ =	shalt  }
0x71: {  	_ =	shalt  }
0x72: {  	_ =	shalt  }
0x73: {  	_ =	shalt  }
0x74: {  	_ =	shalt  }
0x75: {  	_ =	shalt  }
0x76: {  	_ =	shalt  }
0x77: {  	_ =	shalt  }
0x78: {  	_ =	shalt  }
0x79: {  	_ =	shalt  }
0x7a: {  	_ =	shalt  }
0x7b: {  	_ =	shalt  }
0x7c: {  	_ =	shalt  }
0x7d: {  	_ =	shalt  }
0x7e: {  	_ =	shalt  }
0x7f: {  	_ =	shalt  }
0x80: {  	_ =	shalt  }
0x81: {  	_ =	shalt  }
0x82: {  	_ =	shalt  }
0x83: {  	_ =	shalt  }
0x84: {  	_ =	shalt  }
0x85: {  	_ =	shalt  }
0x86: {  	_ =	shalt  }
0x87: {  	_ =	shalt  }
.Lfunc_end0:
.L_simem_size_0:
called_computation.2_lowered:
.L_overlay_start_0:
0x88: {  	s2 =	sld [smem:$0x3FD9]  }
0x89: {  	s3 =	sld [smem:$0x3FFE];
	_ =	sdelay $0x1  }
0x8a: {  	s1 =	srdreg.scid  }
0x8b: {  	s0 =	sand.u32 $0x1, s1  }
0x8c: {  	s17 =	sshll.u32 s0, $0xA;
	s2 =	sadd.s32 s3, s2  }
0x8d: {  	s2 =	sadd.s32 s2, s17  }
0x8e: {  	[smem:$0x3FC6] =	sst s2  }
0x8f: {  	_ = 	snop  }
0x90: {  	s2 =	sld [smem:$0x3FC9]  }
0x91: {  	s18 =	sld [smem:$0x3FD0];
	(tm) =	ssettm $0x1  }
0x92: {  	s4 =	sld [smem:$0x3FFB];
	_ =	sdelay $0x3  }
0x93: {  	_ =	strace s4  }
0x94: {  	s4 =	sld [smem:$0x3FFC];
	_ =	sdelay $0x3  }
0x95: {  	_ =	strace s4  }
0x96: {  	s4 =	sld [smem:$0x3FFD];
	_ =	sdelay $0x3  }
0x97: {  	_ =	strace s4  }
0x98: {  	_ =	strace $0x8FFFFFFF  }
0x99: {  	s19 =	sld [smem:$0x3FDB];
	_ =	sdelay $0x1  }
0x9a: {  	s5 =	simm.s32 $_scs_section_size  }
0x9b: {  	s6 =	simm.s32 $_size__tile_overlayer_lowered;
	s7 =	simm.s32 $_tile_overlayer_lowered  }
0x9c: {  	s22 =	simm.s32 $0x1BFF;
	s21 =	sshll.u32 s7, $0x1;
	s4 =	sadd.s32 s5, s19  }
0x9d: {  	s8 =	simm.s32 $0x0;
	s20 =	sshll.u32 s6, $0x1;
	s6 =	sadd.s32 s21, s4  }
0x9e: {  	[timem:s8], [sflag:s22] =	dma.local [hbm:s6], s20  }
0x9f: {  	_ =	swait.ge [sflag:s22], s20  }
0xa0: {  	s5 =	ssub.s32 $0x0, s20;
	[sflag:s22] =	ssyncset.done $0x0  }
0xa1: {  	[sflag:s22] =	ssyncadd.s32 s5;
	_ =	sdelay $0x1  }
0xa2: {  	s23 =	simm.s32 $0x1B8B  }
0xa3: {  	_ =	swait.ge [sflag:s23], $0x1  }
0xa4: {  	[sflag:s23] =	ssyncset.done $0x0  }
0xa5: {  	s25 =	simm.s32 $0x1B8E;
	s24 =	sld [smem:$0x3FFE];
	[sflag:s23] =	ssyncadd.s32 $0xFFFFFFFF  }
0xa6: {  	s26 =	simm.s32 $execute0_lowered;
	[smem:$0x3FD2] =	sst s25  }
0xa7: {  	s6 =	sshll.u32 s26, $0x1;
	_ =	strace $0x8000004C;
	[dreg:$0x1] =	wrdreg $0xFFFFFFFF  }
0xa8: {  	s28 =	simm.s32 $_size_execute0_lowered;
	s4 =	sadd.s32 s4, s6;
	[dreg:$0x0] =	wrdreg $0x0  }
0xa9: {  	s6 =	sshll.u32 s28, $0x1;
	[dreg:$0x2] =	wrdreg s4  }
0xaa: {  	[dreg:$0x3] =	wrdreg s6  }
0xab: {  	[dreg:$0x4] =	wrdreg $0xC0  }
0xac: {  	_ =	task [dreg:s8], $0x5FFFF  }
0xad: {  	[dreg:$0x1] =	wrdreg $0xFFFFFFFF  }
0xae: {  	[dreg:$0x0] =	wrdreg $0x60  }
0xaf: {  	[dreg:$0x2] =	wrdreg s2  }
0xb0: {  	[dreg:$0x3] =	wrdreg s24  }
0xb1: {  	[dreg:$0x4] =	wrdreg s18  }
0xb2: {  	[dreg:$0x5] =	wrdreg $0x9  }
0xb3: {  	_ =	task.clear_ibuf [dreg:s8], $0x6FFFF;
	_ =	strace $0x9000004C  }
0xb4: {  	s29 =	simm.s32 $0x9;
	_ =	strace $0x8000004E  }
0xb5: {  	_ =	swait.ge [sflag:s29], $0x1  }
0xb6: {  	[sflag:s29] =	ssyncadd.s32 $0xFFFFFFFF  }
0xb7: {  	_ =	strace $0x9000004E  }
0xb8: {  	_ =	sfence  }
0xb9: {  	s30 =	sld [smem:$0x0];
	_ =	sdelay $0x2  }
0xba: {  	s31 =	sshll.u32 s1, $0xD;
	s1 =	sshrl.u32 s1, $0x2  }
0xbb: {  	s3 =	sand.u32 $0x4000, s31;
	s1 =	sadd.s32 s1, s30  }
0xbc: {  	s0 =	sor.u32 s3, s0;
	s1 =	sshll.u32 s1, $0x11  }
0xbd: {  	s0 =	sor.u32 s1, s0  }
0xbe: {  	s0 =	sadd.s32 $0x8F2B, s0  }
0xbf: {  	[sflag:s0] =	ssyncadd.remote.s32 $0x1  }
0xc0: {  	_ =	sfence.sel $0xFFFF  }
0xc1: {  	[dreg:$0x0] =	wrdreg $0xFFFFFFFF;
	(pc) =	sbr.abs _section_cstart, $3  }
0xc2: {  	[dreg:$0x1] =	wrdreg $0xFFFFFFFF  }
0xc3: {  	_ =	task.clear_ibuf [dreg:s8], $0x2FFFF;
	_ =	strace $0x9FFFFFFF  }
0xc4: {  	(tm) =	ssettm $0x7FFFFFFF  }
0xc5: {  	_ =	shalt  }
tec
execute0_lowered:
.L_overlay_start_1:
0x0: {  	(tag) =	ssettag $0x1  }
0x1: {  	s0 =	srdreg.scid;
	s2 =	rddreg [dreg:$0x0]  }
0x2: {  	s1 =	stileid.u32;
	s4 =	rddreg [dreg:$0x1]  }
0x3: {  	s5 =	rddreg [dreg:$0x2];
	s3 =	simm.s32 $0x0;
	s7 =	simm.s32 $0x3  }
0x4: {  	s14 =	simm.s32 $0x180;
	s0 =	sand.u32 $0x1, s0;
	s1 =	sshll.u32 s1, $0x1  }
0x5: {  	s28 =	simm.s32 $0x11980;
	s29 =	simm.s32 $0x12180;
	s1 =	sor.u32 s0, s1  }
0x6: {  	s30 =	simm.s32 $0x12980;
	s31 =	simm.s32 $0x13180;
	s1 =	smul.u32 $0x120, s1  }
0x7: {  	s16 =	simm.s32 $0x15180;
	s17 =	simm.s32 $0x15980;
	s18 =	simm.s32 $0x16180  }
0x8: {  	s19 =	simm.s32 $0x16980;
	s11 =	simm.s32 $0x17180;
	s1 =	sshrl.u32 s1, $0x3  }
0x9: {  	s12 =	simm.s32 $0x17980;
	[smem:$0x7FF] =	sst s3;
	s6 =	smul.u32 $0x300, s1  }
0xa: {  	_ =	strace $0x8000004D;
	s0 =	ssub.s32 $0x2, s0;
	s1 =	sadd.s32 s1, s4  }
0xb: {  	s23 =	sshrl.u32 s0, $0x1;
	s1 =	sadd.s32 $0x1000, s1;
	s5 =	sadd.s32 s5, s6  }
0xc: {  	s0 =	ssub.s32 s0, s23;
	[dreg:$0x4] =	wrdreg s1;
	s20 =	sadd.s32 $0xD8000, s5  }
0xd: {  	s23 =	simm.s32 $0x10180;
	s21 =	sadd.s32 $0xD8600, s5;
	[dreg:$0x5] =	wrdreg s20  }
0xe: {  	s4 =	sadd.s32 $0x100, s2;
	s22 =	sadd.s32 $0xD9E00, s5;
	[dreg:$0x6] =	wrdreg s21  }
0xf: {  	s6 =	smax.u32 s0, $0x1;
	s24 =	sadd.s32 $0xDB600, s5;
	[dreg:$0x7] =	wrdreg s22  }
0x10: {  	s0 =	simm.s32 $0x2;
	s25 =	sadd.s32 $0xDCE00, s5;
	[dreg:$0x8] =	wrdreg s24  }
0x11: {  	v2 =	vlaneseq.u32;
	s26 =	sadd.s32 $0xDE600, s5;
	s5 =	sadd.s32 $0x200, s2;
	[dreg:$0x9] =	wrdreg s25  }
0x12: {  	vm0 =	vmmov $0xffff;
	v1 =	vshrl.u32 v2, $0x3;
	[dreg:$0xa] =	wrdreg s26;
	s25 =	simm.s32 $0x1;
	s21 =	simm.s32 $0xF180  }
0x13: {  	v0 =	vand.u32 $0x7, v2;
	v2 =	vor.u32 $0x8, v2;
	v1 =	vmul.u32 $0x8, v1;
	s22 =	simm.s32 $0xF980;
	s24 =	simm.s32 $0x10980;
	s26 =	simm.s32 $0x11180  }
.LBB2_1:
0x14: {  	s20 =	rddreg [dreg:$0x4]  }
0x15: {  	[tilespmem:s3], [sflag:$0x3] =	stream.linear.gather [hbm4b:s20+s3], $0x120, $0x38;
	[tilespmem:$0x18180] =	vst v63  }
0x16: {  	_ =	swait.ge [sflag:s7], $0x120  }
0x17: {  	[sflag:s7] =	ssyncset.done $0x0  }
0x18: {  	[sflag:s7] =	ssyncadd.s32 $0xFFFFFEE0  }
0x19: {  	v3 =	vld [tilespmem:$0x0];
	_ =	sdelay $0x4  }
0x1a: {  	v4 =	vshrl.u32 v3, $0x3  }
0x1b: {  	v4 =	vmul.u32 $0x30, v4  }
0x1c: {  	v3 =	vand.u32 $0x7, v3  }
0x1d: {  	v3 =	vor.u32 v3, v4  }
0x1e: {  	v4 =	vperm.xlane v3, v0;
	_ =	sdelay $0x1  }
0x1f: {  	v4 =	vadd.s32 v1, v4;
	_ =	sdelay $0x3  }
0x20: {  	v3 =	vperm.xlane v3, v2  }
0x21: {  	[tilespmem:s14], [sflag:$0x1] =	stream.indirect_vreg.gather [hbm4b:s2+s3], $0x80, v4, vm0, $0xb8;
	[tilespmem:$0x18180] =	vst v63  }
0x22: {  	s1 =	simm.s32 $0x980;
	v3 =	vadd.s32 v1, v3  }
0x23: {  	[tilespmem:s1], [sflag:$0x1] =	stream.indirect_vreg.gather [hbm4b:s4+s3], $0x80, v4, vm0, $0xb8;
	[tilespmem:$0x18180] =	vst v63  }
0x24: {  	s20 =	simm.s32 $0x1180  }
0x25: {  	[tilespmem:s20], [sflag:$0x1] =	stream.indirect_vreg.gather [hbm4b:s5+s3], $0x80, v4, vm0, $0xb8;
	[tilespmem:$0x18180] =	vst v63  }
0x26: {  	s8 =	simm.s32 $0x1980  }
0x27: {  	[tilespmem:s8], [sflag:$0x1] =	stream.indirect_vreg.gather [hbm4b:s2+s3], $0x80, v3, vm0, $0xb8;
	[tilespmem:$0x18180] =	vst v63  }
0x28: {  	s9 =	simm.s32 $0x2180  }
0x29: {  	[tilespmem:s9], [sflag:$0x1] =	stream.indirect_vreg.gather [hbm4b:s4+s3], $0x80, v3, vm0, $0xb8;
	[tilespmem:$0x18180] =	vst v63  }
0x2a: {  	s10 =	simm.s32 $0x2980  }
0x2b: {  	[tilespmem:s10], [sflag:$0x1] =	stream.indirect_vreg.gather [hbm4b:s5+s3], $0x80, v3, vm0, $0xb8;
	[tilespmem:$0x18180] =	vst v63  }
0x2c: {  	v3 =	vld [tilespmem:$0x10];
	_ =	sdelay $0x4  }
0x2d: {  	v47 =	vshrl.u32 v3, $0x3  }
0x2e: {  	v4 =	vmul.u32 $0x30, v47  }
0x2f: {  	v3 =	vand.u32 $0x7, v3  }
0x30: {  	v3 =	vor.u32 v3, v4  }
0x31: {  	v4 =	vperm.xlane v3, v0;
	_ =	sdelay $0x1  }
0x32: {  	v4 =	vadd.s32 v1, v4;
	_ =	sdelay $0x3  }
0x33: {  	s1 =	simm.s32 $0xC180;
	v3 =	vperm.xlane v3, v2  }
0x34: {  	[tilespmem:s1], [sflag:$0x2] =	stream.indirect_vreg.gather [hbm4b:s2+s3], $0x80, v4, vm0, $0xb8;
	[tilespmem:$0x18180] =	vst v63  }
0x35: {  	s8 =	simm.s32 $0xC980;
	v3 =	vadd.s32 v1, v3  }
0x36: {  	[tilespmem:s8], [sflag:$0x2] =	stream.indirect_vreg.gather [hbm4b:s4+s3], $0x80, v4, vm0, $0xb8;
	[tilespmem:$0x18180] =	vst v63  }
0x37: {  	s20 =	simm.s32 $0xD180  }
0x38: {  	[tilespmem:s20], [sflag:$0x2] =	stream.indirect_vreg.gather [hbm4b:s5+s3], $0x80, v4, vm0, $0xb8;
	[tilespmem:$0x18180] =	vst v63  }
0x39: {  	s10 =	simm.s32 $0xD980  }
0x3a: {  	[tilespmem:s10], [sflag:$0x2] =	stream.indirect_vreg.gather [hbm4b:s2+s3], $0x80, v3, vm0, $0xb8;
	[tilespmem:$0x18180] =	vst v63  }
0x3b: {  	s20 =	simm.s32 $0xE180  }
0x3c: {  	[tilespmem:s20], [sflag:$0x2] =	stream.indirect_vreg.gather [hbm4b:s4+s3], $0x80, v3, vm0, $0xb8;
	[tilespmem:$0x18180] =	vst v63  }
0x3d: {  	s10 =	simm.s32 $0xE980  }
0x3e: {  	[tilespmem:s10], [sflag:$0x2] =	stream.indirect_vreg.gather [hbm4b:s5+s3], $0x80, v3, vm0, $0xb8;
	[tilespmem:$0x18180] =	vst v63  }
0x3f: {  	v3 =	vld [tilespmem:$0x20];
	_ =	sdelay $0x4  }
0x40: {  	v48 =	vshrl.u32 v3, $0x3  }
0x41: {  	v4 =	vmul.u32 $0x30, v48  }
0x42: {  	v3 =	vand.u32 $0x7, v3  }
0x43: {  	v3 =	vor.u32 v3, v4  }
0x44: {  	v4 =	vperm.xlane v3, v0;
	_ =	sdelay $0x1  }
0x45: {  	v4 =	vadd.s32 v1, v4;
	_ =	sdelay $0x3  }
0x46: {  	v3 =	vperm.xlane v3, v2  }
0x47: {  	[tilespmem:s21], [sflag:$0x2] =	stream.indirect_vreg.gather [hbm4b:s2+s3], $0x80, v4, vm0, $0xb8;
	[tilespmem:$0x18180] =	vst v63  }
0x48: {  	v3 =	vadd.s32 v1, v3  }
0x49: {  	[tilespmem:s22], [sflag:$0x2] =	stream.indirect_vreg.gather [hbm4b:s4+s3], $0x80, v4, vm0, $0xb8;
	[tilespmem:$0x18180] =	vst v63  }
0x4a: {  	_ = 	snop  }
0x4b: {  	[tilespmem:s23], [sflag:$0x2] =	stream.indirect_vreg.gather [hbm4b:s5+s3], $0x80, v4, vm0, $0xb8;
	[tilespmem:$0x18180] =	vst v63  }
0x4c: {  	_ = 	snop  }
0x4d: {  	[tilespmem:s24], [sflag:$0x2] =	stream.indirect_vreg.gather [hbm4b:s2+s3], $0x80, v3, vm0, $0xb8;
	[tilespmem:$0x18180] =	vst v63  }
0x4e: {  	_ = 	snop  }
0x4f: {  	[tilespmem:s26], [sflag:$0x2] =	stream.indirect_vreg.gather [hbm4b:s4+s3], $0x80, v3, vm0, $0xb8;
	[tilespmem:$0x18180] =	vst v63  }
0x50: {  	_ = 	snop  }
0x51: {  	[tilespmem:s28], [sflag:$0x2] =	stream.indirect_vreg.gather [hbm4b:s5+s3], $0x80, v3, vm0, $0xb8;
	[tilespmem:$0x18180] =	vst v63  }
0x52: {  	v3 =	vld [tilespmem:$0x30];
	_ =	sdelay $0x4  }
0x53: {  	v49 =	vshrl.u32 v3, $0x3  }
0x54: {  	v4 =	vmul.u32 $0x30, v49  }
0x55: {  	v3 =	vand.u32 $0x7, v3  }
0x56: {  	v3 =	vor.u32 v3, v4  }
0x57: {  	v4 =	vperm.xlane v3, v0;
	_ =	sdelay $0x1  }
0x58: {  	v4 =	vadd.s32 v1, v4;
	_ =	sdelay $0x3  }
0x59: {  	v3 =	vperm.xlane v3, v2  }
0x5a: {  	[tilespmem:s29], [sflag:$0x2] =	stream.indirect_vreg.gather [hbm4b:s2+s3], $0x80, v4, vm0, $0xb8;
	[tilespmem:$0x18180] =	vst v63  }
0x5b: {  	v3 =	vadd.s32 v1, v3  }
0x5c: {  	[tilespmem:s30], [sflag:$0x2] =	stream.indirect_vreg.gather [hbm4b:s4+s3], $0x80, v4, vm0, $0xb8;
	[tilespmem:$0x18180] =	vst v63  }
0x5d: {  	_ = 	snop  }
0x5e: {  	[tilespmem:s31], [sflag:$0x2] =	stream.indirect_vreg.gather [hbm4b:s5+s3], $0x80, v4, vm0, $0xb8;
	[tilespmem:$0x18180] =	vst v63  }
0x5f: {  	s10 =	simm.s32 $0x13980  }
0x60: {  	[tilespmem:s10], [sflag:$0x2] =	stream.indirect_vreg.gather [hbm4b:s2+s3], $0x80, v3, vm0, $0xb8;
	[tilespmem:$0x18180] =	vst v63  }
0x61: {  	s20 =	simm.s32 $0x14180  }
0x62: {  	[tilespmem:s20], [sflag:$0x2] =	stream.indirect_vreg.gather [hbm4b:s4+s3], $0x80, v3, vm0, $0xb8;
	[tilespmem:$0x18180] =	vst v63  }
0x63: {  	s8 =	simm.s32 $0x14980  }
0x64: {  	[tilespmem:s8], [sflag:$0x2] =	stream.indirect_vreg.gather [hbm4b:s5+s3], $0x80, v3, vm0, $0xb8;
	[tilespmem:$0x18180] =	vst v63  }
0x65: {  	v3 =	vld [tilespmem:$0x40];
	_ =	sdelay $0x4  }
0x66: {  	v50 =	vshrl.u32 v3, $0x3  }
0x67: {  	v4 =	vmul.u32 $0x30, v50  }
0x68: {  	v3 =	vand.u32 $0x7, v3  }
0x69: {  	v3 =	vor.u32 v3, v4  }
0x6a: {  	v4 =	vperm.xlane v3, v0;
	_ =	sdelay $0x1  }
0x6b: {  	v4 =	vadd.s32 v1, v4;
	_ =	sdelay $0x3  }
0x6c: {  	v3 =	vperm.xlane v3, v2  }
0x6d: {  	[tilespmem:s16], [sflag:$0x2] =	stream.indirect_vreg.gather [hbm4b:s2+s3], $0x80, v4, vm0, $0xb8;
	[tilespmem:$0x18180] =	vst v63  }
0x6e: {  	v3 =	vadd.s32 v1, v3  }
0x6f: {  	[tilespmem:s17], [sflag:$0x2] =	stream.indirect_vreg.gather [hbm4b:s4+s3], $0x80, v4, vm0, $0xb8;
	[tilespmem:$0x18180] =	vst v63  }
0x70: {  	_ = 	snop  }
0x71: {  	[tilespmem:s18], [sflag:$0x2] =	stream.indirect_vreg.gather [hbm4b:s5+s3], $0x80, v4, vm0, $0xb8;
	[tilespmem:$0x18180] =	vst v63  }
0x72: {  	_ = 	snop  }
0x73: {  	[tilespmem:s19], [sflag:$0x2] =	stream.indirect_vreg.gather [hbm4b:s2+s3], $0x80, v3, vm0, $0xb8;
	[tilespmem:$0x18180] =	vst v63  }
0x74: {  	_ = 	snop  }
0x75: {  	[tilespmem:s11], [sflag:$0x2] =	stream.indirect_vreg.gather [hbm4b:s4+s3], $0x80, v3, vm0, $0xb8;
	[tilespmem:$0x18180] =	vst v63  }
0x76: {  	_ = 	snop  }
0x77: {  	[tilespmem:s12], [sflag:$0x2] =	stream.indirect_vreg.gather [hbm4b:s5+s3], $0x80, v3, vm0, $0xb8;
	[tilespmem:$0x18180] =	vst v63  }
0x78: {  	_ =	swait.ge [sflag:s25], $0x3000  }
0x79: {  	[sflag:s25] =	ssyncset.done $0x0  }
0x7a: {  	s20 =	rddreg [dreg:$0x5];
	[sflag:s25] =	ssyncadd.s32 $0xFFFFD000  }
0x7b: {  	[hbm4b:s20+s3] =	stream.linear.scatter [tilespmem:s14], [sflag:$0x3], $0x3000, $0x38;
	[tilespmem:$0x18180] =	vst v63  }
0x7c: {  	_ =	swait.ge [sflag:s7], $0x3000  }
0x7d: {  	[sflag:s7] =	ssyncset.done $0x0  }
0x7e: {  	[sflag:s7] =	ssyncadd.s32 $0xFFFFD000  }
0x7f: {  	v3 =	vld [tilespmem:$0x50];
	_ =	sdelay $0x4  }
0x80: {  	v51 =	vshrl.u32 v3, $0x3  }
0x81: {  	v4 =	vmul.u32 $0x30, v51  }
0x82: {  	v3 =	vand.u32 $0x7, v3  }
0x83: {  	v3 =	vor.u32 v3, v4  }
0x84: {  	v4 =	vperm.xlane v3, v0;
	_ =	sdelay $0x1  }
0x85: {  	v4 =	vadd.s32 v1, v4;
	_ =	sdelay $0x3  }
0x86: {  	v3 =	vperm.xlane v3, v2  }
0x87: {  	[tilespmem:s14], [sflag:$0x1] =	stream.indirect_vreg.gather [hbm4b:s2+s3], $0x80, v4, vm0, $0xb8;
	[tilespmem:$0x18180] =	vst v63  }
0x88: {  	s13 =	simm.s32 $0x980;
	v3 =	vadd.s32 v1, v3  }
0x89: {  	[tilespmem:s13], [sflag:$0x1] =	stream.indirect_vreg.gather [hbm4b:s4+s3], $0x80, v4, vm0, $0xb8;
	[tilespmem:$0x18180] =	vst v63  }
0x8a: {  	s15 =	simm.s32 $0x1180  }
0x8b: {  	[tilespmem:s15], [sflag:$0x1] =	stream.indirect_vreg.gather [hbm4b:s5+s3], $0x80, v4, vm0, $0xb8;
	[tilespmem:$0x18180] =	vst v63  }
0x8c: {  	s20 =	simm.s32 $0x1980  }
0x8d: {  	[tilespmem:s20], [sflag:$0x1] =	stream.indirect_vreg.gather [hbm4b:s2+s3], $0x80, v3, vm0, $0xb8;
	[tilespmem:$0x18180] =	vst v63  }
0x8e: {  	s15 =	simm.s32 $0x2180  }
0x8f: {  	[tilespmem:s15], [sflag:$0x1] =	stream.indirect_vreg.gather [hbm4b:s4+s3], $0x80, v3, vm0, $0xb8;
	[tilespmem:$0x18180] =	vst v63  }
0x90: {  	s9 =	simm.s32 $0x2980  }
0x91: {  	[tilespmem:s9], [sflag:$0x1] =	stream.indirect_vreg.gather [hbm4b:s5+s3], $0x80, v3, vm0, $0xb8;
	[tilespmem:$0x18180] =	vst v63  }
0x92: {  	v3 =	vld [tilespmem:$0x60];
	_ =	sdelay $0x4  }
0x93: {  	v52 =	vshrl.u32 v3, $0x3  }
0x94: {  	v4 =	vmul.u32 $0x30, v52  }
0x95: {  	v3 =	vand.u32 $0x7, v3  }
0x96: {  	v3 =	vor.u32 v3, v4  }
0x97: {  	v4 =	vperm.xlane v3, v0;
	_ =	sdelay $0x1  }
0x98: {  	v4 =	vadd.s32 v1, v4;
	_ =	sdelay $0x3  }
0x99: {  	s13 =	simm.s32 $0x3180;
	v3 =	vperm.xlane v3, v2  }
0x9a: {  	[tilespmem:s13], [sflag:$0x1] =	stream.indirect_vreg.gather [hbm4b:s2+s3], $0x80, v4, vm0, $0xb8;
	[tilespmem:$0x18180] =	vst v63  }
0x9b: {  	s15 =	simm.s32 $0x3980;
	v3 =	vadd.s32 v1, v3  }
0x9c: {  	[tilespmem:s15], [sflag:$0x1] =	stream.indirect_vreg.gather [hbm4b:s4+s3], $0x80, v4, vm0, $0xb8;
	[tilespmem:$0x18180] =	vst v63  }
0x9d: {  	s9 =	simm.s32 $0x4180  }
0x9e: {  	[tilespmem:s9], [sflag:$0x1] =	stream.indirect_vreg.gather [hbm4b:s5+s3], $0x80, v4, vm0, $0xb8;
	[tilespmem:$0x18180] =	vst v63  }
0x9f: {  	s20 =	simm.s32 $0x4980  }
0xa0: {  	[tilespmem:s20], [sflag:$0x1] =	stream.indirect_vreg.gather [hbm4b:s2+s3], $0x80, v3, vm0, $0xb8;
	[tilespmem:$0x18180] =	vst v63  }
0xa1: {  	s20 =	simm.s32 $0x5180  }
0xa2: {  	[tilespmem:s20], [sflag:$0x1] =	stream.indirect_vreg.gather [hbm4b:s4+s3], $0x80, v3, vm0, $0xb8;
	[tilespmem:$0x18180] =	vst v63  }
0xa3: {  	s20 =	simm.s32 $0x5980  }
0xa4: {  	[tilespmem:s20], [sflag:$0x1] =	stream.indirect_vreg.gather [hbm4b:s5+s3], $0x80, v3, vm0, $0xb8;
	[tilespmem:$0x18180] =	vst v63  }
0xa5: {  	v3 =	vld [tilespmem:$0x70];
	_ =	sdelay $0x4  }
0xa6: {  	v53 =	vshrl.u32 v3, $0x3  }
0xa7: {  	v4 =	vmul.u32 $0x30, v53  }
0xa8: {  	v3 =	vand.u32 $0x7, v3  }
0xa9: {  	v3 =	vor.u32 v3, v4  }
0xaa: {  	v4 =	vperm.xlane v3, v0;
	_ =	sdelay $0x1  }
0xab: {  	v4 =	vadd.s32 v1, v4;
	_ =	sdelay $0x3  }
0xac: {  	s20 =	simm.s32 $0x6180;
	v3 =	vperm.xlane v3, v2  }
0xad: {  	[tilespmem:s20], [sflag:$0x1] =	stream.indirect_vreg.gather [hbm4b:s2+s3], $0x80, v4, vm0, $0xb8;
	[tilespmem:$0x18180] =	vst v63  }
0xae: {  	v3 =	vadd.s32 v1, v3;
	s20 =	simm.s32 $0x6980  }
0xaf: {  	[tilespmem:s20], [sflag:$0x1] =	stream.indirect_vreg.gather [hbm4b:s4+s3], $0x80, v4, vm0, $0xb8;
	[tilespmem:$0x18180] =	vst v63  }
0xb0: {  	s20 =	simm.s32 $0x7180  }
0xb1: {  	[tilespmem:s20], [sflag:$0x1] =	stream.indirect_vreg.gather [hbm4b:s5+s3], $0x80, v4, vm0, $0xb8;
	[tilespmem:$0x18180] =	vst v63  }
0xb2: {  	s20 =	simm.s32 $0x7980  }
0xb3: {  	[tilespmem:s20], [sflag:$0x1] =	stream.indirect_vreg.gather [hbm4b:s2+s3], $0x80, v3, vm0, $0xb8;
	[tilespmem:$0x18180] =	vst v63  }
0xb4: {  	s20 =	simm.s32 $0x8180  }
0xb5: {  	[tilespmem:s20], [sflag:$0x1] =	stream.indirect_vreg.gather [hbm4b:s4+s3], $0x80, v3, vm0, $0xb8;
	[tilespmem:$0x18180] =	vst v63  }
0xb6: {  	s20 =	simm.s32 $0x8980  }
0xb7: {  	[tilespmem:s20], [sflag:$0x1] =	stream.indirect_vreg.gather [hbm4b:s5+s3], $0x80, v3, vm0, $0xb8;
	[tilespmem:$0x18180] =	vst v63  }
0xb8: {  	v3 =	vld [tilespmem:$0x80];
	_ =	sdelay $0x4  }
0xb9: {  	v54 =	vshrl.u32 v3, $0x3  }
0xba: {  	v4 =	vmul.u32 $0x30, v54  }
0xbb: {  	v3 =	vand.u32 $0x7, v3  }
0xbc: {  	v3 =	vor.u32 v3, v4  }
0xbd: {  	v4 =	vperm.xlane v3, v0;
	_ =	sdelay $0x1  }
0xbe: {  	v4 =	vadd.s32 v1, v4;
	_ =	sdelay $0x3  }
0xbf: {  	s20 =	simm.s32 $0x9180;
	v3 =	vperm.xlane v3, v2  }
0xc0: {  	[tilespmem:s20], [sflag:$0x1] =	stream.indirect_vreg.gather [hbm4b:s2+s3], $0x80, v4, vm0, $0xb8;
	[tilespmem:$0x18180] =	vst v63  }
0xc1: {  	v3 =	vadd.s32 v1, v3;
	s20 =	simm.s32 $0x9980  }
0xc2: {  	[tilespmem:s20], [sflag:$0x1] =	stream.indirect_vreg.gather [hbm4b:s4+s3], $0x80, v4, vm0, $0xb8;
	[tilespmem:$0x18180] =	vst v63  }
0xc3: {  	s20 =	simm.s32 $0xA180  }
0xc4: {  	[tilespmem:s20], [sflag:$0x1] =	stream.indirect_vreg.gather [hbm4b:s5+s3], $0x80, v4, vm0, $0xb8;
	[tilespmem:$0x18180] =	vst v63  }
0xc5: {  	s20 =	simm.s32 $0xA980  }
0xc6: {  	[tilespmem:s20], [sflag:$0x1] =	stream.indirect_vreg.gather [hbm4b:s2+s3], $0x80, v3, vm0, $0xb8;
	[tilespmem:$0x18180] =	vst v63  }
0xc7: {  	s20 =	simm.s32 $0xB180  }
0xc8: {  	[tilespmem:s20], [sflag:$0x1] =	stream.indirect_vreg.gather [hbm4b:s4+s3], $0x80, v3, vm0, $0xb8;
	[tilespmem:$0x18180] =	vst v63  }
0xc9: {  	s20 =	simm.s32 $0xB980  }
0xca: {  	[tilespmem:s20], [sflag:$0x1] =	stream.indirect_vreg.gather [hbm4b:s5+s3], $0x80, v3, vm0, $0xb8;
	[tilespmem:$0x18180] =	vst v63  }
0xcb: {  	_ =	swait.ge [sflag:s0], $0xC000  }
0xcc: {  	[sflag:s0] =	ssyncset.done $0x0  }
0xcd: {  	s20 =	rddreg [dreg:$0x6];
	[sflag:s0] =	ssyncadd.s32 $0xFFFF4000  }
0xce: {  	[hbm4b:s20+s3] =	stream.linear.scatter [tilespmem:s1], [sflag:$0x3], $0xC000, $0x38;
	[tilespmem:$0x18180] =	vst v63  }
0xcf: {  	_ =	swait.ge [sflag:s7], $0xC000  }
0xd0: {  	[sflag:s7] =	ssyncset.done $0x0  }
0xd1: {  	[sflag:s7] =	ssyncadd.s32 $0xFFFF4000  }
0xd2: {  	v3 =	vld [tilespmem:$0x90];
	_ =	sdelay $0x4  }
0xd3: {  	v55 =	vshrl.u32 v3, $0x3  }
0xd4: {  	v4 =	vmul.u32 $0x30, v55  }
0xd5: {  	v3 =	vand.u32 $0x7, v3  }
0xd6: {  	v3 =	vor.u32 v3, v4  }
0xd7: {  	v4 =	vperm.xlane v3, v0;
	_ =	sdelay $0x1  }
0xd8: {  	v4 =	vadd.s32 v1, v4;
	_ =	sdelay $0x3  }
0xd9: {  	v3 =	vperm.xlane v3, v2  }
0xda: {  	[tilespmem:s1], [sflag:$0x2] =	stream.indirect_vreg.gather [hbm4b:s2+s3], $0x80, v4, vm0, $0xb8;
	[tilespmem:$0x18180] =	vst v63  }
0xdb: {  	s20 =	simm.s32 $0xC980;
	v3 =	vadd.s32 v1, v3  }
0xdc: {  	[tilespmem:s20], [sflag:$0x2] =	stream.indirect_vreg.gather [hbm4b:s4+s3], $0x80, v4, vm0, $0xb8;
	[tilespmem:$0x18180] =	vst v63  }
0xdd: {  	s20 =	simm.s32 $0xD180  }
0xde: {  	[tilespmem:s20], [sflag:$0x2] =	stream.indirect_vreg.gather [hbm4b:s5+s3], $0x80, v4, vm0, $0xb8;
	[tilespmem:$0x18180] =	vst v63  }
0xdf: {  	s20 =	simm.s32 $0xD980  }
0xe0: {  	[tilespmem:s20], [sflag:$0x2] =	stream.indirect_vreg.gather [hbm4b:s2+s3], $0x80, v3, vm0, $0xb8;
	[tilespmem:$0x18180] =	vst v63  }
0xe1: {  	s20 =	simm.s32 $0xE180  }
0xe2: {  	[tilespmem:s20], [sflag:$0x2] =	stream.indirect_vreg.gather [hbm4b:s4+s3], $0x80, v3, vm0, $0xb8;
	[tilespmem:$0x18180] =	vst v63  }
0xe3: {  	s20 =	simm.s32 $0xE980  }
0xe4: {  	[tilespmem:s20], [sflag:$0x2] =	stream.indirect_vreg.gather [hbm4b:s5+s3], $0x80, v3, vm0, $0xb8;
	[tilespmem:$0x18180] =	vst v63  }
0xe5: {  	v3 =	vld [tilespmem:$0xA0];
	_ =	sdelay $0x4  }
0xe6: {  	v56 =	vshrl.u32 v3, $0x3  }
0xe7: {  	v4 =	vmul.u32 $0x30, v56  }
0xe8: {  	v3 =	vand.u32 $0x7, v3  }
0xe9: {  	v3 =	vor.u32 v3, v4  }
0xea: {  	v4 =	vperm.xlane v3, v0;
	_ =	sdelay $0x1  }
0xeb: {  	v4 =	vadd.s32 v1, v4;
	_ =	sdelay $0x3  }
0xec: {  	v3 =	vperm.xlane v3, v2  }
0xed: {  	[tilespmem:s21], [sflag:$0x2] =	stream.indirect_vreg.gather [hbm4b:s2+s3], $0x80, v4, vm0, $0xb8;
	[tilespmem:$0x18180] =	vst v63  }
0xee: {  	v3 =	vadd.s32 v1, v3  }
0xef: {  	[tilespmem:s22], [sflag:$0x2] =	stream.indirect_vreg.gather [hbm4b:s4+s3], $0x80, v4, vm0, $0xb8;
	[tilespmem:$0x18180] =	vst v63  }
0xf0: {  	_ = 	snop  }
0xf1: {  	[tilespmem:s23], [sflag:$0x2] =	stream.indirect_vreg.gather [hbm4b:s5+s3], $0x80, v4, vm0, $0xb8;
	[tilespmem:$0x18180] =	vst v63  }
0xf2: {  	_ = 	snop  }
0xf3: {  	[tilespmem:s24], [sflag:$0x2] =	stream.indirect_vreg.gather [hbm4b:s2+s3], $0x80, v3, vm0, $0xb8;
	[tilespmem:$0x18180] =	vst v63  }
0xf4: {  	_ = 	snop  }
0xf5: {  	[tilespmem:s26], [sflag:$0x2] =	stream.indirect_vreg.gather [hbm4b:s4+s3], $0x80, v3, vm0, $0xb8;
	[tilespmem:$0x18180] =	vst v63  }
0xf6: {  	_ = 	snop  }
0xf7: {  	[tilespmem:s28], [sflag:$0x2] =	stream.indirect_vreg.gather [hbm4b:s5+s3], $0x80, v3, vm0, $0xb8;
	[tilespmem:$0x18180] =	vst v63  }
0xf8: {  	v3 =	vld [tilespmem:$0xB0];
	_ =	sdelay $0x4  }
0xf9: {  	v57 =	vshrl.u32 v3, $0x3  }
0xfa: {  	v4 =	vmul.u32 $0x30, v57  }
0xfb: {  	v3 =	vand.u32 $0x7, v3  }
0xfc: {  	v3 =	vor.u32 v3, v4  }
0xfd: {  	v4 =	vperm.xlane v3, v0;
	_ =	sdelay $0x1  }
0xfe: {  	v4 =	vadd.s32 v1, v4;
	_ =	sdelay $0x3  }
0xff: {  	v3 =	vperm.xlane v3, v2  }
0x100: {  	[tilespmem:s29], [sflag:$0x2] =	stream.indirect_vreg.gather [hbm4b:s2+s3], $0x80, v4, vm0, $0xb8;
	[tilespmem:$0x18180] =	vst v63  }
0x101: {  	v3 =	vadd.s32 v1, v3  }
0x102: {  	[tilespmem:s30], [sflag:$0x2] =	stream.indirect_vreg.gather [hbm4b:s4+s3], $0x80, v4, vm0, $0xb8;
	[tilespmem:$0x18180] =	vst v63  }
0x103: {  	_ = 	snop  }
0x104: {  	[tilespmem:s31], [sflag:$0x2] =	stream.indirect_vreg.gather [hbm4b:s5+s3], $0x80, v4, vm0, $0xb8;
	[tilespmem:$0x18180] =	vst v63  }
0x105: {  	_ = 	snop  }
0x106: {  	[tilespmem:s10], [sflag:$0x2] =	stream.indirect_vreg.gather [hbm4b:s2+s3], $0x80, v3, vm0, $0xb8;
	[tilespmem:$0x18180] =	vst v63  }
0x107: {  	s20 =	simm.s32 $0x14180  }
0x108: {  	[tilespmem:s20], [sflag:$0x2] =	stream.indirect_vreg.gather [hbm4b:s4+s3], $0x80, v3, vm0, $0xb8;
	[tilespmem:$0x18180] =	vst v63  }
0x109: {  	_ = 	snop  }
0x10a: {  	[tilespmem:s8], [sflag:$0x2] =	stream.indirect_vreg.gather [hbm4b:s5+s3], $0x80, v3, vm0, $0xb8;
	[tilespmem:$0x18180] =	vst v63  }
0x10b: {  	v3 =	vld [tilespmem:$0xC0];
	_ =	sdelay $0x4  }
0x10c: {  	v58 =	vshrl.u32 v3, $0x3  }
0x10d: {  	v4 =	vmul.u32 $0x30, v58  }
0x10e: {  	v3 =	vand.u32 $0x7, v3  }
0x10f: {  	v3 =	vor.u32 v3, v4  }
0x110: {  	v4 =	vperm.xlane v3, v0;
	_ =	sdelay $0x1  }
0x111: {  	v4 =	vadd.s32 v1, v4;
	_ =	sdelay $0x3  }
0x112: {  	v3 =	vperm.xlane v3, v2  }
0x113: {  	[tilespmem:s16], [sflag:$0x2] =	stream.indirect_vreg.gather [hbm4b:s2+s3], $0x80, v4, vm0, $0xb8;
	[tilespmem:$0x18180] =	vst v63  }
0x114: {  	v3 =	vadd.s32 v1, v3  }
0x115: {  	[tilespmem:s17], [sflag:$0x2] =	stream.indirect_vreg.gather [hbm4b:s4+s3], $0x80, v4, vm0, $0xb8;
	[tilespmem:$0x18180] =	vst v63  }
0x116: {  	_ = 	snop  }
0x117: {  	[tilespmem:s18], [sflag:$0x2] =	stream.indirect_vreg.gather [hbm4b:s5+s3], $0x80, v4, vm0, $0xb8;
	[tilespmem:$0x18180] =	vst v63  }
0x118: {  	_ = 	snop  }
0x119: {  	[tilespmem:s19], [sflag:$0x2] =	stream.indirect_vreg.gather [hbm4b:s2+s3], $0x80, v3, vm0, $0xb8;
	[tilespmem:$0x18180] =	vst v63  }
0x11a: {  	_ = 	snop  }
0x11b: {  	[tilespmem:s11], [sflag:$0x2] =	stream.indirect_vreg.gather [hbm4b:s4+s3], $0x80, v3, vm0, $0xb8;
	[tilespmem:$0x18180] =	vst v63  }
0x11c: {  	_ = 	snop  }
0x11d: {  	[tilespmem:s12], [sflag:$0x2] =	stream.indirect_vreg.gather [hbm4b:s5+s3], $0x80, v3, vm0, $0xb8;
	[tilespmem:$0x18180] =	vst v63  }
0x11e: {  	_ =	swait.ge [sflag:s25], $0xC000  }
0x11f: {  	[sflag:s25] =	ssyncset.done $0x0  }
0x120: {  	s10 =	rddreg [dreg:$0x7];
	[sflag:s25] =	ssyncadd.s32 $0xFFFF4000  }
0x121: {  	[hbm4b:s10+s3] =	stream.linear.scatter [tilespmem:s14], [sflag:$0x3], $0xC000, $0x38;
	[tilespmem:$0x18180] =	vst v63  }
0x122: {  	_ =	swait.ge [sflag:s7], $0xC000  }
0x123: {  	[sflag:s7] =	ssyncset.done $0x0  }
0x124: {  	[sflag:s7] =	ssyncadd.s32 $0xFFFF4000  }
0x125: {  	v3 =	vld [tilespmem:$0xD0];
	_ =	sdelay $0x4  }
0x126: {  	v59 =	vshrl.u32 v3, $0x3  }
0x127: {  	v4 =	vmul.u32 $0x30, v59  }
0x128: {  	v3 =	vand.u32 $0x7, v3  }
0x129: {  	v3 =	vor.u32 v3, v4  }
0x12a: {  	v4 =	vperm.xlane v3, v0;
	_ =	sdelay $0x1  }
0x12b: {  	v4 =	vadd.s32 v1, v4;
	_ =	sdelay $0x3  }
0x12c: {  	v3 =	vperm.xlane v3, v2  }
0x12d: {  	[tilespmem:s14], [sflag:$0x1] =	stream.indirect_vreg.gather [hbm4b:s2+s3], $0x80, v4, vm0, $0xb8;
	[tilespmem:$0x18180] =	vst v63  }
0x12e: {  	s20 =	simm.s32 $0x980;
	v3 =	vadd.s32 v1, v3  }
0x12f: {  	[tilespmem:s20], [sflag:$0x1] =	stream.indirect_vreg.gather [hbm4b:s4+s3], $0x80, v4, vm0, $0xb8;
	[tilespmem:$0x18180] =	vst v63  }
0x130: {  	s10 =	simm.s32 $0x1180  }
0x131: {  	[tilespmem:s10], [sflag:$0x1] =	stream.indirect_vreg.gather [hbm4b:s5+s3], $0x80, v4, vm0, $0xb8;
	[tilespmem:$0x18180] =	vst v63  }
0x132: {  	s20 =	simm.s32 $0x1980  }
0x133: {  	[tilespmem:s20], [sflag:$0x1] =	stream.indirect_vreg.gather [hbm4b:s2+s3], $0x80, v3, vm0, $0xb8;
	[tilespmem:$0x18180] =	vst v63  }
0x134: {  	s10 =	simm.s32 $0x2180  }
0x135: {  	[tilespmem:s10], [sflag:$0x1] =	stream.indirect_vreg.gather [hbm4b:s4+s3], $0x80, v3, vm0, $0xb8;
	[tilespmem:$0x18180] =	vst v63  }
0x136: {  	s20 =	simm.s32 $0x2980  }
0x137: {  	[tilespmem:s20], [sflag:$0x1] =	stream.indirect_vreg.gather [hbm4b:s5+s3], $0x80, v3, vm0, $0xb8;
	[tilespmem:$0x18180] =	vst v63  }
0x138: {  	v3 =	vld [tilespmem:$0xE0];
	_ =	sdelay $0x4  }
0x139: {  	v60 =	vshrl.u32 v3, $0x3  }
0x13a: {  	v4 =	vmul.u32 $0x30, v60  }
0x13b: {  	v3 =	vand.u32 $0x7, v3  }
0x13c: {  	v3 =	vor.u32 v3, v4  }
0x13d: {  	v4 =	vperm.xlane v3, v0;
	_ =	sdelay $0x1  }
0x13e: {  	v4 =	vadd.s32 v1, v4;
	_ =	sdelay $0x3  }
0x13f: {  	v3 =	vperm.xlane v3, v2  }
0x140: {  	[tilespmem:s13], [sflag:$0x1] =	stream.indirect_vreg.gather [hbm4b:s2+s3], $0x80, v4, vm0, $0xb8;
	[tilespmem:$0x18180] =	vst v63  }
0x141: {  	v3 =	vadd.s32 v1, v3  }
0x142: {  	[tilespmem:s15], [sflag:$0x1] =	stream.indirect_vreg.gather [hbm4b:s4+s3], $0x80, v4, vm0, $0xb8;
	[tilespmem:$0x18180] =	vst v63  }
0x143: {  	_ = 	snop  }
0x144: {  	[tilespmem:s9], [sflag:$0x1] =	stream.indirect_vreg.gather [hbm4b:s5+s3], $0x80, v4, vm0, $0xb8;
	[tilespmem:$0x18180] =	vst v63  }
0x145: {  	s10 =	simm.s32 $0x4980  }
0x146: {  	[tilespmem:s10], [sflag:$0x1] =	stream.indirect_vreg.gather [hbm4b:s2+s3], $0x80, v3, vm0, $0xb8;
	[tilespmem:$0x18180] =	vst v63  }
0x147: {  	s13 =	simm.s32 $0x5180  }
0x148: {  	[tilespmem:s13], [sflag:$0x1] =	stream.indirect_vreg.gather [hbm4b:s4+s3], $0x80, v3, vm0, $0xb8;
	[tilespmem:$0x18180] =	vst v63  }
0x149: {  	s15 =	simm.s32 $0x5980  }
0x14a: {  	[tilespmem:s15], [sflag:$0x1] =	stream.indirect_vreg.gather [hbm4b:s5+s3], $0x80, v3, vm0, $0xb8;
	[tilespmem:$0x18180] =	vst v63  }
0x14b: {  	v3 =	vld [tilespmem:$0xF0];
	_ =	sdelay $0x4  }
0x14c: {  	v61 =	vshrl.u32 v3, $0x3  }
0x14d: {  	v4 =	vmul.u32 $0x30, v61  }
0x14e: {  	v3 =	vand.u32 $0x7, v3  }
0x14f: {  	v3 =	vor.u32 v3, v4  }
0x150: {  	v4 =	vperm.xlane v3, v0;
	_ =	sdelay $0x1  }
0x151: {  	v4 =	vadd.s32 v1, v4;
	_ =	sdelay $0x3  }
0x152: {  	s20 =	simm.s32 $0x6180;
	v3 =	vperm.xlane v3, v2  }
0x153: {  	[tilespmem:s20], [sflag:$0x1] =	stream.indirect_vreg.gather [hbm4b:s2+s3], $0x80, v4, vm0, $0xb8;
	[tilespmem:$0x18180] =	vst v63  }
0x154: {  	s9 =	simm.s32 $0x6980;
	v3 =	vadd.s32 v1, v3  }
0x155: {  	[tilespmem:s9], [sflag:$0x1] =	stream.indirect_vreg.gather [hbm4b:s4+s3], $0x80, v4, vm0, $0xb8;
	[tilespmem:$0x18180] =	vst v63  }
0x156: {  	s10 =	simm.s32 $0x7180  }
0x157: {  	[tilespmem:s10], [sflag:$0x1] =	stream.indirect_vreg.gather [hbm4b:s5+s3], $0x80, v4, vm0, $0xb8;
	[tilespmem:$0x18180] =	vst v63  }
0x158: {  	s13 =	simm.s32 $0x7980  }
0x159: {  	[tilespmem:s13], [sflag:$0x1] =	stream.indirect_vreg.gather [hbm4b:s2+s3], $0x80, v3, vm0, $0xb8;
	[tilespmem:$0x18180] =	vst v63  }
0x15a: {  	s15 =	simm.s32 $0x8180  }
0x15b: {  	[tilespmem:s15], [sflag:$0x1] =	stream.indirect_vreg.gather [hbm4b:s4+s3], $0x80, v3, vm0, $0xb8;
	[tilespmem:$0x18180] =	vst v63  }
0x15c: {  	s20 =	simm.s32 $0x8980  }
0x15d: {  	[tilespmem:s20], [sflag:$0x1] =	stream.indirect_vreg.gather [hbm4b:s5+s3], $0x80, v3, vm0, $0xb8;
	[tilespmem:$0x18180] =	vst v63  }
0x15e: {  	v3 =	vld [tilespmem:$0x100];
	_ =	sdelay $0x4  }
0x15f: {  	v62 =	vshrl.u32 v3, $0x3  }
0x160: {  	v4 =	vmul.u32 $0x30, v62  }
0x161: {  	v3 =	vand.u32 $0x7, v3  }
0x162: {  	v3 =	vor.u32 v3, v4  }
0x163: {  	v4 =	vperm.xlane v3, v0;
	_ =	sdelay $0x1  }
0x164: {  	v4 =	vadd.s32 v1, v4;
	_ =	sdelay $0x3  }
0x165: {  	s9 =	simm.s32 $0x9180;
	v3 =	vperm.xlane v3, v2  }
0x166: {  	[tilespmem:s9], [sflag:$0x1] =	stream.indirect_vreg.gather [hbm4b:s2+s3], $0x80, v4, vm0, $0xb8;
	[tilespmem:$0x18180] =	vst v63  }
0x167: {  	s10 =	simm.s32 $0x9980;
	v3 =	vadd.s32 v1, v3  }
0x168: {  	[tilespmem:s10], [sflag:$0x1] =	stream.indirect_vreg.gather [hbm4b:s4+s3], $0x80, v4, vm0, $0xb8;
	[tilespmem:$0x18180] =	vst v63  }
0x169: {  	s13 =	simm.s32 $0xA180  }
0x16a: {  	[tilespmem:s13], [sflag:$0x1] =	stream.indirect_vreg.gather [hbm4b:s5+s3], $0x80, v4, vm0, $0xb8;
	[tilespmem:$0x18180] =	vst v63  }
0x16b: {  	s15 =	simm.s32 $0xA980  }
0x16c: {  	[tilespmem:s15], [sflag:$0x1] =	stream.indirect_vreg.gather [hbm4b:s2+s3], $0x80, v3, vm0, $0xb8;
	[tilespmem:$0x18180] =	vst v63  }
0x16d: {  	s20 =	simm.s32 $0xB180  }
0x16e: {  	[tilespmem:s20], [sflag:$0x1] =	stream.indirect_vreg.gather [hbm4b:s4+s3], $0x80, v3, vm0, $0xb8;
	[tilespmem:$0x18180] =	vst v63  }
0x16f: {  	s9 =	simm.s32 $0xB980  }
0x170: {  	[tilespmem:s9], [sflag:$0x1] =	stream.indirect_vreg.gather [hbm4b:s5+s3], $0x80, v3, vm0, $0xb8;
	[tilespmem:$0x18180] =	vst v63  }
0x171: {  	_ =	swait.ge [sflag:s0], $0xC000  }
0x172: {  	[sflag:s0] =	ssyncset.done $0x0  }
0x173: {  	s10 =	rddreg [dreg:$0x8];
	[sflag:s0] =	ssyncadd.s32 $0xFFFF4000  }
0x174: {  	[hbm4b:s10+s3] =	stream.linear.scatter [tilespmem:s1], [sflag:$0x3], $0xC000, $0x38;
	[tilespmem:$0x18180] =	vst v63  }
0x175: {  	_ =	swait.ge [sflag:s7], $0xC000  }
0x176: {  	[sflag:s7] =	ssyncset.done $0x0  }
0x177: {  	[sflag:s7] =	ssyncadd.s32 $0xFFFF4000  }
0x178: {  	v3 =	vld [tilespmem:$0x110];
	_ =	sdelay $0x4  }
0x179: {  	v63 =	vshrl.u32 v3, $0x3  }
0x17a: {  	v4 =	vmul.u32 $0x30, v63  }
0x17b: {  	v3 =	vand.u32 $0x7, v3  }
0x17c: {  	v3 =	vor.u32 v3, v4  }
0x17d: {  	v4 =	vperm.xlane v3, v0;
	_ =	sdelay $0x1  }
0x17e: {  	v4 =	vadd.s32 v1, v4;
	_ =	sdelay $0x3  }
0x17f: {  	v3 =	vperm.xlane v3, v2  }
0x180: {  	[tilespmem:s1], [sflag:$0x2] =	stream.indirect_vreg.gather [hbm4b:s2+s3], $0x80, v4, vm0, $0xb8;
	[tilespmem:$0x18180] =	vst v63  }
0x181: {  	s13 =	simm.s32 $0xC980;
	v3 =	vadd.s32 v1, v3  }
0x182: {  	[tilespmem:s13], [sflag:$0x2] =	stream.indirect_vreg.gather [hbm4b:s4+s3], $0x80, v4, vm0, $0xb8;
	[tilespmem:$0x18180] =	vst v63  }
0x183: {  	s15 =	simm.s32 $0xD180  }
0x184: {  	[tilespmem:s15], [sflag:$0x2] =	stream.indirect_vreg.gather [hbm4b:s5+s3], $0x80, v4, vm0, $0xb8;
	[tilespmem:$0x18180] =	vst v63  }
0x185: {  	s20 =	simm.s32 $0xD980  }
0x186: {  	[tilespmem:s20], [sflag:$0x2] =	stream.indirect_vreg.gather [hbm4b:s2+s3], $0x80, v3, vm0, $0xb8;
	[tilespmem:$0x18180] =	vst v63  }
0x187: {  	s9 =	simm.s32 $0xE180  }
0x188: {  	[tilespmem:s9], [sflag:$0x2] =	stream.indirect_vreg.gather [hbm4b:s4+s3], $0x80, v3, vm0, $0xb8;
	[tilespmem:$0x18180] =	vst v63  }
0x189: {  	s10 =	simm.s32 $0xE980  }
0x18a: {  	[tilespmem:s10], [sflag:$0x2] =	stream.indirect_vreg.gather [hbm4b:s5+s3], $0x80, v3, vm0, $0xb8;
	[tilespmem:$0x18180] =	vst v63  }
0x18b: {  	_ =	swait.ge [sflag:s25], $0xC000  }
0x18c: {  	[sflag:s25] =	ssyncset.done $0x0  }
0x18d: {  	s13 =	rddreg [dreg:$0x9];
	[sflag:s25] =	ssyncadd.s32 $0xFFFF4000  }
0x18e: {  	[hbm4b:s13+s3] =	stream.linear.scatter [tilespmem:s14], [sflag:$0x3], $0xC000, $0x38;
	[tilespmem:$0x18180] =	vst v63  }
0x18f: {  	_ =	swait.ge [sflag:s7], $0xC000  }
0x190: {  	[sflag:s7] =	ssyncset.done $0x0  }
0x191: {  	[sflag:s7] =	ssyncadd.s32 $0xFFFF4000  }
0x192: {  	_ =	swait.ge [sflag:s0], $0x3000  }
0x193: {  	p0 =	sne.s32 s6, $0x1;
	[sflag:s0] =	ssyncset.done $0x0  }
.Ltmp0:
0x194: {  	s15 =	rddreg [dreg:$0xa];
	[sflag:s0] =	ssyncadd.s32 $0xFFFFD000;
	(pc) =	sbr.rel @p0 .LBB2_1-.Ltmp0, $4  }
0x195: {  	[hbm4b:s15+s3] =	stream.linear.scatter [tilespmem:s1], [sflag:$0x3], $0x3000, $0x38;
	[tilespmem:$0x18180] =	vst v63  }
0x196: {  	_ =	swait.ge [sflag:s7], $0x3000  }
0x197: {  	[sflag:s7] =	ssyncset.done $0x0  }
0x198: {  	s6 =	sadd.s32 $0xFFFFFFFF, s6;
	[sflag:s7] =	ssyncadd.s32 $0xFFFFD000  }
0x199: {  	_ =	sfence.sel $0x180000  }
0x19a: {  	[bflag:$0x0] =	sbarrier.arrive $0xFFFF  }
0x19b: {  	_ =	strace $0x9000004D  }
0x19c: {  	s0 =	stileid.u32;
	[bflag:$0x2] =	sbarrier.arrive $0xFFFF  }
0x19d: {  	p0 =	sne.s32 s0, $0x0;
	s0 =	rddreg [dreg:$0x3]  }
0x19e: {  	s0 =	sadd.s32 @!p0 $0x100000, s0  }
0x19f: {  	[sflag:s0] =	ssyncadd.tile.s32 @!p0 $0x1;
	_ =	shalt  }
.Lfunc_end2:
_tile_overlayer_lowered:
.L_overlay_start_2:
0x1a0: {  	(tag) =	ssettag $0x2  }
0x1a1: {  	s0 =	rddreg [dreg:$0x0];
	s2 =	stileid.u32  }
0x1a2: {  	s1 =	rddreg [dreg:$0x1];
	p0 =	sne.s32 s2, $0x0  }
0x1a3: {  	s3 =	rddreg [dreg:$0x2];
	[bflag:$0x3] =	sbarrier.arrive $0xFFFF;
	s2 =	simm.s32 @!p0 $0x1C03  }
0x1a4: {  	[timem:s3], [sflag:s2] =	dma.local @!p0 [hbm:s0], s1  }
0x1a5: {  	s0 =	simm.s32 @!p0 $0x3  }
0x1a6: {  	_ =	swait.ge @!p0 [sflag:s0], s1  }
0x1a7: {  	s1 =	ssub.s32 @!p0 $0x0, s1;
	[sflag:s0] =	ssyncset.done @!p0 $0x0  }
0x1a8: {  	[sflag:s0] =	ssyncadd.s32 @!p0 s1  }
0x1a9: {  	[bflag:$0x3] =	sbarrier.arrive $0xFFFF  }
0x1aa: {  	_ =	shalt  }

// kernel: kernel.8.cloned.1.call-start
scs
__scs_entry_jumppad:
0x0: {  	(pc) =	sbr.rel $0x88, $3  }
0x1: {  	(tag) =	ssettag $0x0;
	lr =	simm.s32 $0x1  }
0x2: {  	[smem:$0x3F9F] =	sst lr;
	_ =	strace $0xD0000000  }
0x3: {  	_ = 	snop  }
0x4: {  	_ = 	snop  }
0x5: {  	_ = 	snop  }
0x6: {  	_ = 	snop  }
0x7: {  	_ = 	snop  }
__scs_overlays_trampoline_lowered:
0x8: {  	[smem:$0x3FAE] =	sst s0  }
0x9: {  	[smem:$0x3FAF] =	sst s1  }
0xa: {  	[smem:$0x3FB0] =	sst s2  }
0xb: {  	[smem:$0x3FB1] =	sst s3  }
0xc: {  	[smem:$0x3FB2] =	sst s4  }
0xd: {  	[smem:$0x3FB3] =	sst s5  }
0xe: {  	[smem:$0x3FB4] =	sst s6  }
0xf: {  	[smem:$0x3FB5] =	sst s7  }
0x10: {  	[smem:$0x3FB6] =	sst s8  }
0x11: {  	[smem:$0x3FB7] =	sst s9;
	s0 =	simm.s32 @!p0 $0x0  }
0x12: {  	s1 =	sld [smem:$0x3F9D];
	s0 =	simm.s32 @p0 $0x1  }
0x13: {  	[smem:$0x3FB8] =	sst s0;
	s0 =	simm.s32 @!p1 $0x0  }
0x14: {  	s2 =	sld [smem:$0x3F9C];
	s0 =	simm.s32 @p1 $0x1  }
0x15: {  	[smem:$0x3FB9] =	sst s0;
	s0 =	simm.s32 @!p2 $0x0  }
0x16: {  	s3 =	sld [smem:$0x3FDB];
	s0 =	simm.s32 @p2 $0x1  }
0x17: {  	s4 =	simm.s32 $0x1BF5;
	[smem:$0x3FBB] =	sst s0  }
0x18: {  	s0 =	sld [smem:$0x3F9E];
	_ =	swait.ge [sflag:s4], $0x0  }
0x19: {  	s7 =	sld [smem:$0x3F9F]  }
0x1a: {  	s8 =	sadd.s32 $0xFFFFE003, lr  }
0x1b: {  	s9 =	sadd.s32 $0xFFFFFEF7, lr;
	s5 =	simm.s32 $0xFFFFFFFF;
	p2 =	slt.u32 s8, $0xFFFFF086  }
0x1c: {  	p1 =	slt.u32 s9, $0xF7A;
	s5 =	simm.s32 @!p2 $0x0  }
0x1d: {  	s5 =	simm.s32 @p1 $0x1;
	p0 =	seq.s32 s7, s2  }
0x1e: {  	s7 =	smul.u32 @!p0 $0xF7A, s2;
	p2 =	seq.s32 @!p0 s5, $0x0  }
0x1f: {  	s9 =	smul.u32 $0xF7A, s1;
	s8 =	simm.s32 @!p0 $0x1BF5;
	p2 =	por !p2, p0  }
0x20: {  	[sflag:s8] =	ssyncset.s32 @!p0 $0xFFFFF086;
	s6 =	sadd.s32 @!p0 s3, s7;
	s7 =	simm.s32 @!p0 $0x108  }
0x21: {  	s3 =	sadd.s32 s3, s9;
	s6 =	sadd.s32 @!p0 $0x88, s6;
	s7 =	simm.s32 @p2 $0x1082  }
0x22: {  	[simem:s7], [sflag:s8] =	dma.local @!p0 [hbm:s6], $0xF7A  }
0x23: {  	s9 =	sor.u32 $0xD0000000, s2;
	s6 =	simm.s32 $0x108;
	_ =	swait.ge @!p0 [sflag:s8], $0x0  }
0x24: {  	s3 =	sadd.s32 $0x88, s3;
	s6 =	simm.s32 @!p1 $0x1082;
	[sflag:s4] =	ssyncset.s32 $0xFFFFF086  }
0x25: {  	[simem:s6], [sflag:s4] =	dma.local [hbm:s3], $0xF7A  }
0x26: {  	[smem:$0x3F9F] =	sst s1;
	(tag) =	ssettag s2;
	_ =	strace s9  }
0x27: {  	s1 =	sld [smem:$0x3FAF]  }
0x28: {  	s2 =	sld [smem:$0x3FB0]  }
0x29: {  	s4 =	sld [smem:$0x3FB2]  }
0x2a: {  	p0 =	seq.s32 s5, $0x0;
	s5 =	sld [smem:$0x3FB3]  }
0x2b: {  	s6 =	sld [smem:$0x3FB4]  }
0x2c: {  	s7 =	sld [smem:$0x3FB5]  }
0x2d: {  	s3 =	simm.s32 $0x108;
	s8 =	sld [smem:$0x3FB6]  }
0x2e: {  	s3 =	simm.s32 @!p0 $0x1082;
	s9 =	sld [smem:$0x3FB7]  }
0x2f: {  	lr =	sadd.s32 s0, s3;
	s0 =	sld [smem:$0x3FAE]  }
0x30: {  	s3 =	sld [smem:$0x3FB1]  }
0x31: {  	[smem:$0x3FBA] =	sst s10  }
0x32: {  	s10 =	sld [smem:$0x3FB8];
	_ =	sdelay $0x3  }
0x33: {  	p0 =	seq.s32 s10, $0x1;
	s10 =	sld [smem:$0x3FBA];
	_ =	sdelay $0x3  }
0x34: {  	[smem:$0x3FBA] =	sst s10  }
0x35: {  	s10 =	sld [smem:$0x3FB9];
	_ =	sdelay $0x3  }
0x36: {  	p1 =	seq.s32 s10, $0x1;
	s10 =	sld [smem:$0x3FBA];
	_ =	sdelay $0x3  }
0x37: {  	[smem:$0x3FBA] =	sst s10  }
0x38: {  	s10 =	sld [smem:$0x3FBB]  }
0x39: {  	_ = 	snop;
	(pc) =	sbr.ind lr, $3  }
0x3a: {  	_ = 	snop  }
0x3b: {  	_ = 	snop  }
0x3c: {  	p2 =	seq.s32 s10, $0x1;
	s10 =	sld [smem:$0x3FBA]  }
0x3d: {  	_ =	shalt  }
0x3e: {  	_ =	shalt  }
0x3f: {  	_ =	shalt  }
0x40: {  	_ =	shalt  }
0x41: {  	_ =	shalt  }
0x42: {  	_ =	shalt  }
0x43: {  	_ =	shalt  }
0x44: {  	_ =	shalt  }
0x45: {  	_ =	shalt  }
0x46: {  	_ =	shalt  }
0x47: {  	_ =	shalt  }
0x48: {  	_ =	shalt  }
0x49: {  	_ =	shalt  }
0x4a: {  	_ =	shalt  }
0x4b: {  	_ =	shalt  }
0x4c: {  	_ =	shalt  }
0x4d: {  	_ =	shalt  }
0x4e: {  	_ =	shalt  }
0x4f: {  	_ =	shalt  }
0x50: {  	_ =	shalt  }
0x51: {  	_ =	shalt  }
0x52: {  	_ =	shalt  }
0x53: {  	_ =	shalt  }
0x54: {  	_ =	shalt  }
0x55: {  	_ =	shalt  }
0x56: {  	_ =	shalt  }
0x57: {  	_ =	shalt  }
0x58: {  	_ =	shalt  }
0x59: {  	_ =	shalt  }
0x5a: {  	_ =	shalt  }
0x5b: {  	_ =	shalt  }
0x5c: {  	_ =	shalt  }
0x5d: {  	_ =	shalt  }
0x5e: {  	_ =	shalt  }
0x5f: {  	_ =	shalt  }
0x60: {  	_ =	shalt  }
0x61: {  	_ =	shalt  }
0x62: {  	_ =	shalt  }
0x63: {  	_ =	shalt  }
0x64: {  	_ =	shalt  }
0x65: {  	_ =	shalt  }
0x66: {  	_ =	shalt  }
0x67: {  	_ =	shalt  }
0x68: {  	_ =	shalt  }
0x69: {  	_ =	shalt  }
0x6a: {  	_ =	shalt  }
0x6b: {  	_ =	shalt  }
0x6c: {  	_ =	shalt  }
0x6d: {  	_ =	shalt  }
0x6e: {  	_ =	shalt  }
0x6f: {  	_ =	shalt  }
0x70: {  	_ =	shalt  }
0x71: {  	_ =	shalt  }
0x72: {  	_ =	shalt  }
0x73: {  	_ =	shalt  }
0x74: {  	_ =	shalt  }
0x75: {  	_ =	shalt  }
0x76: {  	_ =	shalt  }
0x77: {  	_ =	shalt  }
0x78: {  	_ =	shalt  }
0x79: {  	_ =	shalt  }
0x7a: {  	_ =	shalt  }
0x7b: {  	_ =	shalt  }
0x7c: {  	_ =	shalt  }
0x7d: {  	_ =	shalt  }
0x7e: {  	_ =	shalt  }
0x7f: {  	_ =	shalt  }
0x80: {  	_ =	shalt  }
0x81: {  	_ =	shalt  }
0x82: {  	_ =	shalt  }
0x83: {  	_ =	shalt  }
0x84: {  	_ =	shalt  }
0x85: {  	_ =	shalt  }
0x86: {  	_ =	shalt  }
0x87: {  	_ =	shalt  }
.Lfunc_end0:
.L_simem_size_0:
called_computation_lowered:
.L_overlay_start_0:
0x88: {  	s2 =	sld [smem:$0x3FD9]  }
0x89: {  	s3 =	sld [smem:$0x3FFE];
	_ =	sdelay $0x1  }
0x8a: {  	s1 =	srdreg.scid  }
0x8b: {  	s0 =	sand.u32 $0x1, s1  }
0x8c: {  	s17 =	sshll.u32 s0, $0xA;
	s2 =	sadd.s32 s3, s2  }
0x8d: {  	s2 =	sadd.s32 s2, s17  }
0x8e: {  	[smem:$0x3FC6] =	sst s2  }
0x8f: {  	_ = 	snop  }
0x90: {  	s2 =	sld [smem:$0x3FC9]  }
0x91: {  	s18 =	sld [smem:$0x3FD0];
	(tm) =	ssettm $0x1  }
0x92: {  	s4 =	sld [smem:$0x3FFB];
	_ =	sdelay $0x3  }
0x93: {  	_ =	strace s4  }
0x94: {  	s4 =	sld [smem:$0x3FFC];
	_ =	sdelay $0x3  }
0x95: {  	_ =	strace s4  }
0x96: {  	s4 =	sld [smem:$0x3FFD];
	_ =	sdelay $0x3  }
0x97: {  	_ =	strace s4  }
0x98: {  	_ =	strace $0x8FFFFFFF  }
0x99: {  	s19 =	sld [smem:$0x3FDB];
	_ =	sdelay $0x1  }
0x9a: {  	s5 =	simm.s32 $_scs_section_size  }
0x9b: {  	s6 =	simm.s32 $_size__tile_overlayer_lowered;
	s7 =	simm.s32 $_tile_overlayer_lowered  }
0x9c: {  	s22 =	simm.s32 $0x1BFF;
	s21 =	sshll.u32 s7, $0x1;
	s4 =	sadd.s32 s5, s19  }
0x9d: {  	s8 =	simm.s32 $0x0;
	s20 =	sshll.u32 s6, $0x1;
	s6 =	sadd.s32 s21, s4  }
0x9e: {  	[timem:s8], [sflag:s22] =	dma.local [hbm:s6], s20  }
0x9f: {  	_ =	swait.ge [sflag:s22], s20  }
0xa0: {  	s5 =	ssub.s32 $0x0, s20;
	[sflag:s22] =	ssyncset.done $0x0  }
0xa1: {  	[sflag:s22] =	ssyncadd.s32 s5;
	_ =	sdelay $0x1  }
0xa2: {  	s23 =	simm.s32 $0x1B8B  }
0xa3: {  	_ =	swait.ge [sflag:s23], $0x1  }
0xa4: {  	[sflag:s23] =	ssyncset.done $0x0  }
0xa5: {  	s25 =	simm.s32 $0x1B8E;
	s24 =	sld [smem:$0x3FFE];
	[sflag:s23] =	ssyncadd.s32 $0xFFFFFFFF  }
0xa6: {  	s26 =	simm.s32 $execute0_lowered;
	[smem:$0x3FD2] =	sst s25  }
0xa7: {  	s6 =	sshll.u32 s26, $0x1;
	_ =	strace $0x80000046;
	[dreg:$0x1] =	wrdreg $0xFFFFFFFF  }
0xa8: {  	s28 =	simm.s32 $_size_execute0_lowered;
	s4 =	sadd.s32 s4, s6;
	[dreg:$0x0] =	wrdreg $0x0  }
0xa9: {  	s6 =	sshll.u32 s28, $0x1;
	[dreg:$0x2] =	wrdreg s4  }
0xaa: {  	[dreg:$0x3] =	wrdreg s6  }
0xab: {  	[dreg:$0x4] =	wrdreg $0xC0  }
0xac: {  	_ =	task [dreg:s8], $0x5FFFF  }
0xad: {  	[dreg:$0x1] =	wrdreg $0xFFFFFFFF  }
0xae: {  	[dreg:$0x0] =	wrdreg $0x60  }
0xaf: {  	[dreg:$0x2] =	wrdreg s2  }
0xb0: {  	[dreg:$0x3] =	wrdreg s24  }
0xb1: {  	[dreg:$0x4] =	wrdreg s18  }
0xb2: {  	[dreg:$0x5] =	wrdreg $0x9  }
0xb3: {  	_ =	task.clear_ibuf [dreg:s8], $0x6FFFF;
	_ =	strace $0x90000046  }
0xb4: {  	s29 =	simm.s32 $0x9;
	_ =	strace $0x80000048  }
0xb5: {  	_ =	swait.ge [sflag:s29], $0x1  }
0xb6: {  	[sflag:s29] =	ssyncadd.s32 $0xFFFFFFFF  }
0xb7: {  	_ =	strace $0x90000048  }
0xb8: {  	_ =	sfence  }
0xb9: {  	s30 =	sld [smem:$0x0];
	_ =	sdelay $0x2  }
0xba: {  	s31 =	sshll.u32 s1, $0xD;
	s1 =	sshrl.u32 s1, $0x2  }
0xbb: {  	s3 =	sand.u32 $0x4000, s31;
	s1 =	sadd.s32 s1, s30  }
0xbc: {  	s0 =	sor.u32 s3, s0;
	s1 =	sshll.u32 s1, $0x11  }
0xbd: {  	s0 =	sor.u32 s1, s0  }
0xbe: {  	s0 =	sadd.s32 $0x8F2B, s0  }
0xbf: {  	[sflag:s0] =	ssyncadd.remote.s32 $0x1  }
0xc0: {  	_ =	sfence.sel $0xFFFF  }
0xc1: {  	[dreg:$0x0] =	wrdreg $0xFFFFFFFF;
	(pc) =	sbr.abs _section_cstart, $3  }
0xc2: {  	[dreg:$0x1] =	wrdreg $0xFFFFFFFF  }
0xc3: {  	_ =	task.clear_ibuf [dreg:s8], $0x2FFFF;
	_ =	strace $0x9FFFFFFF  }
0xc4: {  	(tm) =	ssettm $0x7FFFFFFF  }
0xc5: {  	_ =	shalt  }
tec
execute0_lowered:
.L_overlay_start_1:
0x0: {  	(tag) =	ssettag $0x1  }
0x1: {  	s1 =	srdreg.scid;
	s0 =	stileid.u32  }
0x2: {  	s1 =	sand.u32 $0x1, s1;
	s2 =	sshll.u32 s0, $0x1  }
0x3: {  	s3 =	sor.u32 s1, s2  }
0x4: {  	s4 =	rddreg [dreg:$0x1];
	s3 =	smul.u32 $0x90, s3  }
0x5: {  	s5 =	rddreg [dreg:$0x2]  }
0x6: {  	s2 =	rddreg [dreg:$0x0];
	s6 =	sshrl.u32 s3, $0x3;
	s3 =	simm.s32 $0x0  }
0x7: {  	s22 =	simm.s32 $0xC900;
	[smem:$0x7FF] =	sst s3  }
0x8: {  	s23 =	simm.s32 $0xD100;
	_ =	strace $0x80000047;
	[dreg:$0x7] =	wrdreg s22  }
0x9: {  	s24 =	simm.s32 $0xD900;
	[dreg:$0x8] =	wrdreg s23  }
0xa: {  	s25 =	simm.s32 $0xE100;
	[dreg:$0x9] =	wrdreg s24  }
0xb: {  	s26 =	simm.s32 $0xE900;
	[dreg:$0xa] =	wrdreg s25  }
0xc: {  	s0 =	simm.s32 $0xF100;
	[dreg:$0xb] =	wrdreg s26  }
0xd: {  	s8 =	simm.s32 $0x10900;
	s9 =	simm.s32 $0x11100;
	[dreg:$0xc] =	wrdreg s0  }
0xe: {  	s10 =	simm.s32 $0x11900;
	s11 =	simm.s32 $0x12100;
	[dreg:$0xf] =	wrdreg s8  }
0xf: {  	s12 =	simm.s32 $0x12900;
	s13 =	simm.s32 $0x13100;
	[dreg:$0x10] =	wrdreg s9  }
0x10: {  	s14 =	simm.s32 $0x13900;
	s16 =	simm.s32 $0x14100;
	[dreg:$0x11] =	wrdreg s10  }
0x11: {  	s17 =	simm.s32 $0x14900;
	s18 =	simm.s32 $0x15100;
	[dreg:$0x12] =	wrdreg s11  }
0x12: {  	s19 =	simm.s32 $0x16100;
	s20 =	simm.s32 $0x16900;
	[dreg:$0x13] =	wrdreg s12  }
0x13: {  	s28 =	simm.s32 $0xA100;
	s29 =	simm.s32 $0xA900;
	[dreg:$0x14] =	wrdreg s13  }
0x14: {  	s30 =	simm.s32 $0xB100;
	s1 =	ssub.s32 $0x2, s1;
	[dreg:$0x15] =	wrdreg s14  }
0x15: {  	s31 =	simm.s32 $0xB900;
	s15 =	sshrl.u32 s1, $0x1;
	[dreg:$0x16] =	wrdreg s16  }
0x16: {  	s1 =	ssub.s32 s1, s15;
	s15 =	simm.s32 $0xC100;
	[dreg:$0x17] =	wrdreg s17  }
0x17: {  	s7 =	smul.u32 $0x300, s6;
	s4 =	sadd.s32 s6, s4;
	[dreg:$0x18] =	wrdreg s18  }
0x18: {  	s6 =	sadd.s32 $0x13000, s4;
	s8 =	simm.s32 $0x15900;
	[dreg:$0x1a] =	wrdreg s19  }
0x19: {  	s9 =	simm.s32 $0x100;
	[dreg:$0x1b] =	wrdreg s20;
	s10 =	simm.s32 $0x900  }
0x1a: {  	s22 =	simm.s32 $0x17900;
	s11 =	simm.s32 $0x1100;
	s23 =	simm.s32 $0x3100  }
0x1b: {  	s12 =	simm.s32 $0x1900;
	s24 =	simm.s32 $0x3900;
	[dreg:$0x4] =	wrdreg s6  }
0x1c: {  	s13 =	simm.s32 $0x2100;
	s25 =	simm.s32 $0x4100;
	[dreg:$0x19] =	wrdreg s8  }
0x1d: {  	s14 =	simm.s32 $0x2900;
	s26 =	simm.s32 $0x4900;
	[dreg:$0x1d] =	wrdreg s22  }
0x1e: {  	s16 =	simm.s32 $0x1;
	s18 =	simm.s32 $0x5900;
	[dreg:$0x1e] =	wrdreg s23  }
0x1f: {  	s19 =	simm.s32 $0x6100;
	s20 =	simm.s32 $0x6900;
	[dreg:$0x1f] =	wrdreg s24  }
0x20: {  	s4 =	sadd.s32 s5, s7;
	s6 =	simm.s32 $0xF900;
	[smem:$0x7FC] =	sst s25  }
0x21: {  	s7 =	simm.s32 $0x10100;
	s8 =	simm.s32 $0x3;
	[smem:$0x7FD] =	sst s26  }
0x22: {  	s22 =	simm.s32 $0x7900;
	s23 =	simm.s32 $0x8100;
	s24 =	simm.s32 $0x8900  }
0x23: {  	s25 =	simm.s32 $0x9100;
	s26 =	simm.s32 $0x9900;
	[dreg:$0xd] =	wrdreg s6  }
0x24: {  	s5 =	sadd.s32 $0x600, s4;
	s21 =	sadd.s32 $0x1E00, s4;
	[dreg:$0xe] =	wrdreg s7  }
0x25: {  	v2 =	vlaneseq.u32;
	s6 =	sadd.s32 $0x200, s2;
	s7 =	smax.u32 s1, $0x1;
	[dreg:$0x5] =	wrdreg s5  }
0x26: {  	vm0 =	vmmov $0xffff;
	v1 =	vshrl.u32 v2, $0x3;
	s1 =	simm.s32 $0x2;
	[dreg:$0x6] =	wrdreg s21;
	s21 =	simm.s32 $0x17100  }
0x27: {  	v0 =	vand.u32 $0x7, v2;
	v2 =	vor.u32 $0x8, v2;
	v1 =	vmul.u32 $0x8, v1;
	s5 =	sadd.s32 $0x100, s2;
	[dreg:$0x1c] =	wrdreg s21;
	s21 =	simm.s32 $0x7100  }
.LBB2_1:
0x28: {  	s0 =	rddreg [dreg:$0x4]  }
0x29: {  	[tilespmem:s3], [sflag:$0x3] =	stream.linear.gather [hbm4b:s0+s3], $0x90, $0x38;
	[tilespmem:$0x18100] =	vst v63  }
0x2a: {  	_ =	swait.ge [sflag:s8], $0x90  }
0x2b: {  	[sflag:s8] =	ssyncset.done $0x0  }
0x2c: {  	[sflag:s8] =	ssyncadd.s32 $0xFFFFFF70  }
0x2d: {  	v3 =	vld [tilespmem:$0x0];
	_ =	sdelay $0x4  }
0x2e: {  	v4 =	vshrl.u32 v3, $0x3  }
0x2f: {  	v4 =	vmul.u32 $0x30, v4  }
0x30: {  	v3 =	vand.u32 $0x7, v3  }
0x31: {  	v3 =	vor.u32 v3, v4  }
0x32: {  	v4 =	vperm.xlane v3, v0;
	_ =	sdelay $0x1  }
0x33: {  	v4 =	vadd.s32 v1, v4;
	_ =	sdelay $0x3  }
0x34: {  	v3 =	vperm.xlane v3, v2  }
0x35: {  	[tilespmem:s9], [sflag:$0x1] =	stream.indirect_vreg.gather [hbm4b:s2+s3], $0x80, v4, vm0, $0xb8;
	[tilespmem:$0x18100] =	vst v63  }
0x36: {  	v3 =	vadd.s32 v1, v3  }
0x37: {  	[tilespmem:s10], [sflag:$0x1] =	stream.indirect_vreg.gather [hbm4b:s5+s3], $0x80, v4, vm0, $0xb8;
	[tilespmem:$0x18100] =	vst v63  }
0x38: {  	_ = 	snop  }
0x39: {  	[tilespmem:s11], [sflag:$0x1] =	stream.indirect_vreg.gather [hbm4b:s6+s3], $0x80, v4, vm0, $0xb8;
	[tilespmem:$0x18100] =	vst v63  }
0x3a: {  	_ = 	snop  }
0x3b: {  	[tilespmem:s12], [sflag:$0x1] =	stream.indirect_vreg.gather [hbm4b:s2+s3], $0x80, v3, vm0, $0xb8;
	[tilespmem:$0x18100] =	vst v63  }
0x3c: {  	_ = 	snop  }
0x3d: {  	[tilespmem:s13], [sflag:$0x1] =	stream.indirect_vreg.gather [hbm4b:s5+s3], $0x80, v3, vm0, $0xb8;
	[tilespmem:$0x18100] =	vst v63  }
0x3e: {  	_ = 	snop  }
0x3f: {  	[tilespmem:s14], [sflag:$0x1] =	stream.indirect_vreg.gather [hbm4b:s6+s3], $0x80, v3, vm0, $0xb8;
	[tilespmem:$0x18100] =	vst v63  }
0x40: {  	v3 =	vld [tilespmem:$0x10];
	_ =	sdelay $0x4  }
0x41: {  	v56 =	vshrl.u32 v3, $0x3  }
0x42: {  	v4 =	vmul.u32 $0x30, v56  }
0x43: {  	v3 =	vand.u32 $0x7, v3  }
0x44: {  	v3 =	vor.u32 v3, v4  }
0x45: {  	v4 =	vperm.xlane v3, v0;
	_ =	sdelay $0x1  }
0x46: {  	v4 =	vadd.s32 v1, v4;
	_ =	sdelay $0x3  }
0x47: {  	v3 =	vperm.xlane v3, v2  }
0x48: {  	[tilespmem:s15], [sflag:$0x2] =	stream.indirect_vreg.gather [hbm4b:s2+s3], $0x80, v4, vm0, $0xb8;
	[tilespmem:$0x18100] =	vst v63  }
0x49: {  	s0 =	rddreg [dreg:$0x7];
	v3 =	vadd.s32 v1, v3  }
0x4a: {  	[tilespmem:s0], [sflag:$0x2] =	stream.indirect_vreg.gather [hbm4b:s5+s3], $0x80, v4, vm0, $0xb8;
	[tilespmem:$0x18100] =	vst v63  }
0x4b: {  	s17 =	rddreg [dreg:$0x8]  }
0x4c: {  	[tilespmem:s17], [sflag:$0x2] =	stream.indirect_vreg.gather [hbm4b:s6+s3], $0x80, v4, vm0, $0xb8;
	[tilespmem:$0x18100] =	vst v63  }
0x4d: {  	s0 =	rddreg [dreg:$0x9]  }
0x4e: {  	[tilespmem:s0], [sflag:$0x2] =	stream.indirect_vreg.gather [hbm4b:s2+s3], $0x80, v3, vm0, $0xb8;
	[tilespmem:$0x18100] =	vst v63  }
0x4f: {  	s17 =	rddreg [dreg:$0xa]  }
0x50: {  	[tilespmem:s17], [sflag:$0x2] =	stream.indirect_vreg.gather [hbm4b:s5+s3], $0x80, v3, vm0, $0xb8;
	[tilespmem:$0x18100] =	vst v63  }
0x51: {  	s0 =	rddreg [dreg:$0xb]  }
0x52: {  	[tilespmem:s0], [sflag:$0x2] =	stream.indirect_vreg.gather [hbm4b:s6+s3], $0x80, v3, vm0, $0xb8;
	[tilespmem:$0x18100] =	vst v63  }
0x53: {  	v3 =	vld [tilespmem:$0x20];
	_ =	sdelay $0x4  }
0x54: {  	v57 =	vshrl.u32 v3, $0x3  }
0x55: {  	v4 =	vmul.u32 $0x30, v57  }
0x56: {  	v3 =	vand.u32 $0x7, v3  }
0x57: {  	v3 =	vor.u32 v3, v4  }
0x58: {  	v4 =	vperm.xlane v3, v0;
	_ =	sdelay $0x1  }
0x59: {  	v4 =	vadd.s32 v1, v4;
	_ =	sdelay $0x3  }
0x5a: {  	s0 =	rddreg [dreg:$0xc];
	v3 =	vperm.xlane v3, v2  }
0x5b: {  	[tilespmem:s0], [sflag:$0x2] =	stream.indirect_vreg.gather [hbm4b:s2+s3], $0x80, v4, vm0, $0xb8;
	[tilespmem:$0x18100] =	vst v63  }
0x5c: {  	s17 =	rddreg [dreg:$0xd];
	v3 =	vadd.s32 v1, v3  }
0x5d: {  	[tilespmem:s17], [sflag:$0x2] =	stream.indirect_vreg.gather [hbm4b:s5+s3], $0x80, v4, vm0, $0xb8;
	[tilespmem:$0x18100] =	vst v63  }
0x5e: {  	s0 =	rddreg [dreg:$0xe]  }
0x5f: {  	[tilespmem:s0], [sflag:$0x2] =	stream.indirect_vreg.gather [hbm4b:s6+s3], $0x80, v4, vm0, $0xb8;
	[tilespmem:$0x18100] =	vst v63  }
0x60: {  	s17 =	rddreg [dreg:$0xf]  }
0x61: {  	[tilespmem:s17], [sflag:$0x2] =	stream.indirect_vreg.gather [hbm4b:s2+s3], $0x80, v3, vm0, $0xb8;
	[tilespmem:$0x18100] =	vst v63  }
0x62: {  	s0 =	rddreg [dreg:$0x10]  }
0x63: {  	[tilespmem:s0], [sflag:$0x2] =	stream.indirect_vreg.gather [hbm4b:s5+s3], $0x80, v3, vm0, $0xb8;
	[tilespmem:$0x18100] =	vst v63  }
0x64: {  	s17 =	rddreg [dreg:$0x11]  }
0x65: {  	[tilespmem:s17], [sflag:$0x2] =	stream.indirect_vreg.gather [hbm4b:s6+s3], $0x80, v3, vm0, $0xb8;
	[tilespmem:$0x18100] =	vst v63  }
0x66: {  	v3 =	vld [tilespmem:$0x30];
	_ =	sdelay $0x4  }
0x67: {  	v58 =	vshrl.u32 v3, $0x3  }
0x68: {  	v4 =	vmul.u32 $0x30, v58  }
0x69: {  	v3 =	vand.u32 $0x7, v3  }
0x6a: {  	v3 =	vor.u32 v3, v4  }
0x6b: {  	v4 =	vperm.xlane v3, v0;
	_ =	sdelay $0x1  }
0x6c: {  	v4 =	vadd.s32 v1, v4;
	_ =	sdelay $0x3  }
0x6d: {  	s0 =	rddreg [dreg:$0x12];
	v3 =	vperm.xlane v3, v2  }
0x6e: {  	[tilespmem:s0], [sflag:$0x2] =	stream.indirect_vreg.gather [hbm4b:s2+s3], $0x80, v4, vm0, $0xb8;
	[tilespmem:$0x18100] =	vst v63  }
0x6f: {  	s17 =	rddreg [dreg:$0x13];
	v3 =	vadd.s32 v1, v3  }
0x70: {  	[tilespmem:s17], [sflag:$0x2] =	stream.indirect_vreg.gather [hbm4b:s5+s3], $0x80, v4, vm0, $0xb8;
	[tilespmem:$0x18100] =	vst v63  }
0x71: {  	s0 =	rddreg [dreg:$0x14]  }
0x72: {  	[tilespmem:s0], [sflag:$0x2] =	stream.indirect_vreg.gather [hbm4b:s6+s3], $0x80, v4, vm0, $0xb8;
	[tilespmem:$0x18100] =	vst v63  }
0x73: {  	s17 =	rddreg [dreg:$0x15]  }
0x74: {  	[tilespmem:s17], [sflag:$0x2] =	stream.indirect_vreg.gather [hbm4b:s2+s3], $0x80, v3, vm0, $0xb8;
	[tilespmem:$0x18100] =	vst v63  }
0x75: {  	s0 =	rddreg [dreg:$0x16]  }
0x76: {  	[tilespmem:s0], [sflag:$0x2] =	stream.indirect_vreg.gather [hbm4b:s5+s3], $0x80, v3, vm0, $0xb8;
	[tilespmem:$0x18100] =	vst v63  }
0x77: {  	s17 =	rddreg [dreg:$0x17]  }
0x78: {  	[tilespmem:s17], [sflag:$0x2] =	stream.indirect_vreg.gather [hbm4b:s6+s3], $0x80, v3, vm0, $0xb8;
	[tilespmem:$0x18100] =	vst v63  }
0x79: {  	v3 =	vld [tilespmem:$0x40];
	_ =	sdelay $0x4  }
0x7a: {  	v59 =	vshrl.u32 v3, $0x3  }
0x7b: {  	v4 =	vmul.u32 $0x30, v59  }
0x7c: {  	v3 =	vand.u32 $0x7, v3  }
0x7d: {  	v3 =	vor.u32 v3, v4  }
0x7e: {  	v4 =	vperm.xlane v3, v0;
	_ =	sdelay $0x1  }
0x7f: {  	v4 =	vadd.s32 v1, v4;
	_ =	sdelay $0x3  }
0x80: {  	s0 =	rddreg [dreg:$0x18];
	v3 =	vperm.xlane v3, v2  }
0x81: {  	[tilespmem:s0], [sflag:$0x2] =	stream.indirect_vreg.gather [hbm4b:s2+s3], $0x80, v4, vm0, $0xb8;
	[tilespmem:$0x18100] =	vst v63  }
0x82: {  	s17 =	rddreg [dreg:$0x19];
	v3 =	vadd.s32 v1, v3  }
0x83: {  	[tilespmem:s17], [sflag:$0x2] =	stream.indirect_vreg.gather [hbm4b:s5+s3], $0x80, v4, vm0, $0xb8;
	[tilespmem:$0x18100] =	vst v63  }
0x84: {  	s0 =	rddreg [dreg:$0x1a]  }
0x85: {  	[tilespmem:s0], [sflag:$0x2] =	stream.indirect_vreg.gather [hbm4b:s6+s3], $0x80, v4, vm0, $0xb8;
	[tilespmem:$0x18100] =	vst v63  }
0x86: {  	s17 =	rddreg [dreg:$0x1b]  }
0x87: {  	[tilespmem:s17], [sflag:$0x2] =	stream.indirect_vreg.gather [hbm4b:s2+s3], $0x80, v3, vm0, $0xb8;
	[tilespmem:$0x18100] =	vst v63  }
0x88: {  	s0 =	rddreg [dreg:$0x1c]  }
0x89: {  	[tilespmem:s0], [sflag:$0x2] =	stream.indirect_vreg.gather [hbm4b:s5+s3], $0x80, v3, vm0, $0xb8;
	[tilespmem:$0x18100] =	vst v63  }
0x8a: {  	s17 =	rddreg [dreg:$0x1d]  }
0x8b: {  	[tilespmem:s17], [sflag:$0x2] =	stream.indirect_vreg.gather [hbm4b:s6+s3], $0x80, v3, vm0, $0xb8;
	[tilespmem:$0x18100] =	vst v63  }
0x8c: {  	_ =	swait.ge [sflag:s16], $0x3000  }
0x8d: {  	[sflag:s16] =	ssyncset.done $0x0  }
0x8e: {  	[sflag:s16] =	ssyncadd.s32 $0xFFFFD000  }
0x8f: {  	[hbm4b:s4+s3] =	stream.linear.scatter [tilespmem:s9], [sflag:$0x3], $0x3000, $0x38;
	[tilespmem:$0x18100] =	vst v63  }
0x90: {  	_ =	swait.ge [sflag:s8], $0x3000  }
0x91: {  	[sflag:s8] =	ssyncset.done $0x0  }
0x92: {  	[sflag:s8] =	ssyncadd.s32 $0xFFFFD000  }
0x93: {  	v3 =	vld [tilespmem:$0x50];
	_ =	sdelay $0x4  }
0x94: {  	v60 =	vshrl.u32 v3, $0x3  }
0x95: {  	v4 =	vmul.u32 $0x30, v60  }
0x96: {  	v3 =	vand.u32 $0x7, v3  }
0x97: {  	v3 =	vor.u32 v3, v4  }
0x98: {  	v4 =	vperm.xlane v3, v0;
	_ =	sdelay $0x1  }
0x99: {  	v4 =	vadd.s32 v1, v4;
	_ =	sdelay $0x3  }
0x9a: {  	v3 =	vperm.xlane v3, v2  }
0x9b: {  	[tilespmem:s9], [sflag:$0x1] =	stream.indirect_vreg.gather [hbm4b:s2+s3], $0x80, v4, vm0, $0xb8;
	[tilespmem:$0x18100] =	vst v63  }
0x9c: {  	v3 =	vadd.s32 v1, v3  }
0x9d: {  	[tilespmem:s10], [sflag:$0x1] =	stream.indirect_vreg.gather [hbm4b:s5+s3], $0x80, v4, vm0, $0xb8;
	[tilespmem:$0x18100] =	vst v63  }
0x9e: {  	_ = 	snop  }
0x9f: {  	[tilespmem:s11], [sflag:$0x1] =	stream.indirect_vreg.gather [hbm4b:s6+s3], $0x80, v4, vm0, $0xb8;
	[tilespmem:$0x18100] =	vst v63  }
0xa0: {  	_ = 	snop  }
0xa1: {  	[tilespmem:s12], [sflag:$0x1] =	stream.indirect_vreg.gather [hbm4b:s2+s3], $0x80, v3, vm0, $0xb8;
	[tilespmem:$0x18100] =	vst v63  }
0xa2: {  	_ = 	snop  }
0xa3: {  	[tilespmem:s13], [sflag:$0x1] =	stream.indirect_vreg.gather [hbm4b:s5+s3], $0x80, v3, vm0, $0xb8;
	[tilespmem:$0x18100] =	vst v63  }
0xa4: {  	_ = 	snop  }
0xa5: {  	[tilespmem:s14], [sflag:$0x1] =	stream.indirect_vreg.gather [hbm4b:s6+s3], $0x80, v3, vm0, $0xb8;
	[tilespmem:$0x18100] =	vst v63  }
0xa6: {  	v3 =	vld [tilespmem:$0x60];
	_ =	sdelay $0x4  }
0xa7: {  	v61 =	vshrl.u32 v3, $0x3  }
0xa8: {  	v4 =	vmul.u32 $0x30, v61  }
0xa9: {  	v3 =	vand.u32 $0x7, v3  }
0xaa: {  	v3 =	vor.u32 v3, v4  }
0xab: {  	v4 =	vperm.xlane v3, v0;
	_ =	sdelay $0x1  }
0xac: {  	v4 =	vadd.s32 v1, v4;
	_ =	sdelay $0x2  }
0xad: {  	s0 =	rddreg [dreg:$0x1e]  }
0xae: {  	s17 =	rddreg [dreg:$0x1f];
	v3 =	vperm.xlane v3, v2  }
0xaf: {  	[tilespmem:s0], [sflag:$0x1] =	stream.indirect_vreg.gather [hbm4b:s2+s3], $0x80, v4, vm0, $0xb8;
	[tilespmem:$0x18100] =	vst v63  }
0xb0: {  	v3 =	vadd.s32 v1, v3;
	s0 =	sld [smem:$0x7FC]  }
0xb1: {  	[tilespmem:s17], [sflag:$0x1] =	stream.indirect_vreg.gather [hbm4b:s5+s3], $0x80, v4, vm0, $0xb8;
	[tilespmem:$0x18100] =	vst v63  }
0xb2: {  	s17 =	sld [smem:$0x7FD]  }
0xb3: {  	[tilespmem:s0], [sflag:$0x1] =	stream.indirect_vreg.gather [hbm4b:s6+s3], $0x80, v4, vm0, $0xb8;
	[tilespmem:$0x18100] =	vst v63  }
0xb4: {  	_ = 	snop  }
0xb5: {  	[tilespmem:s17], [sflag:$0x1] =	stream.indirect_vreg.gather [hbm4b:s2+s3], $0x80, v3, vm0, $0xb8;
	[tilespmem:$0x18100] =	vst v63  }
0xb6: {  	s17 =	simm.s32 $0x5100  }
0xb7: {  	[tilespmem:s17], [sflag:$0x1] =	stream.indirect_vreg.gather [hbm4b:s5+s3], $0x80, v3, vm0, $0xb8;
	[tilespmem:$0x18100] =	vst v63  }
0xb8: {  	_ = 	snop  }
0xb9: {  	[tilespmem:s18], [sflag:$0x1] =	stream.indirect_vreg.gather [hbm4b:s6+s3], $0x80, v3, vm0, $0xb8;
	[tilespmem:$0x18100] =	vst v63  }
0xba: {  	v3 =	vld [tilespmem:$0x70];
	_ =	sdelay $0x4  }
0xbb: {  	v62 =	vshrl.u32 v3, $0x3  }
0xbc: {  	v4 =	vmul.u32 $0x30, v62  }
0xbd: {  	v3 =	vand.u32 $0x7, v3  }
0xbe: {  	v3 =	vor.u32 v3, v4  }
0xbf: {  	v4 =	vperm.xlane v3, v0;
	_ =	sdelay $0x1  }
0xc0: {  	v4 =	vadd.s32 v1, v4;
	_ =	sdelay $0x3  }
0xc1: {  	v3 =	vperm.xlane v3, v2  }
0xc2: {  	[tilespmem:s19], [sflag:$0x1] =	stream.indirect_vreg.gather [hbm4b:s2+s3], $0x80, v4, vm0, $0xb8;
	[tilespmem:$0x18100] =	vst v63  }
0xc3: {  	v3 =	vadd.s32 v1, v3  }
0xc4: {  	[tilespmem:s20], [sflag:$0x1] =	stream.indirect_vreg.gather [hbm4b:s5+s3], $0x80, v4, vm0, $0xb8;
	[tilespmem:$0x18100] =	vst v63  }
0xc5: {  	_ = 	snop  }
0xc6: {  	[tilespmem:s21], [sflag:$0x1] =	stream.indirect_vreg.gather [hbm4b:s6+s3], $0x80, v4, vm0, $0xb8;
	[tilespmem:$0x18100] =	vst v63  }
0xc7: {  	_ = 	snop  }
0xc8: {  	[tilespmem:s22], [sflag:$0x1] =	stream.indirect_vreg.gather [hbm4b:s2+s3], $0x80, v3, vm0, $0xb8;
	[tilespmem:$0x18100] =	vst v63  }
0xc9: {  	_ = 	snop  }
0xca: {  	[tilespmem:s23], [sflag:$0x1] =	stream.indirect_vreg.gather [hbm4b:s5+s3], $0x80, v3, vm0, $0xb8;
	[tilespmem:$0x18100] =	vst v63  }
0xcb: {  	_ = 	snop  }
0xcc: {  	[tilespmem:s24], [sflag:$0x1] =	stream.indirect_vreg.gather [hbm4b:s6+s3], $0x80, v3, vm0, $0xb8;
	[tilespmem:$0x18100] =	vst v63  }
0xcd: {  	v3 =	vld [tilespmem:$0x80];
	_ =	sdelay $0x4  }
0xce: {  	v63 =	vshrl.u32 v3, $0x3  }
0xcf: {  	v4 =	vmul.u32 $0x30, v63  }
0xd0: {  	v3 =	vand.u32 $0x7, v3  }
0xd1: {  	v3 =	vor.u32 v3, v4  }
0xd2: {  	v4 =	vperm.xlane v3, v0;
	_ =	sdelay $0x1  }
0xd3: {  	v4 =	vadd.s32 v1, v4;
	_ =	sdelay $0x3  }
0xd4: {  	v3 =	vperm.xlane v3, v2  }
0xd5: {  	[tilespmem:s25], [sflag:$0x1] =	stream.indirect_vreg.gather [hbm4b:s2+s3], $0x80, v4, vm0, $0xb8;
	[tilespmem:$0x18100] =	vst v63  }
0xd6: {  	v3 =	vadd.s32 v1, v3  }
0xd7: {  	[tilespmem:s26], [sflag:$0x1] =	stream.indirect_vreg.gather [hbm4b:s5+s3], $0x80, v4, vm0, $0xb8;
	[tilespmem:$0x18100] =	vst v63  }
0xd8: {  	_ = 	snop  }
0xd9: {  	[tilespmem:s28], [sflag:$0x1] =	stream.indirect_vreg.gather [hbm4b:s6+s3], $0x80, v4, vm0, $0xb8;
	[tilespmem:$0x18100] =	vst v63  }
0xda: {  	_ = 	snop  }
0xdb: {  	[tilespmem:s29], [sflag:$0x1] =	stream.indirect_vreg.gather [hbm4b:s2+s3], $0x80, v3, vm0, $0xb8;
	[tilespmem:$0x18100] =	vst v63  }
0xdc: {  	_ = 	snop  }
0xdd: {  	[tilespmem:s30], [sflag:$0x1] =	stream.indirect_vreg.gather [hbm4b:s5+s3], $0x80, v3, vm0, $0xb8;
	[tilespmem:$0x18100] =	vst v63  }
0xde: {  	_ = 	snop  }
0xdf: {  	[tilespmem:s31], [sflag:$0x1] =	stream.indirect_vreg.gather [hbm4b:s6+s3], $0x80, v3, vm0, $0xb8;
	[tilespmem:$0x18100] =	vst v63  }
0xe0: {  	_ =	swait.ge [sflag:s1], $0xC000  }
0xe1: {  	[sflag:s1] =	ssyncset.done $0x0  }
0xe2: {  	s17 =	rddreg [dreg:$0x5];
	[sflag:s1] =	ssyncadd.s32 $0xFFFF4000  }
0xe3: {  	[hbm4b:s17+s3] =	stream.linear.scatter [tilespmem:s15], [sflag:$0x3], $0xC000, $0x38;
	[tilespmem:$0x18100] =	vst v63  }
0xe4: {  	_ =	swait.ge [sflag:s8], $0xC000  }
0xe5: {  	[sflag:s8] =	ssyncset.done $0x0  }
0xe6: {  	[sflag:s8] =	ssyncadd.s32 $0xFFFF4000  }
0xe7: {  	_ =	swait.ge [sflag:s16], $0xC000  }
0xe8: {  	p0 =	sne.s32 s7, $0x1;
	[sflag:s16] =	ssyncset.done $0x0  }
.Ltmp0:
0xe9: {  	s17 =	rddreg [dreg:$0x6];
	[sflag:s16] =	ssyncadd.s32 $0xFFFF4000;
	(pc) =	sbr.rel @p0 .LBB2_1-.Ltmp0, $4  }
0xea: {  	[hbm4b:s17+s3] =	stream.linear.scatter [tilespmem:s9], [sflag:$0x3], $0xC000, $0x38;
	[tilespmem:$0x18100] =	vst v63  }
0xeb: {  	_ =	swait.ge [sflag:s8], $0xC000  }
0xec: {  	[sflag:s8] =	ssyncset.done $0x0  }
0xed: {  	s7 =	sadd.s32 $0xFFFFFFFF, s7;
	[sflag:s8] =	ssyncadd.s32 $0xFFFF4000  }
0xee: {  	_ =	sfence.sel $0x180000  }
0xef: {  	[bflag:$0x0] =	sbarrier.arrive $0xFFFF  }
0xf0: {  	_ =	strace $0x90000047  }
0xf1: {  	s0 =	stileid.u32;
	[bflag:$0x2] =	sbarrier.arrive $0xFFFF  }
0xf2: {  	p0 =	sne.s32 s0, $0x0;
	s0 =	rddreg [dreg:$0x3]  }
0xf3: {  	s0 =	sadd.s32 @!p0 $0x100000, s0  }
0xf4: {  	[sflag:s0] =	ssyncadd.tile.s32 @!p0 $0x1;
	_ =	shalt  }
.Lfunc_end2:
_tile_overlayer_lowered:
.L_overlay_start_2:
0xf5: {  	(tag) =	ssettag $0x2  }
0xf6: {  	s0 =	rddreg [dreg:$0x0];
	s2 =	stileid.u32  }
0xf7: {  	s1 =	rddreg [dreg:$0x1];
	p0 =	sne.s32 s2, $0x0  }
0xf8: {  	s3 =	rddreg [dreg:$0x2];
	[bflag:$0x3] =	sbarrier.arrive $0xFFFF;
	s2 =	simm.s32 @!p0 $0x1C03  }
0xf9: {  	[timem:s3], [sflag:s2] =	dma.local @!p0 [hbm:s0], s1  }
0xfa: {  	s0 =	simm.s32 @!p0 $0x3  }
0xfb: {  	_ =	swait.ge @!p0 [sflag:s0], s1  }
0xfc: {  	s1 =	ssub.s32 @!p0 $0x0, s1;
	[sflag:s0] =	ssyncset.done @!p0 $0x0  }
0xfd: {  	[sflag:s0] =	ssyncadd.s32 @!p0 s1  }
0xfe: {  	[bflag:$0x3] =	sbarrier.arrive $0xFFFF  }
0xff: {  	_ =	shalt  }

</sc_bundles>
